<compile_context>
chip_gen: v7x
topology: tpu7x:2x2x1
jax: 0.10.2.dev20260603
libtpu: 0.0.44.dev20260713+nightly
codegen_flags: <defaults>
</compile_context>

<pallas_src>
import functools

import jax
import jax.numpy as jnp
from jax import lax
from jax.experimental import pallas as pl
from jax.experimental.pallas import tpu as pltpu
from jax.experimental.pallas import tpu_sc as plsc

_L = 16


def _ce(ak, av, bk, bv):
    pred = ak <= bk
    lo_k = jnp.minimum(ak, bk)
    hi_k = jnp.maximum(ak, bk)
    lo_v = jnp.where(pred, av, bv)
    hi_v = jnp.where(pred, bv, av)
    return lo_k, lo_v, hi_k, hi_v


def _rev(x):
    return lax.rev(x, dimensions=(0,))


def _bitonic_cleanup(K, V):
    m = len(K)
    d = m // 2
    while d >= 1:
        for b in range(0, m, 2 * d):
            for i in range(b, b + d):
                K[i], V[i], K[i + d], V[i + d] = _ce(K[i], V[i], K[i + d], V[i + d])
        d //= 2
    for i in range(m):
        K[i], V[i] = plsc.sort_key_val(K[i], V[i])
    return K, V


def _merge(KA, VA, KB, VB):
    m = len(KA)
    RK = [_rev(KB[m - 1 - i]) for i in range(m)]
    RV = [_rev(VB[m - 1 - i]) for i in range(m)]
    LK, LV, HK, HV = [], [], [], []
    for i in range(m):
        lk, lv, hk, hv = _ce(KA[i], VA[i], RK[i], RV[i])
        LK.append(lk)
        LV.append(lv)
        HK.append(hk)
        HV.append(hv)
    LK, LV = _bitonic_cleanup(LK, LV)
    HK, HV = _bitonic_cleanup(HK, HV)
    return LK + HK, LV + HV


def _sort_column(K, V):
    n = len(K)
    for i in range(n):
        K[i], V[i] = plsc.sort_key_val(K[i], V[i])
    m = 1
    while m < n:
        KK, VV = [], []
        for b in range(0, n, 2 * m):
            mk, mv = _merge(K[b:b + m], V[b:b + m], K[b + m:b + 2 * m], V[b + m:b + 2 * m])
            KK += mk
            VV += mv
        K, V = KK, VV
        m *= 2
    return K, V


def _make_sc_kernel(H, S, D):
    NC, NS = 2, 16
    NV = S // _L
    assert S % _L == 0 and H % NC == 0
    cols_per_core = (H // NC) * D
    cpw = cols_per_core // NS
    assert cols_per_core % NS == 0

    mesh = plsc.VectorSubcoreMesh(
        core_axis_name="c", subcore_axis_name="s", num_cores=NC, num_subcores=NS
    )

    @functools.partial(
        pl.kernel,
        out_type=jax.ShapeDtypeStruct((H * D, S), jnp.float32),
        mesh=mesh,
        scratch_types=[
            pltpu.VMEM((S,), jnp.float32),
            pltpu.VMEM((cpw * S,), jnp.float32),
            pltpu.VMEM((S,), jnp.int32),
            pltpu.VMEM((S,), jnp.float32),
            pltpu.VMEM_SHARED((cols_per_core, S), jnp.int32),
        ],
        compiler_params=pltpu.CompilerParams(needs_layout_passes=False),
    )
    def kern(v_ref, out_ref, col_buf, sv_all, idx_buf, out_buf, pi_sh):
        c = lax.axis_index("c")
        s_id = lax.axis_index("s")
        base_local = s_id * cpw
        core_base = c * cols_per_core

        def phase1(j, carry):
            lcol = base_local + j
            gcol = core_base + lcol
            pltpu.sync_copy(v_ref.at[gcol], col_buf)
            K = [col_buf[pl.ds(_L * i, _L)] for i in range(NV)]
            iota = lax.iota(jnp.int32, _L)
            V = [iota + _L * i for i in range(NV)]
            K, V = _sort_column(K, V)
            for i in range(NV):
                sv_all[pl.ds(j * S + _L * i, _L)] = K[i]
                idx_buf[pl.ds(_L * i, _L)] = V[i]
            pltpu.sync_copy(idx_buf, pi_sh.at[lcol])
            return carry

        lax.fori_loop(0, cpw, phase1, 0)
        plsc.subcore_barrier()

        def phase2(j, carry):
            lcol = base_local + j
            gcol = core_base + lcol
            h_loc = lax.div(lcol, D)
            d = lax.rem(lcol, D)
            for kk in (1, 2, 3):
                nb = h_loc * D + lax.rem(d + kk, D)
                pltpu.sync_copy(pi_sh.at[nb], idx_buf)
                for r in range(NV):
                    idxv = idx_buf[pl.ds(_L * r, _L)]
                    val = sv_all[pl.ds(j * S + _L * r, _L)]
                    if kk == 1:
                        plsc.store_scatter(out_buf, [idxv], val)
                    else:
                        plsc.addupdate_scatter(out_buf, [idxv], val)
            pltpu.sync_copy(out_buf, out_ref.at[gcol])
            return carry

        lax.fori_loop(0, cpw, phase2, 0)

    return kern


def kernel(q, k, v):
    del q, k
    B, H, S, D = v.shape
    vT = jnp.transpose(v, (0, 1, 3, 2)).reshape(B * H * D, S)
    kern = _make_sc_kernel(B * H, S, D)
    outT = kern(vT)
    out = jnp.transpose(outT.reshape(B, H, D, S), (0, 1, 3, 2))
    return (out, out)

# --- scband reference (transcript-rebuilt; emitter-appended) ---
"""Pipeline reference for scband-swd11-28449863369555 (READ-ONLY COPY).

The authoritative reference and input builder live on the scoring server;
editing this copy changes nothing except your own understanding.
"""

import jax, jax.numpy as jnp
import numpy as np


def setup_inputs(seed: int = 0) -> dict:
    key = jax.random.key(seed)
    kq, kk, kv = jax.random.split(key, 3)
    B, H, S, D = 1, 12, 256, 64
    q = jax.random.normal(kq, (B, H, S, D), dtype=jnp.float32)
    k = jax.random.normal(kk, (B, H, S, D), dtype=jnp.float32)
    v = jax.random.normal(kv, (B, H, S, D), dtype=jnp.float32)
    return {"q": q, "k": k, "v": v}


def reference(q, k, v):
    # Cross-Multi-Feature Sparse Attention (SWD11). q and k are unused by the
    # original torch forward; only v drives the computation.
    v_len = v.shape[-2]
    K = 3
    # torch: v_sorted, v_indices = v.sort(dim=-2)
    v_indices = jnp.argsort(v, axis=-2)  # [B,H,S,D] int32, permutation along seq per feature
    # torch: F.one_hot(v_indices) -> num_classes = S since indices are a full permutation
    v_onehot = jax.nn.one_hot(v_indices, v_len, dtype=jnp.int32)  # [B,H,S,D,S]
    P = None
    for kk_ in range(1, K + 1):
        # rotate feature dim by kk_
        vk_indices = jnp.concatenate([v_indices[..., kk_:], v_indices[..., :kk_]], axis=-1)
        # torch: _, vk_indices_T = vk_indices.sort(dim=-2)  (inverse permutation)
        vk_indices_T = jnp.argsort(vk_indices, axis=-2)  # [B,H,S,D]
        # torch: unsqueeze(-1).repeat(..., v_len) then gather along dim=2
        idx = jnp.broadcast_to(vk_indices_T[..., None], v_onehot.shape)  # [B,H,S,D,S]
        vk_onehot = jnp.take_along_axis(v_onehot, idx, axis=2)
        P = vk_onehot if kk_ == 1 else P + vk_onehot
    P = jnp.transpose(P, (0, 1, 3, 2, 4)).astype(jnp.float32)  # [B,H,D,S,S]
    vv = jnp.transpose(v[..., None], (0, 1, 3, 2, 4))  # [B,H,D,S,1]
    out = jnp.matmul(P, vv)[..., 0]  # [B,H,D,S]
    out = jnp.transpose(out, (0, 1, 3, 2))  # [B,H,S,D]
    return (out, out)

if __name__ == "__main__":
    import jax
    _d = setup_inputs()
    print(jax.jit(kernel)(*tuple(_d.values())))

</pallas_src>

<mosaic_0001>
#map = affine_map<(d0, d1) -> (0, 0)>
module attributes {stable_mosaic.version = 14 : i64} {
  func.func @kern(%arg0: i32, %arg1: i32, %arg2: memref<768x256xf32, #tpu.memory_space<hbm>>, %arg3: memref<768x256xf32, #tpu.memory_space<hbm>>, %arg4: memref<256xf32, #tpu.memory_space<vmem>>, %arg5: memref<6144xf32, #tpu.memory_space<vmem>>, %arg6: memref<256xi32, #tpu.memory_space<vmem>>, %arg7: memref<256xf32, #tpu.memory_space<vmem>>, %arg8: memref<384x256xi32, #tpu.memory_space<vmem_shared>>) attributes {dimension_semantics = [#tpu.dimension_semantics<core_parallel>, #tpu.dimension_semantics<subcore_parallel>], iteration_bounds = array<i64: 2, 16>, scalar_prefetch = 0 : i64, scratch_operands = 5 : i64, tpu.core_type = #tpu.core_type<sc_vector_subcore>, window_params = [{transform_indices = #map}, {transform_indices = #map}]} {
    %mul3A = arith.constant 24 : i32
    %mul3A_0 = arith.muli %arg1, %mul3A : i32
    %mul3A_1 = arith.constant 384 : i32
    %mul3A_2 = arith.muli %arg0, %mul3A_1 : i32
    %scan3A = arith.constant 0 : i32
    %scan3A_3 = arith.constant 0 : i32
    %scan3A_4 = arith.constant 24 : i32
    %scan3A_5 = arith.addi %scan3A_3, %scan3A_4 : i32
    %scan3A_6 = arith.constant 1 : i32
    scf.for %scan3A_14 = %scan3A_3 to %scan3A_5 step %scan3A_6  : i32 {
      %add3A = arith.addi %mul3A_0, %scan3A_14 : i32
      %add3A_15 = arith.addi %mul3A_2, %add3A : i32
      "tpu.region"() ({
        %run_scoped3A = tpu.sem_alloc : memref<!tpu.dma_semaphore, #tpu.memory_space<semaphore_mem>>
        %dma_start3A = arith.constant 0 : i32
        %dma_start3A_1256 = tpu.memref_slice %arg2[%add3A_15, %dma_start3A] : memref<768x256xf32, #tpu.memory_space<hbm>> -> memref<1x256xf32, #tpu.memory_space<hbm>>
        %dma_start3A_1257 = tpu.memref_squeeze %dma_start3A_1256 : memref<1x256xf32, #tpu.memory_space<hbm>> -> memref<256xf32, #tpu.memory_space<hbm>>
        %dma_start3A_1258 = arith.constant 0 : i32
        %dma_start3A_1259 = tpu.memref_slice %arg2[%add3A_15, %dma_start3A_1258] : memref<768x256xf32, #tpu.memory_space<hbm>> -> memref<1x256xf32, #tpu.memory_space<hbm>>
        %dma_start3A_1260 = tpu.memref_squeeze %dma_start3A_1259 : memref<1x256xf32, #tpu.memory_space<hbm>> -> memref<256xf32, #tpu.memory_space<hbm>>
        tpu.enqueue_dma source(%dma_start3A_1260 : memref<256xf32, #tpu.memory_space<hbm>>) target(%arg4 : memref<256xf32, #tpu.memory_space<vmem>>) target_semaphore(%run_scoped3A : memref<!tpu.dma_semaphore, #tpu.memory_space<semaphore_mem>>)
        %dma_wait3A = arith.constant 0 : i32
        %dma_wait3A_1261 = tpu.memref_slice %arg2[%add3A_15, %dma_wait3A] : memref<768x256xf32, #tpu.memory_space<hbm>> -> memref<1x256xf32, #tpu.memory_space<hbm>>
        %dma_wait3A_1262 = tpu.memref_squeeze %dma_wait3A_1261 : memref<1x256xf32, #tpu.memory_space<hbm>> -> memref<256xf32, #tpu.memory_space<hbm>>
        %dma_wait3A_1263 = arith.constant 0 : i32
        %dma_wait3A_1264 = tpu.memref_slice %arg2[%add3A_15, %dma_wait3A_1263] : memref<768x256xf32, #tpu.memory_space<hbm>> -> memref<1x256xf32, #tpu.memory_space<hbm>>
        %dma_wait3A_1265 = tpu.memref_squeeze %dma_wait3A_1264 : memref<1x256xf32, #tpu.memory_space<hbm>> -> memref<256xf32, #tpu.memory_space<hbm>>
        tpu.wait_dma2 semaphore(%run_scoped3A : memref<!tpu.dma_semaphore, #tpu.memory_space<semaphore_mem>>) src(%dma_wait3A_1265 : memref<256xf32, #tpu.memory_space<hbm>>) dst(%arg4 : memref<256xf32, #tpu.memory_space<vmem>>)
        tpu.yield
      }) : () -> ()
      %get3A = arith.constant 0 : index
      %get3A_16 = tpu.vector_load %arg4[%get3A] {strides = array<i32>} : memref<256xf32, #tpu.memory_space<vmem>>, vector<16xf32>,
      %get3A_17 = arith.constant 16 : index
      %get3A_18 = tpu.vector_load %arg4[%get3A_17] {strides = array<i32>} : memref<256xf32, #tpu.memory_space<vmem>>, vector<16xf32>,
      %get3A_19 = arith.constant 32 : index
      %get3A_20 = tpu.vector_load %arg4[%get3A_19] {strides = array<i32>} : memref<256xf32, #tpu.memory_space<vmem>>, vector<16xf32>,
      %get3A_21 = arith.constant 48 : index
      %get3A_22 = tpu.vector_load %arg4[%get3A_21] {strides = array<i32>} : memref<256xf32, #tpu.memory_space<vmem>>, vector<16xf32>,
      %get3A_23 = arith.constant 64 : index
      %get3A_24 = tpu.vector_load %arg4[%get3A_23] {strides = array<i32>} : memref<256xf32, #tpu.memory_space<vmem>>, vector<16xf32>,
      %get3A_25 = arith.constant 80 : index
      %get3A_26 = tpu.vector_load %arg4[%get3A_25] {strides = array<i32>} : memref<256xf32, #tpu.memory_space<vmem>>, vector<16xf32>,
      %get3A_27 = arith.constant 96 : index
      %get3A_28 = tpu.vector_load %arg4[%get3A_27] {strides = array<i32>} : memref<256xf32, #tpu.memory_space<vmem>>, vector<16xf32>,
      %get3A_29 = arith.constant 112 : index
      %get3A_30 = tpu.vector_load %arg4[%get3A_29] {strides = array<i32>} : memref<256xf32, #tpu.memory_space<vmem>>, vector<16xf32>,
      %get3A_31 = arith.constant 128 : index
      %get3A_32 = tpu.vector_load %arg4[%get3A_31] {strides = array<i32>} : memref<256xf32, #tpu.memory_space<vmem>>, vector<16xf32>,
      %get3A_33 = arith.constant 144 : index
      %get3A_34 = tpu.vector_load %arg4[%get3A_33] {strides = array<i32>} : memref<256xf32, #tpu.memory_space<vmem>>, vector<16xf32>,
      %get3A_35 = arith.constant 160 : index
      %get3A_36 = tpu.vector_load %arg4[%get3A_35] {strides = array<i32>} : memref<256xf32, #tpu.memory_space<vmem>>, vector<16xf32>,
      %get3A_37 = arith.constant 176 : index
      %get3A_38 = tpu.vector_load %arg4[%get3A_37] {strides = array<i32>} : memref<256xf32, #tpu.memory_space<vmem>>, vector<16xf32>,
      %get3A_39 = arith.constant 192 : index
      %get3A_40 = tpu.vector_load %arg4[%get3A_39] {strides = array<i32>} : memref<256xf32, #tpu.memory_space<vmem>>, vector<16xf32>,
      %get3A_41 = arith.constant 208 : index
      %get3A_42 = tpu.vector_load %arg4[%get3A_41] {strides = array<i32>} : memref<256xf32, #tpu.memory_space<vmem>>, vector<16xf32>,
      %get3A_43 = arith.constant 224 : index
      %get3A_44 = tpu.vector_load %arg4[%get3A_43] {strides = array<i32>} : memref<256xf32, #tpu.memory_space<vmem>>, vector<16xf32>,
      %get3A_45 = arith.constant 240 : index
      %get3A_46 = tpu.vector_load %arg4[%get3A_45] {strides = array<i32>} : memref<256xf32, #tpu.memory_space<vmem>>, vector<16xf32>,
      %iota3A = tpu.iota {dimensions = array<i32: 0>} : vector<16xi32>
      %add3A_47 = arith.constant 0 : i32
      %add3A_48 = vector.broadcast %add3A_47 : i32 to vector<16xi32>
      %add3A_49 = arith.addi %iota3A, %add3A_48 : vector<16xi32>
      %add3A_50 = arith.constant 16 : i32
      %add3A_51 = vector.broadcast %add3A_50 : i32 to vector<16xi32>
      %add3A_52 = arith.addi %iota3A, %add3A_51 : vector<16xi32>
      %add3A_53 = arith.constant 32 : i32
      %add3A_54 = vector.broadcast %add3A_53 : i32 to vector<16xi32>
      %add3A_55 = arith.addi %iota3A, %add3A_54 : vector<16xi32>
      %add3A_56 = arith.constant 48 : i32
      %add3A_57 = vector.broadcast %add3A_56 : i32 to vector<16xi32>
      %add3A_58 = arith.addi %iota3A, %add3A_57 : vector<16xi32>
      %add3A_59 = arith.constant 64 : i32
      %add3A_60 = vector.broadcast %add3A_59 : i32 to vector<16xi32>
      %add3A_61 = arith.addi %iota3A, %add3A_60 : vector<16xi32>
      %add3A_62 = arith.constant 80 : i32
      %add3A_63 = vector.broadcast %add3A_62 : i32 to vector<16xi32>
      %add3A_64 = arith.addi %iota3A, %add3A_63 : vector<16xi32>
      %add3A_65 = arith.constant 96 : i32
      %add3A_66 = vector.broadcast %add3A_65 : i32 to vector<16xi32>
      %add3A_67 = arith.addi %iota3A, %add3A_66 : vector<16xi32>
      %add3A_68 = arith.constant 112 : i32
      %add3A_69 = vector.broadcast %add3A_68 : i32 to vector<16xi32>
      %add3A_70 = arith.addi %iota3A, %add3A_69 : vector<16xi32>
      %add3A_71 = arith.constant 128 : i32
      %add3A_72 = vector.broadcast %add3A_71 : i32 to vector<16xi32>
      %add3A_73 = arith.addi %iota3A, %add3A_72 : vector<16xi32>
      %add3A_74 = arith.constant 144 : i32
      %add3A_75 = vector.broadcast %add3A_74 : i32 to vector<16xi32>
      %add3A_76 = arith.addi %iota3A, %add3A_75 : vector<16xi32>
      %add3A_77 = arith.constant 160 : i32
      %add3A_78 = vector.broadcast %add3A_77 : i32 to vector<16xi32>
      %add3A_79 = arith.addi %iota3A, %add3A_78 : vector<16xi32>
      %add3A_80 = arith.constant 176 : i32
      %add3A_81 = vector.broadcast %add3A_80 : i32 to vector<16xi32>
      %add3A_82 = arith.addi %iota3A, %add3A_81 : vector<16xi32>
      %add3A_83 = arith.constant 192 : i32
      %add3A_84 = vector.broadcast %add3A_83 : i32 to vector<16xi32>
      %add3A_85 = arith.addi %iota3A, %add3A_84 : vector<16xi32>
      %add3A_86 = arith.constant 208 : i32
      %add3A_87 = vector.broadcast %add3A_86 : i32 to vector<16xi32>
      %add3A_88 = arith.addi %iota3A, %add3A_87 : vector<16xi32>
      %add3A_89 = arith.constant 224 : i32
      %add3A_90 = vector.broadcast %add3A_89 : i32 to vector<16xi32>
      %add3A_91 = arith.addi %iota3A, %add3A_90 : vector<16xi32>
      %add3A_92 = arith.constant 240 : i32
      %add3A_93 = vector.broadcast %add3A_92 : i32 to vector<16xi32>
      %add3A_94 = arith.addi %iota3A, %add3A_93 : vector<16xi32>
      %masked_sort3A = arith.constant dense<true> : vector<16xi1>
      %masked_sort3A_95, %masked_sort3A_96, %masked_sort3A_97 = tpu.sort %get3A_16, %add3A_49 masked %masked_sort3A : (vector<16xf32>, vector<16xi32>, vector<16xi1>) -> (vector<16xi1>, vector<16xf32>, vector<16xi32>)
      %masked_sort3A_98 = arith.constant dense<true> : vector<16xi1>
      %masked_sort3A_99, %masked_sort3A_100, %masked_sort3A_101 = tpu.sort %get3A_18, %add3A_52 masked %masked_sort3A_98 : (vector<16xf32>, vector<16xi32>, vector<16xi1>) -> (vector<16xi1>, vector<16xf32>, vector<16xi32>)
      %masked_sort3A_102 = arith.constant dense<true> : vector<16xi1>
      %masked_sort3A_103, %masked_sort3A_104, %masked_sort3A_105 = tpu.sort %get3A_20, %add3A_55 masked %masked_sort3A_102 : (vector<16xf32>, vector<16xi32>, vector<16xi1>) -> (vector<16xi1>, vector<16xf32>, vector<16xi32>)
      %masked_sort3A_106 = arith.constant dense<true> : vector<16xi1>
      %masked_sort3A_107, %masked_sort3A_108, %masked_sort3A_109 = tpu.sort %get3A_22, %add3A_58 masked %masked_sort3A_106 : (vector<16xf32>, vector<16xi32>, vector<16xi1>) -> (vector<16xi1>, vector<16xf32>, vector<16xi32>)
      %masked_sort3A_110 = arith.constant dense<true> : vector<16xi1>
      %masked_sort3A_111, %masked_sort3A_112, %masked_sort3A_113 = tpu.sort %get3A_24, %add3A_61 masked %masked_sort3A_110 : (vector<16xf32>, vector<16xi32>, vector<16xi1>) -> (vector<16xi1>, vector<16xf32>, vector<16xi32>)
      %masked_sort3A_114 = arith.constant dense<true> : vector<16xi1>
      %masked_sort3A_115, %masked_sort3A_116, %masked_sort3A_117 = tpu.sort %get3A_26, %add3A_64 masked %masked_sort3A_114 : (vector<16xf32>, vector<16xi32>, vector<16xi1>) -> (vector<16xi1>, vector<16xf32>, vector<16xi32>)
      %masked_sort3A_118 = arith.constant dense<true> : vector<16xi1>
      %masked_sort3A_119, %masked_sort3A_120, %masked_sort3A_121 = tpu.sort %get3A_28, %add3A_67 masked %masked_sort3A_118 : (vector<16xf32>, vector<16xi32>, vector<16xi1>) -> (vector<16xi1>, vector<16xf32>, vector<16xi32>)
      %masked_sort3A_122 = arith.constant dense<true> : vector<16xi1>
      %masked_sort3A_123, %masked_sort3A_124, %masked_sort3A_125 = tpu.sort %get3A_30, %add3A_70 masked %masked_sort3A_122 : (vector<16xf32>, vector<16xi32>, vector<16xi1>) -> (vector<16xi1>, vector<16xf32>, vector<16xi32>)
      %masked_sort3A_126 = arith.constant dense<true> : vector<16xi1>
      %masked_sort3A_127, %masked_sort3A_128, %masked_sort3A_129 = tpu.sort %get3A_32, %add3A_73 masked %masked_sort3A_126 : (vector<16xf32>, vector<16xi32>, vector<16xi1>) -> (vector<16xi1>, vector<16xf32>, vector<16xi32>)
      %masked_sort3A_130 = arith.constant dense<true> : vector<16xi1>
      %masked_sort3A_131, %masked_sort3A_132, %masked_sort3A_133 = tpu.sort %get3A_34, %add3A_76 masked %masked_sort3A_130 : (vector<16xf32>, vector<16xi32>, vector<16xi1>) -> (vector<16xi1>, vector<16xf32>, vector<16xi32>)
      %masked_sort3A_134 = arith.constant dense<true> : vector<16xi1>
      %masked_sort3A_135, %masked_sort3A_136, %masked_sort3A_137 = tpu.sort %get3A_36, %add3A_79 masked %masked_sort3A_134 : (vector<16xf32>, vector<16xi32>, vector<16xi1>) -> (vector<16xi1>, vector<16xf32>, vector<16xi32>)
      %masked_sort3A_138 = arith.constant dense<true> : vector<16xi1>
      %masked_sort3A_139, %masked_sort3A_140, %masked_sort3A_141 = tpu.sort %get3A_38, %add3A_82 masked %masked_sort3A_138 : (vector<16xf32>, vector<16xi32>, vector<16xi1>) -> (vector<16xi1>, vector<16xf32>, vector<16xi32>)
      %masked_sort3A_142 = arith.constant dense<true> : vector<16xi1>
      %masked_sort3A_143, %masked_sort3A_144, %masked_sort3A_145 = tpu.sort %get3A_40, %add3A_85 masked %masked_sort3A_142 : (vector<16xf32>, vector<16xi32>, vector<16xi1>) -> (vector<16xi1>, vector<16xf32>, vector<16xi32>)
      %masked_sort3A_146 = arith.constant dense<true> : vector<16xi1>
      %masked_sort3A_147, %masked_sort3A_148, %masked_sort3A_149 = tpu.sort %get3A_42, %add3A_88 masked %masked_sort3A_146 : (vector<16xf32>, vector<16xi32>, vector<16xi1>) -> (vector<16xi1>, vector<16xf32>, vector<16xi32>)
      %masked_sort3A_150 = arith.constant dense<true> : vector<16xi1>
      %masked_sort3A_151, %masked_sort3A_152, %masked_sort3A_153 = tpu.sort %get3A_44, %add3A_91 masked %masked_sort3A_150 : (vector<16xf32>, vector<16xi32>, vector<16xi1>) -> (vector<16xi1>, vector<16xf32>, vector<16xi32>)
      %masked_sort3A_154 = arith.constant dense<true> : vector<16xi1>
      %masked_sort3A_155, %masked_sort3A_156, %masked_sort3A_157 = tpu.sort %get3A_46, %add3A_94 masked %masked_sort3A_154 : (vector<16xf32>, vector<16xi32>, vector<16xi1>) -> (vector<16xi1>, vector<16xf32>, vector<16xi32>)
      %rev3A = arith.constant 15 : i32
      %rev3A_158 = vector.broadcast %rev3A : i32 to vector<16xi32>
      %rev3A_159 = tpu.iota {dimensions = array<i32: 0>} : vector<16xi32>
      %rev3A_160 = arith.subi %rev3A_158, %rev3A_159 : vector<16xi32>
      %rev3A_161 = tpu.dynamic_gather %masked_sort3A_100[%rev3A_160] in [0] : vector<16xf32>, vector<16xi32> -> vector<16xf32>
      %rev3A_162 = arith.constant 15 : i32
      %rev3A_163 = vector.broadcast %rev3A_162 : i32 to vector<16xi32>
      %rev3A_164 = tpu.iota {dimensions = array<i32: 0>} : vector<16xi32>
      %rev3A_165 = arith.subi %rev3A_163, %rev3A_164 : vector<16xi32>
      %rev3A_166 = tpu.dynamic_gather %masked_sort3A_101[%rev3A_165] in [0] : vector<16xi32>, vector<16xi32> -> vector<16xi32>
      %le3A = arith.cmpf ole, %masked_sort3A_96, %rev3A_161 : vector<16xf32>
      %min3A = arith.minimumf %masked_sort3A_96, %rev3A_161 : vector<16xf32>
      %max3A = arith.maximumf %masked_sort3A_96, %rev3A_161 : vector<16xf32>
      %select_n3A = arith.select %le3A, %masked_sort3A_97, %rev3A_166 : vector<16xi1>, vector<16xi32>
      %select_n3A_167 = arith.select %le3A, %rev3A_166, %masked_sort3A_97 : vector<16xi1>, vector<16xi32>
      %masked_sort3A_168 = arith.constant dense<true> : vector<16xi1>
      %masked_sort3A_169, %masked_sort3A_170, %masked_sort3A_171 = tpu.sort %min3A, %select_n3A masked %masked_sort3A_168 : (vector<16xf32>, vector<16xi32>, vector<16xi1>) -> (vector<16xi1>, vector<16xf32>, vector<16xi32>)
      %masked_sort3A_172 = arith.constant dense<true> : vector<16xi1>
      %masked_sort3A_173, %masked_sort3A_174, %masked_sort3A_175 = tpu.sort %max3A, %select_n3A_167 masked %masked_sort3A_172 : (vector<16xf32>, vector<16xi32>, vector<16xi1>) -> (vector<16xi1>, vector<16xf32>, vector<16xi32>)
      %rev3A_176 = arith.constant 15 : i32
      %rev3A_177 = vector.broadcast %rev3A_176 : i32 to vector<16xi32>
      %rev3A_178 = tpu.iota {dimensions = array<i32: 0>} : vector<16xi32>
      %rev3A_179 = arith.subi %rev3A_177, %rev3A_178 : vector<16xi32>
      %rev3A_180 = tpu.dynamic_gather %masked_sort3A_108[%rev3A_179] in [0] : vector<16xf32>, vector<16xi32> -> vector<16xf32>
      %rev3A_181 = arith.constant 15 : i32
      %rev3A_182 = vector.broadcast %rev3A_181 : i32 to vector<16xi32>
      %rev3A_183 = tpu.iota {dimensions = array<i32: 0>} : vector<16xi32>
      %rev3A_184 = arith.subi %rev3A_182, %rev3A_183 : vector<16xi32>
      %rev3A_185 = tpu.dynamic_gather %masked_sort3A_109[%rev3A_184] in [0] : vector<16xi32>, vector<16xi32> -> vector<16xi32>
      %le3A_186 = arith.cmpf ole, %masked_sort3A_104, %rev3A_180 : vector<16xf32>
      %min3A_187 = arith.minimumf %masked_sort3A_104, %rev3A_180 : vector<16xf32>
      %max3A_188 = arith.maximumf %masked_sort3A_104, %rev3A_180 : vector<16xf32>
      %select_n3A_189 = arith.select %le3A_186, %masked_sort3A_105, %rev3A_185 : vector<16xi1>, vector<16xi32>
      %select_n3A_190 = arith.select %le3A_186, %rev3A_185, %masked_sort3A_105 : vector<16xi1>, vector<16xi32>
      %masked_sort3A_191 = arith.constant dense<true> : vector<16xi1>
      %masked_sort3A_192, %masked_sort3A_193, %masked_sort3A_194 = tpu.sort %min3A_187, %select_n3A_189 masked %masked_sort3A_191 : (vector<16xf32>, vector<16xi32>, vector<16xi1>) -> (vector<16xi1>, vector<16xf32>, vector<16xi32>)
      %masked_sort3A_195 = arith.constant dense<true> : vector<16xi1>
      %masked_sort3A_196, %masked_sort3A_197, %masked_sort3A_198 = tpu.sort %max3A_188, %select_n3A_190 masked %masked_sort3A_195 : (vector<16xf32>, vector<16xi32>, vector<16xi1>) -> (vector<16xi1>, vector<16xf32>, vector<16xi32>)
      %rev3A_199 = arith.constant 15 : i32
      %rev3A_200 = vector.broadcast %rev3A_199 : i32 to vector<16xi32>
      %rev3A_201 = tpu.iota {dimensions = array<i32: 0>} : vector<16xi32>
      %rev3A_202 = arith.subi %rev3A_200, %rev3A_201 : vector<16xi32>
      %rev3A_203 = tpu.dynamic_gather %masked_sort3A_116[%rev3A_202] in [0] : vector<16xf32>, vector<16xi32> -> vector<16xf32>
      %rev3A_204 = arith.constant 15 : i32
      %rev3A_205 = vector.broadcast %rev3A_204 : i32 to vector<16xi32>
      %rev3A_206 = tpu.iota {dimensions = array<i32: 0>} : vector<16xi32>
      %rev3A_207 = arith.subi %rev3A_205, %rev3A_206 : vector<16xi32>
      %rev3A_208 = tpu.dynamic_gather %masked_sort3A_117[%rev3A_207] in [0] : vector<16xi32>, vector<16xi32> -> vector<16xi32>
      %le3A_209 = arith.cmpf ole, %masked_sort3A_112, %rev3A_203 : vector<16xf32>
      %min3A_210 = arith.minimumf %masked_sort3A_112, %rev3A_203 : vector<16xf32>
      %max3A_211 = arith.maximumf %masked_sort3A_112, %rev3A_203 : vector<16xf32>
      %select_n3A_212 = arith.select %le3A_209, %masked_sort3A_113, %rev3A_208 : vector<16xi1>, vector<16xi32>
      %select_n3A_213 = arith.select %le3A_209, %rev3A_208, %masked_sort3A_113 : vector<16xi1>, vector<16xi32>
      %masked_sort3A_214 = arith.constant dense<true> : vector<16xi1>
      %masked_sort3A_215, %masked_sort3A_216, %masked_sort3A_217 = tpu.sort %min3A_210, %select_n3A_212 masked %masked_sort3A_214 : (vector<16xf32>, vector<16xi32>, vector<16xi1>) -> (vector<16xi1>, vector<16xf32>, vector<16xi32>)
      %masked_sort3A_218 = arith.constant dense<true> : vector<16xi1>
      %masked_sort3A_219, %masked_sort3A_220, %masked_sort3A_221 = tpu.sort %max3A_211, %select_n3A_213 masked %masked_sort3A_218 : (vector<16xf32>, vector<16xi32>, vector<16xi1>) -> (vector<16xi1>, vector<16xf32>, vector<16xi32>)
      %rev3A_222 = arith.constant 15 : i32
      %rev3A_223 = vector.broadcast %rev3A_222 : i32 to vector<16xi32>
      %rev3A_224 = tpu.iota {dimensions = array<i32: 0>} : vector<16xi32>
      %rev3A_225 = arith.subi %rev3A_223, %rev3A_224 : vector<16xi32>
      %rev3A_226 = tpu.dynamic_gather %masked_sort3A_124[%rev3A_225] in [0] : vector<16xf32>, vector<16xi32> -> vector<16xf32>
      %rev3A_227 = arith.constant 15 : i32
      %rev3A_228 = vector.broadcast %rev3A_227 : i32 to vector<16xi32>
      %rev3A_229 = tpu.iota {dimensions = array<i32: 0>} : vector<16xi32>
      %rev3A_230 = arith.subi %rev3A_228, %rev3A_229 : vector<16xi32>
      %rev3A_231 = tpu.dynamic_gather %masked_sort3A_125[%rev3A_230] in [0] : vector<16xi32>, vector<16xi32> -> vector<16xi32>
      %le3A_232 = arith.cmpf ole, %masked_sort3A_120, %rev3A_226 : vector<16xf32>
      %min3A_233 = arith.minimumf %masked_sort3A_120, %rev3A_226 : vector<16xf32>
      %max3A_234 = arith.maximumf %masked_sort3A_120, %rev3A_226 : vector<16xf32>
      %select_n3A_235 = arith.select %le3A_232, %masked_sort3A_121, %rev3A_231 : vector<16xi1>, vector<16xi32>
      %select_n3A_236 = arith.select %le3A_232, %rev3A_231, %masked_sort3A_121 : vector<16xi1>, vector<16xi32>
      %masked_sort3A_237 = arith.constant dense<true> : vector<16xi1>
      %masked_sort3A_238, %masked_sort3A_239, %masked_sort3A_240 = tpu.sort %min3A_233, %select_n3A_235 masked %masked_sort3A_237 : (vector<16xf32>, vector<16xi32>, vector<16xi1>) -> (vector<16xi1>, vector<16xf32>, vector<16xi32>)
      %masked_sort3A_241 = arith.constant dense<true> : vector<16xi1>
      %masked_sort3A_242, %masked_sort3A_243, %masked_sort3A_244 = tpu.sort %max3A_234, %select_n3A_236 masked %masked_sort3A_241 : (vector<16xf32>, vector<16xi32>, vector<16xi1>) -> (vector<16xi1>, vector<16xf32>, vector<16xi32>)
      %rev3A_245 = arith.constant 15 : i32
      %rev3A_246 = vector.broadcast %rev3A_245 : i32 to vector<16xi32>
      %rev3A_247 = tpu.iota {dimensions = array<i32: 0>} : vector<16xi32>
      %rev3A_248 = arith.subi %rev3A_246, %rev3A_247 : vector<16xi32>
      %rev3A_249 = tpu.dynamic_gather %masked_sort3A_132[%rev3A_248] in [0] : vector<16xf32>, vector<16xi32> -> vector<16xf32>
      %rev3A_250 = arith.constant 15 : i32
      %rev3A_251 = vector.broadcast %rev3A_250 : i32 to vector<16xi32>
      %rev3A_252 = tpu.iota {dimensions = array<i32: 0>} : vector<16xi32>
      %rev3A_253 = arith.subi %rev3A_251, %rev3A_252 : vector<16xi32>
      %rev3A_254 = tpu.dynamic_gather %masked_sort3A_133[%rev3A_253] in [0] : vector<16xi32>, vector<16xi32> -> vector<16xi32>
      %le3A_255 = arith.cmpf ole, %masked_sort3A_128, %rev3A_249 : vector<16xf32>
      %min3A_256 = arith.minimumf %masked_sort3A_128, %rev3A_249 : vector<16xf32>
      %max3A_257 = arith.maximumf %masked_sort3A_128, %rev3A_249 : vector<16xf32>
      %select_n3A_258 = arith.select %le3A_255, %masked_sort3A_129, %rev3A_254 : vector<16xi1>, vector<16xi32>
      %select_n3A_259 = arith.select %le3A_255, %rev3A_254, %masked_sort3A_129 : vector<16xi1>, vector<16xi32>
      %masked_sort3A_260 = arith.constant dense<true> : vector<16xi1>
      %masked_sort3A_261, %masked_sort3A_262, %masked_sort3A_263 = tpu.sort %min3A_256, %select_n3A_258 masked %masked_sort3A_260 : (vector<16xf32>, vector<16xi32>, vector<16xi1>) -> (vector<16xi1>, vector<16xf32>, vector<16xi32>)
      %masked_sort3A_264 = arith.constant dense<true> : vector<16xi1>
      %masked_sort3A_265, %masked_sort3A_266, %masked_sort3A_267 = tpu.sort %max3A_257, %select_n3A_259 masked %masked_sort3A_264 : (vector<16xf32>, vector<16xi32>, vector<16xi1>) -> (vector<16xi1>, vector<16xf32>, vector<16xi32>)
      %rev3A_268 = arith.constant 15 : i32
      %rev3A_269 = vector.broadcast %rev3A_268 : i32 to vector<16xi32>
      %rev3A_270 = tpu.iota {dimensions = array<i32: 0>} : vector<16xi32>
      %rev3A_271 = arith.subi %rev3A_269, %rev3A_270 : vector<16xi32>
      %rev3A_272 = tpu.dynamic_gather %masked_sort3A_140[%rev3A_271] in [0] : vector<16xf32>, vector<16xi32> -> vector<16xf32>
      %rev3A_273 = arith.constant 15 : i32
      %rev3A_274 = vector.broadcast %rev3A_273 : i32 to vector<16xi32>
      %rev3A_275 = tpu.iota {dimensions = array<i32: 0>} : vector<16xi32>
      %rev3A_276 = arith.subi %rev3A_274, %rev3A_275 : vector<16xi32>
      %rev3A_277 = tpu.dynamic_gather %masked_sort3A_141[%rev3A_276] in [0] : vector<16xi32>, vector<16xi32> -> vector<16xi32>
      %le3A_278 = arith.cmpf ole, %masked_sort3A_136, %rev3A_272 : vector<16xf32>
      %min3A_279 = arith.minimumf %masked_sort3A_136, %rev3A_272 : vector<16xf32>
      %max3A_280 = arith.maximumf %masked_sort3A_136, %rev3A_272 : vector<16xf32>
      %select_n3A_281 = arith.select %le3A_278, %masked_sort3A_137, %rev3A_277 : vector<16xi1>, vector<16xi32>
      %select_n3A_282 = arith.select %le3A_278, %rev3A_277, %masked_sort3A_137 : vector<16xi1>, vector<16xi32>
      %masked_sort3A_283 = arith.constant dense<true> : vector<16xi1>
      %masked_sort3A_284, %masked_sort3A_285, %masked_sort3A_286 = tpu.sort %min3A_279, %select_n3A_281 masked %masked_sort3A_283 : (vector<16xf32>, vector<16xi32>, vector<16xi1>) -> (vector<16xi1>, vector<16xf32>, vector<16xi32>)
      %masked_sort3A_287 = arith.constant dense<true> : vector<16xi1>
      %masked_sort3A_288, %masked_sort3A_289, %masked_sort3A_290 = tpu.sort %max3A_280, %select_n3A_282 masked %masked_sort3A_287 : (vector<16xf32>, vector<16xi32>, vector<16xi1>) -> (vector<16xi1>, vector<16xf32>, vector<16xi32>)
      %rev3A_291 = arith.constant 15 : i32
      %rev3A_292 = vector.broadcast %rev3A_291 : i32 to vector<16xi32>
      %rev3A_293 = tpu.iota {dimensions = array<i32: 0>} : vector<16xi32>
      %rev3A_294 = arith.subi %rev3A_292, %rev3A_293 : vector<16xi32>
      %rev3A_295 = tpu.dynamic_gather %masked_sort3A_148[%rev3A_294] in [0] : vector<16xf32>, vector<16xi32> -> vector<16xf32>
      %rev3A_296 = arith.constant 15 : i32
      %rev3A_297 = vector.broadcast %rev3A_296 : i32 to vector<16xi32>
      %rev3A_298 = tpu.iota {dimensions = array<i32: 0>} : vector<16xi32>
      %rev3A_299 = arith.subi %rev3A_297, %rev3A_298 : vector<16xi32>
      %rev3A_300 = tpu.dynamic_gather %masked_sort3A_149[%rev3A_299] in [0] : vector<16xi32>, vector<16xi32> -> vector<16xi32>
      %le3A_301 = arith.cmpf ole, %masked_sort3A_144, %rev3A_295 : vector<16xf32>
      %min3A_302 = arith.minimumf %masked_sort3A_144, %rev3A_295 : vector<16xf32>
      %max3A_303 = arith.maximumf %masked_sort3A_144, %rev3A_295 : vector<16xf32>
      %select_n3A_304 = arith.select %le3A_301, %masked_sort3A_145, %rev3A_300 : vector<16xi1>, vector<16xi32>
      %select_n3A_305 = arith.select %le3A_301, %rev3A_300, %masked_sort3A_145 : vector<16xi1>, vector<16xi32>
      %masked_sort3A_306 = arith.constant dense<true> : vector<16xi1>
      %masked_sort3A_307, %masked_sort3A_308, %masked_sort3A_309 = tpu.sort %min3A_302, %select_n3A_304 masked %masked_sort3A_306 : (vector<16xf32>, vector<16xi32>, vector<16xi1>) -> (vector<16xi1>, vector<16xf32>, vector<16xi32>)
      %masked_sort3A_310 = arith.constant dense<true> : vector<16xi1>
      %masked_sort3A_311, %masked_sort3A_312, %masked_sort3A_313 = tpu.sort %max3A_303, %select_n3A_305 masked %masked_sort3A_310 : (vector<16xf32>, vector<16xi32>, vector<16xi1>) -> (vector<16xi1>, vector<16xf32>, vector<16xi32>)
      %rev3A_314 = arith.constant 15 : i32
      %rev3A_315 = vector.broadcast %rev3A_314 : i32 to vector<16xi32>
      %rev3A_316 = tpu.iota {dimensions = array<i32: 0>} : vector<16xi32>
      %rev3A_317 = arith.subi %rev3A_315, %rev3A_316 : vector<16xi32>
      %rev3A_318 = tpu.dynamic_gather %masked_sort3A_156[%rev3A_317] in [0] : vector<16xf32>, vector<16xi32> -> vector<16xf32>
      %rev3A_319 = arith.constant 15 : i32
      %rev3A_320 = vector.broadcast %rev3A_319 : i32 to vector<16xi32>
      %rev3A_321 = tpu.iota {dimensions = array<i32: 0>} : vector<16xi32>
      %rev3A_322 = arith.subi %rev3A_320, %rev3A_321 : vector<16xi32>
      %rev3A_323 = tpu.dynamic_gather %masked_sort3A_157[%rev3A_322] in [0] : vector<16xi32>, vector<16xi32> -> vector<16xi32>
      %le3A_324 = arith.cmpf ole, %masked_sort3A_152, %rev3A_318 : vector<16xf32>
      %min3A_325 = arith.minimumf %masked_sort3A_152, %rev3A_318 : vector<16xf32>
      %max3A_326 = arith.maximumf %masked_sort3A_152, %rev3A_318 : vector<16xf32>
      %select_n3A_327 = arith.select %le3A_324, %masked_sort3A_153, %rev3A_323 : vector<16xi1>, vector<16xi32>
      %select_n3A_328 = arith.select %le3A_324, %rev3A_323, %masked_sort3A_153 : vector<16xi1>, vector<16xi32>
      %masked_sort3A_329 = arith.constant dense<true> : vector<16xi1>
      %masked_sort3A_330, %masked_sort3A_331, %masked_sort3A_332 = tpu.sort %min3A_325, %select_n3A_327 masked %masked_sort3A_329 : (vector<16xf32>, vector<16xi32>, vector<16xi1>) -> (vector<16xi1>, vector<16xf32>, vector<16xi32>)
      %masked_sort3A_333 = arith.constant dense<true> : vector<16xi1>
      %masked_sort3A_334, %masked_sort3A_335, %masked_sort3A_336 = tpu.sort %max3A_326, %select_n3A_328 masked %masked_sort3A_333 : (vector<16xf32>, vector<16xi32>, vector<16xi1>) -> (vector<16xi1>, vector<16xf32>, vector<16xi32>)
      %rev3A_337 = arith.constant 15 : i32
      %rev3A_338 = vector.broadcast %rev3A_337 : i32 to vector<16xi32>
      %rev3A_339 = tpu.iota {dimensions = array<i32: 0>} : vector<16xi32>
      %rev3A_340 = arith.subi %rev3A_338, %rev3A_339 : vector<16xi32>
      %rev3A_341 = tpu.dynamic_gather %masked_sort3A_197[%rev3A_340] in [0] : vector<16xf32>, vector<16xi32> -> vector<16xf32>
      %rev3A_342 = arith.constant 15 : i32
      %rev3A_343 = vector.broadcast %rev3A_342 : i32 to vector<16xi32>
      %rev3A_344 = tpu.iota {dimensions = array<i32: 0>} : vector<16xi32>
      %rev3A_345 = arith.subi %rev3A_343, %rev3A_344 : vector<16xi32>
      %rev3A_346 = tpu.dynamic_gather %masked_sort3A_193[%rev3A_345] in [0] : vector<16xf32>, vector<16xi32> -> vector<16xf32>
      %rev3A_347 = arith.constant 15 : i32
      %rev3A_348 = vector.broadcast %rev3A_347 : i32 to vector<16xi32>
      %rev3A_349 = tpu.iota {dimensions = array<i32: 0>} : vector<16xi32>
      %rev3A_350 = arith.subi %rev3A_348, %rev3A_349 : vector<16xi32>
      %rev3A_351 = tpu.dynamic_gather %masked_sort3A_198[%rev3A_350] in [0] : vector<16xi32>, vector<16xi32> -> vector<16xi32>
      %rev3A_352 = arith.constant 15 : i32
      %rev3A_353 = vector.broadcast %rev3A_352 : i32 to vector<16xi32>
      %rev3A_354 = tpu.iota {dimensions = array<i32: 0>} : vector<16xi32>
      %rev3A_355 = arith.subi %rev3A_353, %rev3A_354 : vector<16xi32>
      %rev3A_356 = tpu.dynamic_gather %masked_sort3A_194[%rev3A_355] in [0] : vector<16xi32>, vector<16xi32> -> vector<16xi32>
      %le3A_357 = arith.cmpf ole, %masked_sort3A_170, %rev3A_341 : vector<16xf32>
      %min3A_358 = arith.minimumf %masked_sort3A_170, %rev3A_341 : vector<16xf32>
      %max3A_359 = arith.maximumf %masked_sort3A_170, %rev3A_341 : vector<16xf32>
      %select_n3A_360 = arith.select %le3A_357, %masked_sort3A_171, %rev3A_351 : vector<16xi1>, vector<16xi32>
      %select_n3A_361 = arith.select %le3A_357, %rev3A_351, %masked_sort3A_171 : vector<16xi1>, vector<16xi32>
      %le3A_362 = arith.cmpf ole, %masked_sort3A_174, %rev3A_346 : vector<16xf32>
      %min3A_363 = arith.minimumf %masked_sort3A_174, %rev3A_346 : vector<16xf32>
      %max3A_364 = arith.maximumf %masked_sort3A_174, %rev3A_346 : vector<16xf32>
      %select_n3A_365 = arith.select %le3A_362, %masked_sort3A_175, %rev3A_356 : vector<16xi1>, vector<16xi32>
      %select_n3A_366 = arith.select %le3A_362, %rev3A_356, %masked_sort3A_175 : vector<16xi1>, vector<16xi32>
      %le3A_367 = arith.cmpf ole, %min3A_358, %min3A_363 : vector<16xf32>
      %min3A_368 = arith.minimumf %min3A_358, %min3A_363 : vector<16xf32>
      %max3A_369 = arith.maximumf %min3A_358, %min3A_363 : vector<16xf32>
      %select_n3A_370 = arith.select %le3A_367, %select_n3A_360, %select_n3A_365 : vector<16xi1>, vector<16xi32>
      %select_n3A_371 = arith.select %le3A_367, %select_n3A_365, %select_n3A_360 : vector<16xi1>, vector<16xi32>
      %masked_sort3A_372 = arith.constant dense<true> : vector<16xi1>
      %masked_sort3A_373, %masked_sort3A_374, %masked_sort3A_375 = tpu.sort %min3A_368, %select_n3A_370 masked %masked_sort3A_372 : (vector<16xf32>, vector<16xi32>, vector<16xi1>) -> (vector<16xi1>, vector<16xf32>, vector<16xi32>)
      %masked_sort3A_376 = arith.constant dense<true> : vector<16xi1>
      %masked_sort3A_377, %masked_sort3A_378, %masked_sort3A_379 = tpu.sort %max3A_369, %select_n3A_371 masked %masked_sort3A_376 : (vector<16xf32>, vector<16xi32>, vector<16xi1>) -> (vector<16xi1>, vector<16xf32>, vector<16xi32>)
      %le3A_380 = arith.cmpf ole, %max3A_359, %max3A_364 : vector<16xf32>
      %min3A_381 = arith.minimumf %max3A_359, %max3A_364 : vector<16xf32>
      %max3A_382 = arith.maximumf %max3A_359, %max3A_364 : vector<16xf32>
      %select_n3A_383 = arith.select %le3A_380, %select_n3A_361, %select_n3A_366 : vector<16xi1>, vector<16xi32>
      %select_n3A_384 = arith.select %le3A_380, %select_n3A_366, %select_n3A_361 : vector<16xi1>, vector<16xi32>
      %masked_sort3A_385 = arith.constant dense<true> : vector<16xi1>
      %masked_sort3A_386, %masked_sort3A_387, %masked_sort3A_388 = tpu.sort %min3A_381, %select_n3A_383 masked %masked_sort3A_385 : (vector<16xf32>, vector<16xi32>, vector<16xi1>) -> (vector<16xi1>, vector<16xf32>, vector<16xi32>)
      %masked_sort3A_389 = arith.constant dense<true> : vector<16xi1>
      %masked_sort3A_390, %masked_sort3A_391, %masked_sort3A_392 = tpu.sort %max3A_382, %select_n3A_384 masked %masked_sort3A_389 : (vector<16xf32>, vector<16xi32>, vector<16xi1>) -> (vector<16xi1>, vector<16xf32>, vector<16xi32>)
      %rev3A_393 = arith.constant 15 : i32
      %rev3A_394 = vector.broadcast %rev3A_393 : i32 to vector<16xi32>
      %rev3A_395 = tpu.iota {dimensions = array<i32: 0>} : vector<16xi32>
      %rev3A_396 = arith.subi %rev3A_394, %rev3A_395 : vector<16xi32>
      %rev3A_397 = tpu.dynamic_gather %masked_sort3A_243[%rev3A_396] in [0] : vector<16xf32>, vector<16xi32> -> vector<16xf32>
      %rev3A_398 = arith.constant 15 : i32
      %rev3A_399 = vector.broadcast %rev3A_398 : i32 to vector<16xi32>
      %rev3A_400 = tpu.iota {dimensions = array<i32: 0>} : vector<16xi32>
      %rev3A_401 = arith.subi %rev3A_399, %rev3A_400 : vector<16xi32>
      %rev3A_402 = tpu.dynamic_gather %masked_sort3A_239[%rev3A_401] in [0] : vector<16xf32>, vector<16xi32> -> vector<16xf32>
      %rev3A_403 = arith.constant 15 : i32
      %rev3A_404 = vector.broadcast %rev3A_403 : i32 to vector<16xi32>
      %rev3A_405 = tpu.iota {dimensions = array<i32: 0>} : vector<16xi32>
      %rev3A_406 = arith.subi %rev3A_404, %rev3A_405 : vector<16xi32>
      %rev3A_407 = tpu.dynamic_gather %masked_sort3A_244[%rev3A_406] in [0] : vector<16xi32>, vector<16xi32> -> vector<16xi32>
      %rev3A_408 = arith.constant 15 : i32
      %rev3A_409 = vector.broadcast %rev3A_408 : i32 to vector<16xi32>
      %rev3A_410 = tpu.iota {dimensions = array<i32: 0>} : vector<16xi32>
      %rev3A_411 = arith.subi %rev3A_409, %rev3A_410 : vector<16xi32>
      %rev3A_412 = tpu.dynamic_gather %masked_sort3A_240[%rev3A_411] in [0] : vector<16xi32>, vector<16xi32> -> vector<16xi32>
      %le3A_413 = arith.cmpf ole, %masked_sort3A_216, %rev3A_397 : vector<16xf32>
      %min3A_414 = arith.minimumf %masked_sort3A_216, %rev3A_397 : vector<16xf32>
      %max3A_415 = arith.maximumf %masked_sort3A_216, %rev3A_397 : vector<16xf32>
      %select_n3A_416 = arith.select %le3A_413, %masked_sort3A_217, %rev3A_407 : vector<16xi1>, vector<16xi32>
      %select_n3A_417 = arith.select %le3A_413, %rev3A_407, %masked_sort3A_217 : vector<16xi1>, vector<16xi32>
      %le3A_418 = arith.cmpf ole, %masked_sort3A_220, %rev3A_402 : vector<16xf32>
      %min3A_419 = arith.minimumf %masked_sort3A_220, %rev3A_402 : vector<16xf32>
      %max3A_420 = arith.maximumf %masked_sort3A_220, %rev3A_402 : vector<16xf32>
      %select_n3A_421 = arith.select %le3A_418, %masked_sort3A_221, %rev3A_412 : vector<16xi1>, vector<16xi32>
      %select_n3A_422 = arith.select %le3A_418, %rev3A_412, %masked_sort3A_221 : vector<16xi1>, vector<16xi32>
      %le3A_423 = arith.cmpf ole, %min3A_414, %min3A_419 : vector<16xf32>
      %min3A_424 = arith.minimumf %min3A_414, %min3A_419 : vector<16xf32>
      %max3A_425 = arith.maximumf %min3A_414, %min3A_419 : vector<16xf32>
      %select_n3A_426 = arith.select %le3A_423, %select_n3A_416, %select_n3A_421 : vector<16xi1>, vector<16xi32>
      %select_n3A_427 = arith.select %le3A_423, %select_n3A_421, %select_n3A_416 : vector<16xi1>, vector<16xi32>
      %masked_sort3A_428 = arith.constant dense<true> : vector<16xi1>
      %masked_sort3A_429, %masked_sort3A_430, %masked_sort3A_431 = tpu.sort %min3A_424, %select_n3A_426 masked %masked_sort3A_428 : (vector<16xf32>, vector<16xi32>, vector<16xi1>) -> (vector<16xi1>, vector<16xf32>, vector<16xi32>)
      %masked_sort3A_432 = arith.constant dense<true> : vector<16xi1>
      %masked_sort3A_433, %masked_sort3A_434, %masked_sort3A_435 = tpu.sort %max3A_425, %select_n3A_427 masked %masked_sort3A_432 : (vector<16xf32>, vector<16xi32>, vector<16xi1>) -> (vector<16xi1>, vector<16xf32>, vector<16xi32>)
      %le3A_436 = arith.cmpf ole, %max3A_415, %max3A_420 : vector<16xf32>
      %min3A_437 = arith.minimumf %max3A_415, %max3A_420 : vector<16xf32>
      %max3A_438 = arith.maximumf %max3A_415, %max3A_420 : vector<16xf32>
      %select_n3A_439 = arith.select %le3A_436, %select_n3A_417, %select_n3A_422 : vector<16xi1>, vector<16xi32>
      %select_n3A_440 = arith.select %le3A_436, %select_n3A_422, %select_n3A_417 : vector<16xi1>, vector<16xi32>
      %masked_sort3A_441 = arith.constant dense<true> : vector<16xi1>
      %masked_sort3A_442, %masked_sort3A_443, %masked_sort3A_444 = tpu.sort %min3A_437, %select_n3A_439 masked %masked_sort3A_441 : (vector<16xf32>, vector<16xi32>, vector<16xi1>) -> (vector<16xi1>, vector<16xf32>, vector<16xi32>)
      %masked_sort3A_445 = arith.constant dense<true> : vector<16xi1>
      %masked_sort3A_446, %masked_sort3A_447, %masked_sort3A_448 = tpu.sort %max3A_438, %select_n3A_440 masked %masked_sort3A_445 : (vector<16xf32>, vector<16xi32>, vector<16xi1>) -> (vector<16xi1>, vector<16xf32>, vector<16xi32>)
      %rev3A_449 = arith.constant 15 : i32
      %rev3A_450 = vector.broadcast %rev3A_449 : i32 to vector<16xi32>
      %rev3A_451 = tpu.iota {dimensions = array<i32: 0>} : vector<16xi32>
      %rev3A_452 = arith.subi %rev3A_450, %rev3A_451 : vector<16xi32>
      %rev3A_453 = tpu.dynamic_gather %masked_sort3A_289[%rev3A_452] in [0] : vector<16xf32>, vector<16xi32> -> vector<16xf32>
      %rev3A_454 = arith.constant 15 : i32
      %rev3A_455 = vector.broadcast %rev3A_454 : i32 to vector<16xi32>
      %rev3A_456 = tpu.iota {dimensions = array<i32: 0>} : vector<16xi32>
      %rev3A_457 = arith.subi %rev3A_455, %rev3A_456 : vector<16xi32>
      %rev3A_458 = tpu.dynamic_gather %masked_sort3A_285[%rev3A_457] in [0] : vector<16xf32>, vector<16xi32> -> vector<16xf32>
      %rev3A_459 = arith.constant 15 : i32
      %rev3A_460 = vector.broadcast %rev3A_459 : i32 to vector<16xi32>
      %rev3A_461 = tpu.iota {dimensions = array<i32: 0>} : vector<16xi32>
      %rev3A_462 = arith.subi %rev3A_460, %rev3A_461 : vector<16xi32>
      %rev3A_463 = tpu.dynamic_gather %masked_sort3A_290[%rev3A_462] in [0] : vector<16xi32>, vector<16xi32> -> vector<16xi32>
      %rev3A_464 = arith.constant 15 : i32
      %rev3A_465 = vector.broadcast %rev3A_464 : i32 to vector<16xi32>
      %rev3A_466 = tpu.iota {dimensions = array<i32: 0>} : vector<16xi32>
      %rev3A_467 = arith.subi %rev3A_465, %rev3A_466 : vector<16xi32>
      %rev3A_468 = tpu.dynamic_gather %masked_sort3A_286[%rev3A_467] in [0] : vector<16xi32>, vector<16xi32> -> vector<16xi32>
      %le3A_469 = arith.cmpf ole, %masked_sort3A_262, %rev3A_453 : vector<16xf32>
      %min3A_470 = arith.minimumf %masked_sort3A_262, %rev3A_453 : vector<16xf32>
      %max3A_471 = arith.maximumf %masked_sort3A_262, %rev3A_453 : vector<16xf32>
      %select_n3A_472 = arith.select %le3A_469, %masked_sort3A_263, %rev3A_463 : vector<16xi1>, vector<16xi32>
      %select_n3A_473 = arith.select %le3A_469, %rev3A_463, %masked_sort3A_263 : vector<16xi1>, vector<16xi32>
      %le3A_474 = arith.cmpf ole, %masked_sort3A_266, %rev3A_458 : vector<16xf32>
      %min3A_475 = arith.minimumf %masked_sort3A_266, %rev3A_458 : vector<16xf32>
      %max3A_476 = arith.maximumf %masked_sort3A_266, %rev3A_458 : vector<16xf32>
      %select_n3A_477 = arith.select %le3A_474, %masked_sort3A_267, %rev3A_468 : vector<16xi1>, vector<16xi32>
      %select_n3A_478 = arith.select %le3A_474, %rev3A_468, %masked_sort3A_267 : vector<16xi1>, vector<16xi32>
      %le3A_479 = arith.cmpf ole, %min3A_470, %min3A_475 : vector<16xf32>
      %min3A_480 = arith.minimumf %min3A_470, %min3A_475 : vector<16xf32>
      %max3A_481 = arith.maximumf %min3A_470, %min3A_475 : vector<16xf32>
      %select_n3A_482 = arith.select %le3A_479, %select_n3A_472, %select_n3A_477 : vector<16xi1>, vector<16xi32>
      %select_n3A_483 = arith.select %le3A_479, %select_n3A_477, %select_n3A_472 : vector<16xi1>, vector<16xi32>
      %masked_sort3A_484 = arith.constant dense<true> : vector<16xi1>
      %masked_sort3A_485, %masked_sort3A_486, %masked_sort3A_487 = tpu.sort %min3A_480, %select_n3A_482 masked %masked_sort3A_484 : (vector<16xf32>, vector<16xi32>, vector<16xi1>) -> (vector<16xi1>, vector<16xf32>, vector<16xi32>)
      %masked_sort3A_488 = arith.constant dense<true> : vector<16xi1>
      %masked_sort3A_489, %masked_sort3A_490, %masked_sort3A_491 = tpu.sort %max3A_481, %select_n3A_483 masked %masked_sort3A_488 : (vector<16xf32>, vector<16xi32>, vector<16xi1>) -> (vector<16xi1>, vector<16xf32>, vector<16xi32>)
      %le3A_492 = arith.cmpf ole, %max3A_471, %max3A_476 : vector<16xf32>
      %min3A_493 = arith.minimumf %max3A_471, %max3A_476 : vector<16xf32>
      %max3A_494 = arith.maximumf %max3A_471, %max3A_476 : vector<16xf32>
      %select_n3A_495 = arith.select %le3A_492, %select_n3A_473, %select_n3A_478 : vector<16xi1>, vector<16xi32>
      %select_n3A_496 = arith.select %le3A_492, %select_n3A_478, %select_n3A_473 : vector<16xi1>, vector<16xi32>
      %masked_sort3A_497 = arith.constant dense<true> : vector<16xi1>
      %masked_sort3A_498, %masked_sort3A_499, %masked_sort3A_500 = tpu.sort %min3A_493, %select_n3A_495 masked %masked_sort3A_497 : (vector<16xf32>, vector<16xi32>, vector<16xi1>) -> (vector<16xi1>, vector<16xf32>, vector<16xi32>)
      %masked_sort3A_501 = arith.constant dense<true> : vector<16xi1>
      %masked_sort3A_502, %masked_sort3A_503, %masked_sort3A_504 = tpu.sort %max3A_494, %select_n3A_496 masked %masked_sort3A_501 : (vector<16xf32>, vector<16xi32>, vector<16xi1>) -> (vector<16xi1>, vector<16xf32>, vector<16xi32>)
      %rev3A_505 = arith.constant 15 : i32
      %rev3A_506 = vector.broadcast %rev3A_505 : i32 to vector<16xi32>
      %rev3A_507 = tpu.iota {dimensions = array<i32: 0>} : vector<16xi32>
      %rev3A_508 = arith.subi %rev3A_506, %rev3A_507 : vector<16xi32>
      %rev3A_509 = tpu.dynamic_gather %masked_sort3A_335[%rev3A_508] in [0] : vector<16xf32>, vector<16xi32> -> vector<16xf32>
      %rev3A_510 = arith.constant 15 : i32
      %rev3A_511 = vector.broadcast %rev3A_510 : i32 to vector<16xi32>
      %rev3A_512 = tpu.iota {dimensions = array<i32: 0>} : vector<16xi32>
      %rev3A_513 = arith.subi %rev3A_511, %rev3A_512 : vector<16xi32>
      %rev3A_514 = tpu.dynamic_gather %masked_sort3A_331[%rev3A_513] in [0] : vector<16xf32>, vector<16xi32> -> vector<16xf32>
      %rev3A_515 = arith.constant 15 : i32
      %rev3A_516 = vector.broadcast %rev3A_515 : i32 to vector<16xi32>
      %rev3A_517 = tpu.iota {dimensions = array<i32: 0>} : vector<16xi32>
      %rev3A_518 = arith.subi %rev3A_516, %rev3A_517 : vector<16xi32>
      %rev3A_519 = tpu.dynamic_gather %masked_sort3A_336[%rev3A_518] in [0] : vector<16xi32>, vector<16xi32> -> vector<16xi32>
      %rev3A_520 = arith.constant 15 : i32
      %rev3A_521 = vector.broadcast %rev3A_520 : i32 to vector<16xi32>
      %rev3A_522 = tpu.iota {dimensions = array<i32: 0>} : vector<16xi32>
      %rev3A_523 = arith.subi %rev3A_521, %rev3A_522 : vector<16xi32>
      %rev3A_524 = tpu.dynamic_gather %masked_sort3A_332[%rev3A_523] in [0] : vector<16xi32>, vector<16xi32> -> vector<16xi32>
      %le3A_525 = arith.cmpf ole, %masked_sort3A_308, %rev3A_509 : vector<16xf32>
      %min3A_526 = arith.minimumf %masked_sort3A_308, %rev3A_509 : vector<16xf32>
      %max3A_527 = arith.maximumf %masked_sort3A_308, %rev3A_509 : vector<16xf32>
      %select_n3A_528 = arith.select %le3A_525, %masked_sort3A_309, %rev3A_519 : vector<16xi1>, vector<16xi32>
      %select_n3A_529 = arith.select %le3A_525, %rev3A_519, %masked_sort3A_309 : vector<16xi1>, vector<16xi32>
      %le3A_530 = arith.cmpf ole, %masked_sort3A_312, %rev3A_514 : vector<16xf32>
      %min3A_531 = arith.minimumf %masked_sort3A_312, %rev3A_514 : vector<16xf32>
      %max3A_532 = arith.maximumf %masked_sort3A_312, %rev3A_514 : vector<16xf32>
      %select_n3A_533 = arith.select %le3A_530, %masked_sort3A_313, %rev3A_524 : vector<16xi1>, vector<16xi32>
      %select_n3A_534 = arith.select %le3A_530, %rev3A_524, %masked_sort3A_313 : vector<16xi1>, vector<16xi32>
      %le3A_535 = arith.cmpf ole, %min3A_526, %min3A_531 : vector<16xf32>
      %min3A_536 = arith.minimumf %min3A_526, %min3A_531 : vector<16xf32>
      %max3A_537 = arith.maximumf %min3A_526, %min3A_531 : vector<16xf32>
      %select_n3A_538 = arith.select %le3A_535, %select_n3A_528, %select_n3A_533 : vector<16xi1>, vector<16xi32>
      %select_n3A_539 = arith.select %le3A_535, %select_n3A_533, %select_n3A_528 : vector<16xi1>, vector<16xi32>
      %masked_sort3A_540 = arith.constant dense<true> : vector<16xi1>
      %masked_sort3A_541, %masked_sort3A_542, %masked_sort3A_543 = tpu.sort %min3A_536, %select_n3A_538 masked %masked_sort3A_540 : (vector<16xf32>, vector<16xi32>, vector<16xi1>) -> (vector<16xi1>, vector<16xf32>, vector<16xi32>)
      %masked_sort3A_544 = arith.constant dense<true> : vector<16xi1>
      %masked_sort3A_545, %masked_sort3A_546, %masked_sort3A_547 = tpu.sort %max3A_537, %select_n3A_539 masked %masked_sort3A_544 : (vector<16xf32>, vector<16xi32>, vector<16xi1>) -> (vector<16xi1>, vector<16xf32>, vector<16xi32>)
      %le3A_548 = arith.cmpf ole, %max3A_527, %max3A_532 : vector<16xf32>
      %min3A_549 = arith.minimumf %max3A_527, %max3A_532 : vector<16xf32>
      %max3A_550 = arith.maximumf %max3A_527, %max3A_532 : vector<16xf32>
      %select_n3A_551 = arith.select %le3A_548, %select_n3A_529, %select_n3A_534 : vector<16xi1>, vector<16xi32>
      %select_n3A_552 = arith.select %le3A_548, %select_n3A_534, %select_n3A_529 : vector<16xi1>, vector<16xi32>
      %masked_sort3A_553 = arith.constant dense<true> : vector<16xi1>
      %masked_sort3A_554, %masked_sort3A_555, %masked_sort3A_556 = tpu.sort %min3A_549, %select_n3A_551 masked %masked_sort3A_553 : (vector<16xf32>, vector<16xi32>, vector<16xi1>) -> (vector<16xi1>, vector<16xf32>, vector<16xi32>)
      %masked_sort3A_557 = arith.constant dense<true> : vector<16xi1>
      %masked_sort3A_558, %masked_sort3A_559, %masked_sort3A_560 = tpu.sort %max3A_550, %select_n3A_552 masked %masked_sort3A_557 : (vector<16xf32>, vector<16xi32>, vector<16xi1>) -> (vector<16xi1>, vector<16xf32>, vector<16xi32>)
      %rev3A_561 = arith.constant 15 : i32
      %rev3A_562 = vector.broadcast %rev3A_561 : i32 to vector<16xi32>
      %rev3A_563 = tpu.iota {dimensions = array<i32: 0>} : vector<16xi32>
      %rev3A_564 = arith.subi %rev3A_562, %rev3A_563 : vector<16xi32>
      %rev3A_565 = tpu.dynamic_gather %masked_sort3A_447[%rev3A_564] in [0] : vector<16xf32>, vector<16xi32> -> vector<16xf32>
      %rev3A_566 = arith.constant 15 : i32
      %rev3A_567 = vector.broadcast %rev3A_566 : i32 to vector<16xi32>
      %rev3A_568 = tpu.iota {dimensions = array<i32: 0>} : vector<16xi32>
      %rev3A_569 = arith.subi %rev3A_567, %rev3A_568 : vector<16xi32>
      %rev3A_570 = tpu.dynamic_gather %masked_sort3A_443[%rev3A_569] in [0] : vector<16xf32>, vector<16xi32> -> vector<16xf32>
      %rev3A_571 = arith.constant 15 : i32
      %rev3A_572 = vector.broadcast %rev3A_571 : i32 to vector<16xi32>
      %rev3A_573 = tpu.iota {dimensions = array<i32: 0>} : vector<16xi32>
      %rev3A_574 = arith.subi %rev3A_572, %rev3A_573 : vector<16xi32>
      %rev3A_575 = tpu.dynamic_gather %masked_sort3A_434[%rev3A_574] in [0] : vector<16xf32>, vector<16xi32> -> vector<16xf32>
      %rev3A_576 = arith.constant 15 : i32
      %rev3A_577 = vector.broadcast %rev3A_576 : i32 to vector<16xi32>
      %rev3A_578 = tpu.iota {dimensions = array<i32: 0>} : vector<16xi32>
      %rev3A_579 = arith.subi %rev3A_577, %rev3A_578 : vector<16xi32>
      %rev3A_580 = tpu.dynamic_gather %masked_sort3A_430[%rev3A_579] in [0] : vector<16xf32>, vector<16xi32> -> vector<16xf32>
      %rev3A_581 = arith.constant 15 : i32
      %rev3A_582 = vector.broadcast %rev3A_581 : i32 to vector<16xi32>
      %rev3A_583 = tpu.iota {dimensions = array<i32: 0>} : vector<16xi32>
      %rev3A_584 = arith.subi %rev3A_582, %rev3A_583 : vector<16xi32>
      %rev3A_585 = tpu.dynamic_gather %masked_sort3A_448[%rev3A_584] in [0] : vector<16xi32>, vector<16xi32> -> vector<16xi32>
      %rev3A_586 = arith.constant 15 : i32
      %rev3A_587 = vector.broadcast %rev3A_586 : i32 to vector<16xi32>
      %rev3A_588 = tpu.iota {dimensions = array<i32: 0>} : vector<16xi32>
      %rev3A_589 = arith.subi %rev3A_587, %rev3A_588 : vector<16xi32>
      %rev3A_590 = tpu.dynamic_gather %masked_sort3A_444[%rev3A_589] in [0] : vector<16xi32>, vector<16xi32> -> vector<16xi32>
      %rev3A_591 = arith.constant 15 : i32
      %rev3A_592 = vector.broadcast %rev3A_591 : i32 to vector<16xi32>
      %rev3A_593 = tpu.iota {dimensions = array<i32: 0>} : vector<16xi32>
      %rev3A_594 = arith.subi %rev3A_592, %rev3A_593 : vector<16xi32>
      %rev3A_595 = tpu.dynamic_gather %masked_sort3A_435[%rev3A_594] in [0] : vector<16xi32>, vector<16xi32> -> vector<16xi32>
      %rev3A_596 = arith.constant 15 : i32
      %rev3A_597 = vector.broadcast %rev3A_596 : i32 to vector<16xi32>
      %rev3A_598 = tpu.iota {dimensions = array<i32: 0>} : vector<16xi32>
      %rev3A_599 = arith.subi %rev3A_597, %rev3A_598 : vector<16xi32>
      %rev3A_600 = tpu.dynamic_gather %masked_sort3A_431[%rev3A_599] in [0] : vector<16xi32>, vector<16xi32> -> vector<16xi32>
      %le3A_601 = arith.cmpf ole, %masked_sort3A_374, %rev3A_565 : vector<16xf32>
      %min3A_602 = arith.minimumf %masked_sort3A_374, %rev3A_565 : vector<16xf32>
      %max3A_603 = arith.maximumf %masked_sort3A_374, %rev3A_565 : vector<16xf32>
      %select_n3A_604 = arith.select %le3A_601, %masked_sort3A_375, %rev3A_585 : vector<16xi1>, vector<16xi32>
      %select_n3A_605 = arith.select %le3A_601, %rev3A_585, %masked_sort3A_375 : vector<16xi1>, vector<16xi32>
      %le3A_606 = arith.cmpf ole, %masked_sort3A_378, %rev3A_570 : vector<16xf32>
      %min3A_607 = arith.minimumf %masked_sort3A_378, %rev3A_570 : vector<16xf32>
      %max3A_608 = arith.maximumf %masked_sort3A_378, %rev3A_570 : vector<16xf32>
      %select_n3A_609 = arith.select %le3A_606, %masked_sort3A_379, %rev3A_590 : vector<16xi1>, vector<16xi32>
      %select_n3A_610 = arith.select %le3A_606, %rev3A_590, %masked_sort3A_379 : vector<16xi1>, vector<16xi32>
      %le3A_611 = arith.cmpf ole, %masked_sort3A_387, %rev3A_575 : vector<16xf32>
      %min3A_612 = arith.minimumf %masked_sort3A_387, %rev3A_575 : vector<16xf32>
      %max3A_613 = arith.maximumf %masked_sort3A_387, %rev3A_575 : vector<16xf32>
      %select_n3A_614 = arith.select %le3A_611, %masked_sort3A_388, %rev3A_595 : vector<16xi1>, vector<16xi32>
      %select_n3A_615 = arith.select %le3A_611, %rev3A_595, %masked_sort3A_388 : vector<16xi1>, vector<16xi32>
      %le3A_616 = arith.cmpf ole, %masked_sort3A_391, %rev3A_580 : vector<16xf32>
      %min3A_617 = arith.minimumf %masked_sort3A_391, %rev3A_580 : vector<16xf32>
      %max3A_618 = arith.maximumf %masked_sort3A_391, %rev3A_580 : vector<16xf32>
      %select_n3A_619 = arith.select %le3A_616, %masked_sort3A_392, %rev3A_600 : vector<16xi1>, vector<16xi32>
      %select_n3A_620 = arith.select %le3A_616, %rev3A_600, %masked_sort3A_392 : vector<16xi1>, vector<16xi32>
      %le3A_621 = arith.cmpf ole, %min3A_602, %min3A_612 : vector<16xf32>
      %min3A_622 = arith.minimumf %min3A_602, %min3A_612 : vector<16xf32>
      %max3A_623 = arith.maximumf %min3A_602, %min3A_612 : vector<16xf32>
      %select_n3A_624 = arith.select %le3A_621, %select_n3A_604, %select_n3A_614 : vector<16xi1>, vector<16xi32>
      %select_n3A_625 = arith.select %le3A_621, %select_n3A_614, %select_n3A_604 : vector<16xi1>, vector<16xi32>
      %le3A_626 = arith.cmpf ole, %min3A_607, %min3A_617 : vector<16xf32>
      %min3A_627 = arith.minimumf %min3A_607, %min3A_617 : vector<16xf32>
      %max3A_628 = arith.maximumf %min3A_607, %min3A_617 : vector<16xf32>
      %select_n3A_629 = arith.select %le3A_626, %select_n3A_609, %select_n3A_619 : vector<16xi1>, vector<16xi32>
      %select_n3A_630 = arith.select %le3A_626, %select_n3A_619, %select_n3A_609 : vector<16xi1>, vector<16xi32>
      %le3A_631 = arith.cmpf ole, %min3A_622, %min3A_627 : vector<16xf32>
      %min3A_632 = arith.minimumf %min3A_622, %min3A_627 : vector<16xf32>
      %max3A_633 = arith.maximumf %min3A_622, %min3A_627 : vector<16xf32>
      %select_n3A_634 = arith.select %le3A_631, %select_n3A_624, %select_n3A_629 : vector<16xi1>, vector<16xi32>
      %select_n3A_635 = arith.select %le3A_631, %select_n3A_629, %select_n3A_624 : vector<16xi1>, vector<16xi32>
      %le3A_636 = arith.cmpf ole, %max3A_623, %max3A_628 : vector<16xf32>
      %min3A_637 = arith.minimumf %max3A_623, %max3A_628 : vector<16xf32>
      %max3A_638 = arith.maximumf %max3A_623, %max3A_628 : vector<16xf32>
      %select_n3A_639 = arith.select %le3A_636, %select_n3A_625, %select_n3A_630 : vector<16xi1>, vector<16xi32>
      %select_n3A_640 = arith.select %le3A_636, %select_n3A_630, %select_n3A_625 : vector<16xi1>, vector<16xi32>
      %masked_sort3A_641 = arith.constant dense<true> : vector<16xi1>
      %masked_sort3A_642, %masked_sort3A_643, %masked_sort3A_644 = tpu.sort %min3A_632, %select_n3A_634 masked %masked_sort3A_641 : (vector<16xf32>, vector<16xi32>, vector<16xi1>) -> (vector<16xi1>, vector<16xf32>, vector<16xi32>)
      %masked_sort3A_645 = arith.constant dense<true> : vector<16xi1>
      %masked_sort3A_646, %masked_sort3A_647, %masked_sort3A_648 = tpu.sort %max3A_633, %select_n3A_635 masked %masked_sort3A_645 : (vector<16xf32>, vector<16xi32>, vector<16xi1>) -> (vector<16xi1>, vector<16xf32>, vector<16xi32>)
      %masked_sort3A_649 = arith.constant dense<true> : vector<16xi1>
      %masked_sort3A_650, %masked_sort3A_651, %masked_sort3A_652 = tpu.sort %min3A_637, %select_n3A_639 masked %masked_sort3A_649 : (vector<16xf32>, vector<16xi32>, vector<16xi1>) -> (vector<16xi1>, vector<16xf32>, vector<16xi32>)
      %masked_sort3A_653 = arith.constant dense<true> : vector<16xi1>
      %masked_sort3A_654, %masked_sort3A_655, %masked_sort3A_656 = tpu.sort %max3A_638, %select_n3A_640 masked %masked_sort3A_653 : (vector<16xf32>, vector<16xi32>, vector<16xi1>) -> (vector<16xi1>, vector<16xf32>, vector<16xi32>)
      %le3A_657 = arith.cmpf ole, %max3A_603, %max3A_613 : vector<16xf32>
      %min3A_658 = arith.minimumf %max3A_603, %max3A_613 : vector<16xf32>
      %max3A_659 = arith.maximumf %max3A_603, %max3A_613 : vector<16xf32>
      %select_n3A_660 = arith.select %le3A_657, %select_n3A_605, %select_n3A_615 : vector<16xi1>, vector<16xi32>
      %select_n3A_661 = arith.select %le3A_657, %select_n3A_615, %select_n3A_605 : vector<16xi1>, vector<16xi32>
      %le3A_662 = arith.cmpf ole, %max3A_608, %max3A_618 : vector<16xf32>
      %min3A_663 = arith.minimumf %max3A_608, %max3A_618 : vector<16xf32>
      %max3A_664 = arith.maximumf %max3A_608, %max3A_618 : vector<16xf32>
      %select_n3A_665 = arith.select %le3A_662, %select_n3A_610, %select_n3A_620 : vector<16xi1>, vector<16xi32>
      %select_n3A_666 = arith.select %le3A_662, %select_n3A_620, %select_n3A_610 : vector<16xi1>, vector<16xi32>
      %le3A_667 = arith.cmpf ole, %min3A_658, %min3A_663 : vector<16xf32>
      %min3A_668 = arith.minimumf %min3A_658, %min3A_663 : vector<16xf32>
      %max3A_669 = arith.maximumf %min3A_658, %min3A_663 : vector<16xf32>
      %select_n3A_670 = arith.select %le3A_667, %select_n3A_660, %select_n3A_665 : vector<16xi1>, vector<16xi32>
      %select_n3A_671 = arith.select %le3A_667, %select_n3A_665, %select_n3A_660 : vector<16xi1>, vector<16xi32>
      %le3A_672 = arith.cmpf ole, %max3A_659, %max3A_664 : vector<16xf32>
      %min3A_673 = arith.minimumf %max3A_659, %max3A_664 : vector<16xf32>
      %max3A_674 = arith.maximumf %max3A_659, %max3A_664 : vector<16xf32>
      %select_n3A_675 = arith.select %le3A_672, %select_n3A_661, %select_n3A_666 : vector<16xi1>, vector<16xi32>
      %select_n3A_676 = arith.select %le3A_672, %select_n3A_666, %select_n3A_661 : vector<16xi1>, vector<16xi32>
      %masked_sort3A_677 = arith.constant dense<true> : vector<16xi1>
      %masked_sort3A_678, %masked_sort3A_679, %masked_sort3A_680 = tpu.sort %min3A_668, %select_n3A_670 masked %masked_sort3A_677 : (vector<16xf32>, vector<16xi32>, vector<16xi1>) -> (vector<16xi1>, vector<16xf32>, vector<16xi32>)
      %masked_sort3A_681 = arith.constant dense<true> : vector<16xi1>
      %masked_sort3A_682, %masked_sort3A_683, %masked_sort3A_684 = tpu.sort %max3A_669, %select_n3A_671 masked %masked_sort3A_681 : (vector<16xf32>, vector<16xi32>, vector<16xi1>) -> (vector<16xi1>, vector<16xf32>, vector<16xi32>)
      %masked_sort3A_685 = arith.constant dense<true> : vector<16xi1>
      %masked_sort3A_686, %masked_sort3A_687, %masked_sort3A_688 = tpu.sort %min3A_673, %select_n3A_675 masked %masked_sort3A_685 : (vector<16xf32>, vector<16xi32>, vector<16xi1>) -> (vector<16xi1>, vector<16xf32>, vector<16xi32>)
      %masked_sort3A_689 = arith.constant dense<true> : vector<16xi1>
      %masked_sort3A_690, %masked_sort3A_691, %masked_sort3A_692 = tpu.sort %max3A_674, %select_n3A_676 masked %masked_sort3A_689 : (vector<16xf32>, vector<16xi32>, vector<16xi1>) -> (vector<16xi1>, vector<16xf32>, vector<16xi32>)
      %rev3A_693 = arith.constant 15 : i32
      %rev3A_694 = vector.broadcast %rev3A_693 : i32 to vector<16xi32>
      %rev3A_695 = tpu.iota {dimensions = array<i32: 0>} : vector<16xi32>
      %rev3A_696 = arith.subi %rev3A_694, %rev3A_695 : vector<16xi32>
      %rev3A_697 = tpu.dynamic_gather %masked_sort3A_559[%rev3A_696] in [0] : vector<16xf32>, vector<16xi32> -> vector<16xf32>
      %rev3A_698 = arith.constant 15 : i32
      %rev3A_699 = vector.broadcast %rev3A_698 : i32 to vector<16xi32>
      %rev3A_700 = tpu.iota {dimensions = array<i32: 0>} : vector<16xi32>
      %rev3A_701 = arith.subi %rev3A_699, %rev3A_700 : vector<16xi32>
      %rev3A_702 = tpu.dynamic_gather %masked_sort3A_555[%rev3A_701] in [0] : vector<16xf32>, vector<16xi32> -> vector<16xf32>
      %rev3A_703 = arith.constant 15 : i32
      %rev3A_704 = vector.broadcast %rev3A_703 : i32 to vector<16xi32>
      %rev3A_705 = tpu.iota {dimensions = array<i32: 0>} : vector<16xi32>
      %rev3A_706 = arith.subi %rev3A_704, %rev3A_705 : vector<16xi32>
      %rev3A_707 = tpu.dynamic_gather %masked_sort3A_546[%rev3A_706] in [0] : vector<16xf32>, vector<16xi32> -> vector<16xf32>
      %rev3A_708 = arith.constant 15 : i32
      %rev3A_709 = vector.broadcast %rev3A_708 : i32 to vector<16xi32>
      %rev3A_710 = tpu.iota {dimensions = array<i32: 0>} : vector<16xi32>
      %rev3A_711 = arith.subi %rev3A_709, %rev3A_710 : vector<16xi32>
      %rev3A_712 = tpu.dynamic_gather %masked_sort3A_542[%rev3A_711] in [0] : vector<16xf32>, vector<16xi32> -> vector<16xf32>
      %rev3A_713 = arith.constant 15 : i32
      %rev3A_714 = vector.broadcast %rev3A_713 : i32 to vector<16xi32>
      %rev3A_715 = tpu.iota {dimensions = array<i32: 0>} : vector<16xi32>
      %rev3A_716 = arith.subi %rev3A_714, %rev3A_715 : vector<16xi32>
      %rev3A_717 = tpu.dynamic_gather %masked_sort3A_560[%rev3A_716] in [0] : vector<16xi32>, vector<16xi32> -> vector<16xi32>
      %rev3A_718 = arith.constant 15 : i32
      %rev3A_719 = vector.broadcast %rev3A_718 : i32 to vector<16xi32>
      %rev3A_720 = tpu.iota {dimensions = array<i32: 0>} : vector<16xi32>
      %rev3A_721 = arith.subi %rev3A_719, %rev3A_720 : vector<16xi32>
      %rev3A_722 = tpu.dynamic_gather %masked_sort3A_556[%rev3A_721] in [0] : vector<16xi32>, vector<16xi32> -> vector<16xi32>
      %rev3A_723 = arith.constant 15 : i32
      %rev3A_724 = vector.broadcast %rev3A_723 : i32 to vector<16xi32>
      %rev3A_725 = tpu.iota {dimensions = array<i32: 0>} : vector<16xi32>
      %rev3A_726 = arith.subi %rev3A_724, %rev3A_725 : vector<16xi32>
      %rev3A_727 = tpu.dynamic_gather %masked_sort3A_547[%rev3A_726] in [0] : vector<16xi32>, vector<16xi32> -> vector<16xi32>
      %rev3A_728 = arith.constant 15 : i32
      %rev3A_729 = vector.broadcast %rev3A_728 : i32 to vector<16xi32>
      %rev3A_730 = tpu.iota {dimensions = array<i32: 0>} : vector<16xi32>
      %rev3A_731 = arith.subi %rev3A_729, %rev3A_730 : vector<16xi32>
      %rev3A_732 = tpu.dynamic_gather %masked_sort3A_543[%rev3A_731] in [0] : vector<16xi32>, vector<16xi32> -> vector<16xi32>
      %le3A_733 = arith.cmpf ole, %masked_sort3A_486, %rev3A_697 : vector<16xf32>
      %min3A_734 = arith.minimumf %masked_sort3A_486, %rev3A_697 : vector<16xf32>
      %max3A_735 = arith.maximumf %masked_sort3A_486, %rev3A_697 : vector<16xf32>
      %select_n3A_736 = arith.select %le3A_733, %masked_sort3A_487, %rev3A_717 : vector<16xi1>, vector<16xi32>
      %select_n3A_737 = arith.select %le3A_733, %rev3A_717, %masked_sort3A_487 : vector<16xi1>, vector<16xi32>
      %le3A_738 = arith.cmpf ole, %masked_sort3A_490, %rev3A_702 : vector<16xf32>
      %min3A_739 = arith.minimumf %masked_sort3A_490, %rev3A_702 : vector<16xf32>
      %max3A_740 = arith.maximumf %masked_sort3A_490, %rev3A_702 : vector<16xf32>
      %select_n3A_741 = arith.select %le3A_738, %masked_sort3A_491, %rev3A_722 : vector<16xi1>, vector<16xi32>
      %select_n3A_742 = arith.select %le3A_738, %rev3A_722, %masked_sort3A_491 : vector<16xi1>, vector<16xi32>
      %le3A_743 = arith.cmpf ole, %masked_sort3A_499, %rev3A_707 : vector<16xf32>
      %min3A_744 = arith.minimumf %masked_sort3A_499, %rev3A_707 : vector<16xf32>
      %max3A_745 = arith.maximumf %masked_sort3A_499, %rev3A_707 : vector<16xf32>
      %select_n3A_746 = arith.select %le3A_743, %masked_sort3A_500, %rev3A_727 : vector<16xi1>, vector<16xi32>
      %select_n3A_747 = arith.select %le3A_743, %rev3A_727, %masked_sort3A_500 : vector<16xi1>, vector<16xi32>
      %le3A_748 = arith.cmpf ole, %masked_sort3A_503, %rev3A_712 : vector<16xf32>
      %min3A_749 = arith.minimumf %masked_sort3A_503, %rev3A_712 : vector<16xf32>
      %max3A_750 = arith.maximumf %masked_sort3A_503, %rev3A_712 : vector<16xf32>
      %select_n3A_751 = arith.select %le3A_748, %masked_sort3A_504, %rev3A_732 : vector<16xi1>, vector<16xi32>
      %select_n3A_752 = arith.select %le3A_748, %rev3A_732, %masked_sort3A_504 : vector<16xi1>, vector<16xi32>
      %le3A_753 = arith.cmpf ole, %min3A_734, %min3A_744 : vector<16xf32>
      %min3A_754 = arith.minimumf %min3A_734, %min3A_744 : vector<16xf32>
      %max3A_755 = arith.maximumf %min3A_734, %min3A_744 : vector<16xf32>
      %select_n3A_756 = arith.select %le3A_753, %select_n3A_736, %select_n3A_746 : vector<16xi1>, vector<16xi32>
      %select_n3A_757 = arith.select %le3A_753, %select_n3A_746, %select_n3A_736 : vector<16xi1>, vector<16xi32>
      %le3A_758 = arith.cmpf ole, %min3A_739, %min3A_749 : vector<16xf32>
      %min3A_759 = arith.minimumf %min3A_739, %min3A_749 : vector<16xf32>
      %max3A_760 = arith.maximumf %min3A_739, %min3A_749 : vector<16xf32>
      %select_n3A_761 = arith.select %le3A_758, %select_n3A_741, %select_n3A_751 : vector<16xi1>, vector<16xi32>
      %select_n3A_762 = arith.select %le3A_758, %select_n3A_751, %select_n3A_741 : vector<16xi1>, vector<16xi32>
      %le3A_763 = arith.cmpf ole, %min3A_754, %min3A_759 : vector<16xf32>
      %min3A_764 = arith.minimumf %min3A_754, %min3A_759 : vector<16xf32>
      %max3A_765 = arith.maximumf %min3A_754, %min3A_759 : vector<16xf32>
      %select_n3A_766 = arith.select %le3A_763, %select_n3A_756, %select_n3A_761 : vector<16xi1>, vector<16xi32>
      %select_n3A_767 = arith.select %le3A_763, %select_n3A_761, %select_n3A_756 : vector<16xi1>, vector<16xi32>
      %le3A_768 = arith.cmpf ole, %max3A_755, %max3A_760 : vector<16xf32>
      %min3A_769 = arith.minimumf %max3A_755, %max3A_760 : vector<16xf32>
      %max3A_770 = arith.maximumf %max3A_755, %max3A_760 : vector<16xf32>
      %select_n3A_771 = arith.select %le3A_768, %select_n3A_757, %select_n3A_762 : vector<16xi1>, vector<16xi32>
      %select_n3A_772 = arith.select %le3A_768, %select_n3A_762, %select_n3A_757 : vector<16xi1>, vector<16xi32>
      %masked_sort3A_773 = arith.constant dense<true> : vector<16xi1>
      %masked_sort3A_774, %masked_sort3A_775, %masked_sort3A_776 = tpu.sort %min3A_764, %select_n3A_766 masked %masked_sort3A_773 : (vector<16xf32>, vector<16xi32>, vector<16xi1>) -> (vector<16xi1>, vector<16xf32>, vector<16xi32>)
      %masked_sort3A_777 = arith.constant dense<true> : vector<16xi1>
      %masked_sort3A_778, %masked_sort3A_779, %masked_sort3A_780 = tpu.sort %max3A_765, %select_n3A_767 masked %masked_sort3A_777 : (vector<16xf32>, vector<16xi32>, vector<16xi1>) -> (vector<16xi1>, vector<16xf32>, vector<16xi32>)
      %masked_sort3A_781 = arith.constant dense<true> : vector<16xi1>
      %masked_sort3A_782, %masked_sort3A_783, %masked_sort3A_784 = tpu.sort %min3A_769, %select_n3A_771 masked %masked_sort3A_781 : (vector<16xf32>, vector<16xi32>, vector<16xi1>) -> (vector<16xi1>, vector<16xf32>, vector<16xi32>)
      %masked_sort3A_785 = arith.constant dense<true> : vector<16xi1>
      %masked_sort3A_786, %masked_sort3A_787, %masked_sort3A_788 = tpu.sort %max3A_770, %select_n3A_772 masked %masked_sort3A_785 : (vector<16xf32>, vector<16xi32>, vector<16xi1>) -> (vector<16xi1>, vector<16xf32>, vector<16xi32>)
      %le3A_789 = arith.cmpf ole, %max3A_735, %max3A_745 : vector<16xf32>
      %min3A_790 = arith.minimumf %max3A_735, %max3A_745 : vector<16xf32>
      %max3A_791 = arith.maximumf %max3A_735, %max3A_745 : vector<16xf32>
      %select_n3A_792 = arith.select %le3A_789, %select_n3A_737, %select_n3A_747 : vector<16xi1>, vector<16xi32>
      %select_n3A_793 = arith.select %le3A_789, %select_n3A_747, %select_n3A_737 : vector<16xi1>, vector<16xi32>
      %le3A_794 = arith.cmpf ole, %max3A_740, %max3A_750 : vector<16xf32>
      %min3A_795 = arith.minimumf %max3A_740, %max3A_750 : vector<16xf32>
      %max3A_796 = arith.maximumf %max3A_740, %max3A_750 : vector<16xf32>
      %select_n3A_797 = arith.select %le3A_794, %select_n3A_742, %select_n3A_752 : vector<16xi1>, vector<16xi32>
      %select_n3A_798 = arith.select %le3A_794, %select_n3A_752, %select_n3A_742 : vector<16xi1>, vector<16xi32>
      %le3A_799 = arith.cmpf ole, %min3A_790, %min3A_795 : vector<16xf32>
      %min3A_800 = arith.minimumf %min3A_790, %min3A_795 : vector<16xf32>
      %max3A_801 = arith.maximumf %min3A_790, %min3A_795 : vector<16xf32>
      %select_n3A_802 = arith.select %le3A_799, %select_n3A_792, %select_n3A_797 : vector<16xi1>, vector<16xi32>
      %select_n3A_803 = arith.select %le3A_799, %select_n3A_797, %select_n3A_792 : vector<16xi1>, vector<16xi32>
      %le3A_804 = arith.cmpf ole, %max3A_791, %max3A_796 : vector<16xf32>
      %min3A_805 = arith.minimumf %max3A_791, %max3A_796 : vector<16xf32>
      %max3A_806 = arith.maximumf %max3A_791, %max3A_796 : vector<16xf32>
      %select_n3A_807 = arith.select %le3A_804, %select_n3A_793, %select_n3A_798 : vector<16xi1>, vector<16xi32>
      %select_n3A_808 = arith.select %le3A_804, %select_n3A_798, %select_n3A_793 : vector<16xi1>, vector<16xi32>
      %masked_sort3A_809 = arith.constant dense<true> : vector<16xi1>
      %masked_sort3A_810, %masked_sort3A_811, %masked_sort3A_812 = tpu.sort %min3A_800, %select_n3A_802 masked %masked_sort3A_809 : (vector<16xf32>, vector<16xi32>, vector<16xi1>) -> (vector<16xi1>, vector<16xf32>, vector<16xi32>)
      %masked_sort3A_813 = arith.constant dense<true> : vector<16xi1>
      %masked_sort3A_814, %masked_sort3A_815, %masked_sort3A_816 = tpu.sort %max3A_801, %select_n3A_803 masked %masked_sort3A_813 : (vector<16xf32>, vector<16xi32>, vector<16xi1>) -> (vector<16xi1>, vector<16xf32>, vector<16xi32>)
      %masked_sort3A_817 = arith.constant dense<true> : vector<16xi1>
      %masked_sort3A_818, %masked_sort3A_819, %masked_sort3A_820 = tpu.sort %min3A_805, %select_n3A_807 masked %masked_sort3A_817 : (vector<16xf32>, vector<16xi32>, vector<16xi1>) -> (vector<16xi1>, vector<16xf32>, vector<16xi32>)
      %masked_sort3A_821 = arith.constant dense<true> : vector<16xi1>
      %masked_sort3A_822, %masked_sort3A_823, %masked_sort3A_824 = tpu.sort %max3A_806, %select_n3A_808 masked %masked_sort3A_821 : (vector<16xf32>, vector<16xi32>, vector<16xi1>) -> (vector<16xi1>, vector<16xf32>, vector<16xi32>)
      %rev3A_825 = arith.constant 15 : i32
      %rev3A_826 = vector.broadcast %rev3A_825 : i32 to vector<16xi32>
      %rev3A_827 = tpu.iota {dimensions = array<i32: 0>} : vector<16xi32>
      %rev3A_828 = arith.subi %rev3A_826, %rev3A_827 : vector<16xi32>
      %rev3A_829 = tpu.dynamic_gather %masked_sort3A_823[%rev3A_828] in [0] : vector<16xf32>, vector<16xi32> -> vector<16xf32>
      %rev3A_830 = arith.constant 15 : i32
      %rev3A_831 = vector.broadcast %rev3A_830 : i32 to vector<16xi32>
      %rev3A_832 = tpu.iota {dimensions = array<i32: 0>} : vector<16xi32>
      %rev3A_833 = arith.subi %rev3A_831, %rev3A_832 : vector<16xi32>
      %rev3A_834 = tpu.dynamic_gather %masked_sort3A_819[%rev3A_833] in [0] : vector<16xf32>, vector<16xi32> -> vector<16xf32>
      %rev3A_835 = arith.constant 15 : i32
      %rev3A_836 = vector.broadcast %rev3A_835 : i32 to vector<16xi32>
      %rev3A_837 = tpu.iota {dimensions = array<i32: 0>} : vector<16xi32>
      %rev3A_838 = arith.subi %rev3A_836, %rev3A_837 : vector<16xi32>
      %rev3A_839 = tpu.dynamic_gather %masked_sort3A_815[%rev3A_838] in [0] : vector<16xf32>, vector<16xi32> -> vector<16xf32>
      %rev3A_840 = arith.constant 15 : i32
      %rev3A_841 = vector.broadcast %rev3A_840 : i32 to vector<16xi32>
      %rev3A_842 = tpu.iota {dimensions = array<i32: 0>} : vector<16xi32>
      %rev3A_843 = arith.subi %rev3A_841, %rev3A_842 : vector<16xi32>
      %rev3A_844 = tpu.dynamic_gather %masked_sort3A_811[%rev3A_843] in [0] : vector<16xf32>, vector<16xi32> -> vector<16xf32>
      %rev3A_845 = arith.constant 15 : i32
      %rev3A_846 = vector.broadcast %rev3A_845 : i32 to vector<16xi32>
      %rev3A_847 = tpu.iota {dimensions = array<i32: 0>} : vector<16xi32>
      %rev3A_848 = arith.subi %rev3A_846, %rev3A_847 : vector<16xi32>
      %rev3A_849 = tpu.dynamic_gather %masked_sort3A_787[%rev3A_848] in [0] : vector<16xf32>, vector<16xi32> -> vector<16xf32>
      %rev3A_850 = arith.constant 15 : i32
      %rev3A_851 = vector.broadcast %rev3A_850 : i32 to vector<16xi32>
      %rev3A_852 = tpu.iota {dimensions = array<i32: 0>} : vector<16xi32>
      %rev3A_853 = arith.subi %rev3A_851, %rev3A_852 : vector<16xi32>
      %rev3A_854 = tpu.dynamic_gather %masked_sort3A_783[%rev3A_853] in [0] : vector<16xf32>, vector<16xi32> -> vector<16xf32>
      %rev3A_855 = arith.constant 15 : i32
      %rev3A_856 = vector.broadcast %rev3A_855 : i32 to vector<16xi32>
      %rev3A_857 = tpu.iota {dimensions = array<i32: 0>} : vector<16xi32>
      %rev3A_858 = arith.subi %rev3A_856, %rev3A_857 : vector<16xi32>
      %rev3A_859 = tpu.dynamic_gather %masked_sort3A_779[%rev3A_858] in [0] : vector<16xf32>, vector<16xi32> -> vector<16xf32>
      %rev3A_860 = arith.constant 15 : i32
      %rev3A_861 = vector.broadcast %rev3A_860 : i32 to vector<16xi32>
      %rev3A_862 = tpu.iota {dimensions = array<i32: 0>} : vector<16xi32>
      %rev3A_863 = arith.subi %rev3A_861, %rev3A_862 : vector<16xi32>
      %rev3A_864 = tpu.dynamic_gather %masked_sort3A_775[%rev3A_863] in [0] : vector<16xf32>, vector<16xi32> -> vector<16xf32>
      %rev3A_865 = arith.constant 15 : i32
      %rev3A_866 = vector.broadcast %rev3A_865 : i32 to vector<16xi32>
      %rev3A_867 = tpu.iota {dimensions = array<i32: 0>} : vector<16xi32>
      %rev3A_868 = arith.subi %rev3A_866, %rev3A_867 : vector<16xi32>
      %rev3A_869 = tpu.dynamic_gather %masked_sort3A_824[%rev3A_868] in [0] : vector<16xi32>, vector<16xi32> -> vector<16xi32>
      %rev3A_870 = arith.constant 15 : i32
      %rev3A_871 = vector.broadcast %rev3A_870 : i32 to vector<16xi32>
      %rev3A_872 = tpu.iota {dimensions = array<i32: 0>} : vector<16xi32>
      %rev3A_873 = arith.subi %rev3A_871, %rev3A_872 : vector<16xi32>
      %rev3A_874 = tpu.dynamic_gather %masked_sort3A_820[%rev3A_873] in [0] : vector<16xi32>, vector<16xi32> -> vector<16xi32>
      %rev3A_875 = arith.constant 15 : i32
      %rev3A_876 = vector.broadcast %rev3A_875 : i32 to vector<16xi32>
      %rev3A_877 = tpu.iota {dimensions = array<i32: 0>} : vector<16xi32>
      %rev3A_878 = arith.subi %rev3A_876, %rev3A_877 : vector<16xi32>
      %rev3A_879 = tpu.dynamic_gather %masked_sort3A_816[%rev3A_878] in [0] : vector<16xi32>, vector<16xi32> -> vector<16xi32>
      %rev3A_880 = arith.constant 15 : i32
      %rev3A_881 = vector.broadcast %rev3A_880 : i32 to vector<16xi32>
      %rev3A_882 = tpu.iota {dimensions = array<i32: 0>} : vector<16xi32>
      %rev3A_883 = arith.subi %rev3A_881, %rev3A_882 : vector<16xi32>
      %rev3A_884 = tpu.dynamic_gather %masked_sort3A_812[%rev3A_883] in [0] : vector<16xi32>, vector<16xi32> -> vector<16xi32>
      %rev3A_885 = arith.constant 15 : i32
      %rev3A_886 = vector.broadcast %rev3A_885 : i32 to vector<16xi32>
      %rev3A_887 = tpu.iota {dimensions = array<i32: 0>} : vector<16xi32>
      %rev3A_888 = arith.subi %rev3A_886, %rev3A_887 : vector<16xi32>
      %rev3A_889 = tpu.dynamic_gather %masked_sort3A_788[%rev3A_888] in [0] : vector<16xi32>, vector<16xi32> -> vector<16xi32>
      %rev3A_890 = arith.constant 15 : i32
      %rev3A_891 = vector.broadcast %rev3A_890 : i32 to vector<16xi32>
      %rev3A_892 = tpu.iota {dimensions = array<i32: 0>} : vector<16xi32>
      %rev3A_893 = arith.subi %rev3A_891, %rev3A_892 : vector<16xi32>
      %rev3A_894 = tpu.dynamic_gather %masked_sort3A_784[%rev3A_893] in [0] : vector<16xi32>, vector<16xi32> -> vector<16xi32>
      %rev3A_895 = arith.constant 15 : i32
      %rev3A_896 = vector.broadcast %rev3A_895 : i32 to vector<16xi32>
      %rev3A_897 = tpu.iota {dimensions = array<i32: 0>} : vector<16xi32>
      %rev3A_898 = arith.subi %rev3A_896, %rev3A_897 : vector<16xi32>
      %rev3A_899 = tpu.dynamic_gather %masked_sort3A_780[%rev3A_898] in [0] : vector<16xi32>, vector<16xi32> -> vector<16xi32>
      %rev3A_900 = arith.constant 15 : i32
      %rev3A_901 = vector.broadcast %rev3A_900 : i32 to vector<16xi32>
      %rev3A_902 = tpu.iota {dimensions = array<i32: 0>} : vector<16xi32>
      %rev3A_903 = arith.subi %rev3A_901, %rev3A_902 : vector<16xi32>
      %rev3A_904 = tpu.dynamic_gather %masked_sort3A_776[%rev3A_903] in [0] : vector<16xi32>, vector<16xi32> -> vector<16xi32>
      %le3A_905 = arith.cmpf ole, %masked_sort3A_643, %rev3A_829 : vector<16xf32>
      %min3A_906 = arith.minimumf %masked_sort3A_643, %rev3A_829 : vector<16xf32>
      %max3A_907 = arith.maximumf %masked_sort3A_643, %rev3A_829 : vector<16xf32>
      %select_n3A_908 = arith.select %le3A_905, %masked_sort3A_644, %rev3A_869 : vector<16xi1>, vector<16xi32>
      %select_n3A_909 = arith.select %le3A_905, %rev3A_869, %masked_sort3A_644 : vector<16xi1>, vector<16xi32>
      %le3A_910 = arith.cmpf ole, %masked_sort3A_647, %rev3A_834 : vector<16xf32>
      %min3A_911 = arith.minimumf %masked_sort3A_647, %rev3A_834 : vector<16xf32>
      %max3A_912 = arith.maximumf %masked_sort3A_647, %rev3A_834 : vector<16xf32>
      %select_n3A_913 = arith.select %le3A_910, %masked_sort3A_648, %rev3A_874 : vector<16xi1>, vector<16xi32>
      %select_n3A_914 = arith.select %le3A_910, %rev3A_874, %masked_sort3A_648 : vector<16xi1>, vector<16xi32>
      %le3A_915 = arith.cmpf ole, %masked_sort3A_651, %rev3A_839 : vector<16xf32>
      %min3A_916 = arith.minimumf %masked_sort3A_651, %rev3A_839 : vector<16xf32>
      %max3A_917 = arith.maximumf %masked_sort3A_651, %rev3A_839 : vector<16xf32>
      %select_n3A_918 = arith.select %le3A_915, %masked_sort3A_652, %rev3A_879 : vector<16xi1>, vector<16xi32>
      %select_n3A_919 = arith.select %le3A_915, %rev3A_879, %masked_sort3A_652 : vector<16xi1>, vector<16xi32>
      %le3A_920 = arith.cmpf ole, %masked_sort3A_655, %rev3A_844 : vector<16xf32>
      %min3A_921 = arith.minimumf %masked_sort3A_655, %rev3A_844 : vector<16xf32>
      %max3A_922 = arith.maximumf %masked_sort3A_655, %rev3A_844 : vector<16xf32>
      %select_n3A_923 = arith.select %le3A_920, %masked_sort3A_656, %rev3A_884 : vector<16xi1>, vector<16xi32>
      %select_n3A_924 = arith.select %le3A_920, %rev3A_884, %masked_sort3A_656 : vector<16xi1>, vector<16xi32>
      %le3A_925 = arith.cmpf ole, %masked_sort3A_679, %rev3A_849 : vector<16xf32>
      %min3A_926 = arith.minimumf %masked_sort3A_679, %rev3A_849 : vector<16xf32>
      %max3A_927 = arith.maximumf %masked_sort3A_679, %rev3A_849 : vector<16xf32>
      %select_n3A_928 = arith.select %le3A_925, %masked_sort3A_680, %rev3A_889 : vector<16xi1>, vector<16xi32>
      %select_n3A_929 = arith.select %le3A_925, %rev3A_889, %masked_sort3A_680 : vector<16xi1>, vector<16xi32>
      %le3A_930 = arith.cmpf ole, %masked_sort3A_683, %rev3A_854 : vector<16xf32>
      %min3A_931 = arith.minimumf %masked_sort3A_683, %rev3A_854 : vector<16xf32>
      %max3A_932 = arith.maximumf %masked_sort3A_683, %rev3A_854 : vector<16xf32>
      %select_n3A_933 = arith.select %le3A_930, %masked_sort3A_684, %rev3A_894 : vector<16xi1>, vector<16xi32>
      %select_n3A_934 = arith.select %le3A_930, %rev3A_894, %masked_sort3A_684 : vector<16xi1>, vector<16xi32>
      %le3A_935 = arith.cmpf ole, %masked_sort3A_687, %rev3A_859 : vector<16xf32>
      %min3A_936 = arith.minimumf %masked_sort3A_687, %rev3A_859 : vector<16xf32>
      %max3A_937 = arith.maximumf %masked_sort3A_687, %rev3A_859 : vector<16xf32>
      %select_n3A_938 = arith.select %le3A_935, %masked_sort3A_688, %rev3A_899 : vector<16xi1>, vector<16xi32>
      %select_n3A_939 = arith.select %le3A_935, %rev3A_899, %masked_sort3A_688 : vector<16xi1>, vector<16xi32>
      %le3A_940 = arith.cmpf ole, %masked_sort3A_691, %rev3A_864 : vector<16xf32>
      %min3A_941 = arith.minimumf %masked_sort3A_691, %rev3A_864 : vector<16xf32>
      %max3A_942 = arith.maximumf %masked_sort3A_691, %rev3A_864 : vector<16xf32>
      %select_n3A_943 = arith.select %le3A_940, %masked_sort3A_692, %rev3A_904 : vector<16xi1>, vector<16xi32>
      %select_n3A_944 = arith.select %le3A_940, %rev3A_904, %masked_sort3A_692 : vector<16xi1>, vector<16xi32>
      %le3A_945 = arith.cmpf ole, %min3A_906, %min3A_926 : vector<16xf32>
      %min3A_946 = arith.minimumf %min3A_906, %min3A_926 : vector<16xf32>
      %max3A_947 = arith.maximumf %min3A_906, %min3A_926 : vector<16xf32>
      %select_n3A_948 = arith.select %le3A_945, %select_n3A_908, %select_n3A_928 : vector<16xi1>, vector<16xi32>
      %select_n3A_949 = arith.select %le3A_945, %select_n3A_928, %select_n3A_908 : vector<16xi1>, vector<16xi32>
      %le3A_950 = arith.cmpf ole, %min3A_911, %min3A_931 : vector<16xf32>
      %min3A_951 = arith.minimumf %min3A_911, %min3A_931 : vector<16xf32>
      %max3A_952 = arith.maximumf %min3A_911, %min3A_931 : vector<16xf32>
      %select_n3A_953 = arith.select %le3A_950, %select_n3A_913, %select_n3A_933 : vector<16xi1>, vector<16xi32>
      %select_n3A_954 = arith.select %le3A_950, %select_n3A_933, %select_n3A_913 : vector<16xi1>, vector<16xi32>
      %le3A_955 = arith.cmpf ole, %min3A_916, %min3A_936 : vector<16xf32>
      %min3A_956 = arith.minimumf %min3A_916, %min3A_936 : vector<16xf32>
      %max3A_957 = arith.maximumf %min3A_916, %min3A_936 : vector<16xf32>
      %select_n3A_958 = arith.select %le3A_955, %select_n3A_918, %select_n3A_938 : vector<16xi1>, vector<16xi32>
      %select_n3A_959 = arith.select %le3A_955, %select_n3A_938, %select_n3A_918 : vector<16xi1>, vector<16xi32>
      %le3A_960 = arith.cmpf ole, %min3A_921, %min3A_941 : vector<16xf32>
      %min3A_961 = arith.minimumf %min3A_921, %min3A_941 : vector<16xf32>
      %max3A_962 = arith.maximumf %min3A_921, %min3A_941 : vector<16xf32>
      %select_n3A_963 = arith.select %le3A_960, %select_n3A_923, %select_n3A_943 : vector<16xi1>, vector<16xi32>
      %select_n3A_964 = arith.select %le3A_960, %select_n3A_943, %select_n3A_923 : vector<16xi1>, vector<16xi32>
      %le3A_965 = arith.cmpf ole, %min3A_946, %min3A_956 : vector<16xf32>
      %min3A_966 = arith.minimumf %min3A_946, %min3A_956 : vector<16xf32>
      %max3A_967 = arith.maximumf %min3A_946, %min3A_956 : vector<16xf32>
      %select_n3A_968 = arith.select %le3A_965, %select_n3A_948, %select_n3A_958 : vector<16xi1>, vector<16xi32>
      %select_n3A_969 = arith.select %le3A_965, %select_n3A_958, %select_n3A_948 : vector<16xi1>, vector<16xi32>
      %le3A_970 = arith.cmpf ole, %min3A_951, %min3A_961 : vector<16xf32>
      %min3A_971 = arith.minimumf %min3A_951, %min3A_961 : vector<16xf32>
      %max3A_972 = arith.maximumf %min3A_951, %min3A_961 : vector<16xf32>
      %select_n3A_973 = arith.select %le3A_970, %select_n3A_953, %select_n3A_963 : vector<16xi1>, vector<16xi32>
      %select_n3A_974 = arith.select %le3A_970, %select_n3A_963, %select_n3A_953 : vector<16xi1>, vector<16xi32>
      %le3A_975 = arith.cmpf ole, %max3A_947, %max3A_957 : vector<16xf32>
      %min3A_976 = arith.minimumf %max3A_947, %max3A_957 : vector<16xf32>
      %max3A_977 = arith.maximumf %max3A_947, %max3A_957 : vector<16xf32>
      %select_n3A_978 = arith.select %le3A_975, %select_n3A_949, %select_n3A_959 : vector<16xi1>, vector<16xi32>
      %select_n3A_979 = arith.select %le3A_975, %select_n3A_959, %select_n3A_949 : vector<16xi1>, vector<16xi32>
      %le3A_980 = arith.cmpf ole, %max3A_952, %max3A_962 : vector<16xf32>
      %min3A_981 = arith.minimumf %max3A_952, %max3A_962 : vector<16xf32>
      %max3A_982 = arith.maximumf %max3A_952, %max3A_962 : vector<16xf32>
      %select_n3A_983 = arith.select %le3A_980, %select_n3A_954, %select_n3A_964 : vector<16xi1>, vector<16xi32>
      %select_n3A_984 = arith.select %le3A_980, %select_n3A_964, %select_n3A_954 : vector<16xi1>, vector<16xi32>
      %le3A_985 = arith.cmpf ole, %min3A_966, %min3A_971 : vector<16xf32>
      %min3A_986 = arith.minimumf %min3A_966, %min3A_971 : vector<16xf32>
      %max3A_987 = arith.maximumf %min3A_966, %min3A_971 : vector<16xf32>
      %select_n3A_988 = arith.select %le3A_985, %select_n3A_968, %select_n3A_973 : vector<16xi1>, vector<16xi32>
      %select_n3A_989 = arith.select %le3A_985, %select_n3A_973, %select_n3A_968 : vector<16xi1>, vector<16xi32>
      %le3A_990 = arith.cmpf ole, %max3A_967, %max3A_972 : vector<16xf32>
      %min3A_991 = arith.minimumf %max3A_967, %max3A_972 : vector<16xf32>
      %max3A_992 = arith.maximumf %max3A_967, %max3A_972 : vector<16xf32>
      %select_n3A_993 = arith.select %le3A_990, %select_n3A_969, %select_n3A_974 : vector<16xi1>, vector<16xi32>
      %select_n3A_994 = arith.select %le3A_990, %select_n3A_974, %select_n3A_969 : vector<16xi1>, vector<16xi32>
      %le3A_995 = arith.cmpf ole, %min3A_976, %min3A_981 : vector<16xf32>
      %min3A_996 = arith.minimumf %min3A_976, %min3A_981 : vector<16xf32>
      %max3A_997 = arith.maximumf %min3A_976, %min3A_981 : vector<16xf32>
      %select_n3A_998 = arith.select %le3A_995, %select_n3A_978, %select_n3A_983 : vector<16xi1>, vector<16xi32>
      %select_n3A_999 = arith.select %le3A_995, %select_n3A_983, %select_n3A_978 : vector<16xi1>, vector<16xi32>
      %le3A_1000 = arith.cmpf ole, %max3A_977, %max3A_982 : vector<16xf32>
      %min3A_1001 = arith.minimumf %max3A_977, %max3A_982 : vector<16xf32>
      %max3A_1002 = arith.maximumf %max3A_977, %max3A_982 : vector<16xf32>
      %select_n3A_1003 = arith.select %le3A_1000, %select_n3A_979, %select_n3A_984 : vector<16xi1>, vector<16xi32>
      %select_n3A_1004 = arith.select %le3A_1000, %select_n3A_984, %select_n3A_979 : vector<16xi1>, vector<16xi32>
      %masked_sort3A_1005 = arith.constant dense<true> : vector<16xi1>
      %masked_sort3A_1006, %masked_sort3A_1007, %masked_sort3A_1008 = tpu.sort %min3A_986, %select_n3A_988 masked %masked_sort3A_1005 : (vector<16xf32>, vector<16xi32>, vector<16xi1>) -> (vector<16xi1>, vector<16xf32>, vector<16xi32>)
      %masked_sort3A_1009 = arith.constant dense<true> : vector<16xi1>
      %masked_sort3A_1010, %masked_sort3A_1011, %masked_sort3A_1012 = tpu.sort %max3A_987, %select_n3A_989 masked %masked_sort3A_1009 : (vector<16xf32>, vector<16xi32>, vector<16xi1>) -> (vector<16xi1>, vector<16xf32>, vector<16xi32>)
      %masked_sort3A_1013 = arith.constant dense<true> : vector<16xi1>
      %masked_sort3A_1014, %masked_sort3A_1015, %masked_sort3A_1016 = tpu.sort %min3A_991, %select_n3A_993 masked %masked_sort3A_1013 : (vector<16xf32>, vector<16xi32>, vector<16xi1>) -> (vector<16xi1>, vector<16xf32>, vector<16xi32>)
      %masked_sort3A_1017 = arith.constant dense<true> : vector<16xi1>
      %masked_sort3A_1018, %masked_sort3A_1019, %masked_sort3A_1020 = tpu.sort %max3A_992, %select_n3A_994 masked %masked_sort3A_1017 : (vector<16xf32>, vector<16xi32>, vector<16xi1>) -> (vector<16xi1>, vector<16xf32>, vector<16xi32>)
      %masked_sort3A_1021 = arith.constant dense<true> : vector<16xi1>
      %masked_sort3A_1022, %masked_sort3A_1023, %masked_sort3A_1024 = tpu.sort %min3A_996, %select_n3A_998 masked %masked_sort3A_1021 : (vector<16xf32>, vector<16xi32>, vector<16xi1>) -> (vector<16xi1>, vector<16xf32>, vector<16xi32>)
      %masked_sort3A_1025 = arith.constant dense<true> : vector<16xi1>
      %masked_sort3A_1026, %masked_sort3A_1027, %masked_sort3A_1028 = tpu.sort %max3A_997, %select_n3A_999 masked %masked_sort3A_1025 : (vector<16xf32>, vector<16xi32>, vector<16xi1>) -> (vector<16xi1>, vector<16xf32>, vector<16xi32>)
      %masked_sort3A_1029 = arith.constant dense<true> : vector<16xi1>
      %masked_sort3A_1030, %masked_sort3A_1031, %masked_sort3A_1032 = tpu.sort %min3A_1001, %select_n3A_1003 masked %masked_sort3A_1029 : (vector<16xf32>, vector<16xi32>, vector<16xi1>) -> (vector<16xi1>, vector<16xf32>, vector<16xi32>)
      %masked_sort3A_1033 = arith.constant dense<true> : vector<16xi1>
      %masked_sort3A_1034, %masked_sort3A_1035, %masked_sort3A_1036 = tpu.sort %max3A_1002, %select_n3A_1004 masked %masked_sort3A_1033 : (vector<16xf32>, vector<16xi32>, vector<16xi1>) -> (vector<16xi1>, vector<16xf32>, vector<16xi32>)
      %le3A_1037 = arith.cmpf ole, %max3A_907, %max3A_927 : vector<16xf32>
      %min3A_1038 = arith.minimumf %max3A_907, %max3A_927 : vector<16xf32>
      %max3A_1039 = arith.maximumf %max3A_907, %max3A_927 : vector<16xf32>
      %select_n3A_1040 = arith.select %le3A_1037, %select_n3A_909, %select_n3A_929 : vector<16xi1>, vector<16xi32>
      %select_n3A_1041 = arith.select %le3A_1037, %select_n3A_929, %select_n3A_909 : vector<16xi1>, vector<16xi32>
      %le3A_1042 = arith.cmpf ole, %max3A_912, %max3A_932 : vector<16xf32>
      %min3A_1043 = arith.minimumf %max3A_912, %max3A_932 : vector<16xf32>
      %max3A_1044 = arith.maximumf %max3A_912, %max3A_932 : vector<16xf32>
      %select_n3A_1045 = arith.select %le3A_1042, %select_n3A_914, %select_n3A_934 : vector<16xi1>, vector<16xi32>
      %select_n3A_1046 = arith.select %le3A_1042, %select_n3A_934, %select_n3A_914 : vector<16xi1>, vector<16xi32>
      %le3A_1047 = arith.cmpf ole, %max3A_917, %max3A_937 : vector<16xf32>
      %min3A_1048 = arith.minimumf %max3A_917, %max3A_937 : vector<16xf32>
      %max3A_1049 = arith.maximumf %max3A_917, %max3A_937 : vector<16xf32>
      %select_n3A_1050 = arith.select %le3A_1047, %select_n3A_919, %select_n3A_939 : vector<16xi1>, vector<16xi32>
      %select_n3A_1051 = arith.select %le3A_1047, %select_n3A_939, %select_n3A_919 : vector<16xi1>, vector<16xi32>
      %le3A_1052 = arith.cmpf ole, %max3A_922, %max3A_942 : vector<16xf32>
      %min3A_1053 = arith.minimumf %max3A_922, %max3A_942 : vector<16xf32>
      %max3A_1054 = arith.maximumf %max3A_922, %max3A_942 : vector<16xf32>
      %select_n3A_1055 = arith.select %le3A_1052, %select_n3A_924, %select_n3A_944 : vector<16xi1>, vector<16xi32>
      %select_n3A_1056 = arith.select %le3A_1052, %select_n3A_944, %select_n3A_924 : vector<16xi1>, vector<16xi32>
      %le3A_1057 = arith.cmpf ole, %min3A_1038, %min3A_1048 : vector<16xf32>
      %min3A_1058 = arith.minimumf %min3A_1038, %min3A_1048 : vector<16xf32>
      %max3A_1059 = arith.maximumf %min3A_1038, %min3A_1048 : vector<16xf32>
      %select_n3A_1060 = arith.select %le3A_1057, %select_n3A_1040, %select_n3A_1050 : vector<16xi1>, vector<16xi32>
      %select_n3A_1061 = arith.select %le3A_1057, %select_n3A_1050, %select_n3A_1040 : vector<16xi1>, vector<16xi32>
      %le3A_1062 = arith.cmpf ole, %min3A_1043, %min3A_1053 : vector<16xf32>
      %min3A_1063 = arith.minimumf %min3A_1043, %min3A_1053 : vector<16xf32>
      %max3A_1064 = arith.maximumf %min3A_1043, %min3A_1053 : vector<16xf32>
      %select_n3A_1065 = arith.select %le3A_1062, %select_n3A_1045, %select_n3A_1055 : vector<16xi1>, vector<16xi32>
      %select_n3A_1066 = arith.select %le3A_1062, %select_n3A_1055, %select_n3A_1045 : vector<16xi1>, vector<16xi32>
      %le3A_1067 = arith.cmpf ole, %max3A_1039, %max3A_1049 : vector<16xf32>
      %min3A_1068 = arith.minimumf %max3A_1039, %max3A_1049 : vector<16xf32>
      %max3A_1069 = arith.maximumf %max3A_1039, %max3A_1049 : vector<16xf32>
      %select_n3A_1070 = arith.select %le3A_1067, %select_n3A_1041, %select_n3A_1051 : vector<16xi1>, vector<16xi32>
      %select_n3A_1071 = arith.select %le3A_1067, %select_n3A_1051, %select_n3A_1041 : vector<16xi1>, vector<16xi32>
      %le3A_1072 = arith.cmpf ole, %max3A_1044, %max3A_1054 : vector<16xf32>
      %min3A_1073 = arith.minimumf %max3A_1044, %max3A_1054 : vector<16xf32>
      %max3A_1074 = arith.maximumf %max3A_1044, %max3A_1054 : vector<16xf32>
      %select_n3A_1075 = arith.select %le3A_1072, %select_n3A_1046, %select_n3A_1056 : vector<16xi1>, vector<16xi32>
      %select_n3A_1076 = arith.select %le3A_1072, %select_n3A_1056, %select_n3A_1046 : vector<16xi1>, vector<16xi32>
      %le3A_1077 = arith.cmpf ole, %min3A_1058, %min3A_1063 : vector<16xf32>
      %min3A_1078 = arith.minimumf %min3A_1058, %min3A_1063 : vector<16xf32>
      %max3A_1079 = arith.maximumf %min3A_1058, %min3A_1063 : vector<16xf32>
      %select_n3A_1080 = arith.select %le3A_1077, %select_n3A_1060, %select_n3A_1065 : vector<16xi1>, vector<16xi32>
      %select_n3A_1081 = arith.select %le3A_1077, %select_n3A_1065, %select_n3A_1060 : vector<16xi1>, vector<16xi32>
      %le3A_1082 = arith.cmpf ole, %max3A_1059, %max3A_1064 : vector<16xf32>
      %min3A_1083 = arith.minimumf %max3A_1059, %max3A_1064 : vector<16xf32>
      %max3A_1084 = arith.maximumf %max3A_1059, %max3A_1064 : vector<16xf32>
      %select_n3A_1085 = arith.select %le3A_1082, %select_n3A_1061, %select_n3A_1066 : vector<16xi1>, vector<16xi32>
      %select_n3A_1086 = arith.select %le3A_1082, %select_n3A_1066, %select_n3A_1061 : vector<16xi1>, vector<16xi32>
      %le3A_1087 = arith.cmpf ole, %min3A_1068, %min3A_1073 : vector<16xf32>
      %min3A_1088 = arith.minimumf %min3A_1068, %min3A_1073 : vector<16xf32>
      %max3A_1089 = arith.maximumf %min3A_1068, %min3A_1073 : vector<16xf32>
      %select_n3A_1090 = arith.select %le3A_1087, %select_n3A_1070, %select_n3A_1075 : vector<16xi1>, vector<16xi32>
      %select_n3A_1091 = arith.select %le3A_1087, %select_n3A_1075, %select_n3A_1070 : vector<16xi1>, vector<16xi32>
      %le3A_1092 = arith.cmpf ole, %max3A_1069, %max3A_1074 : vector<16xf32>
      %min3A_1093 = arith.minimumf %max3A_1069, %max3A_1074 : vector<16xf32>
      %max3A_1094 = arith.maximumf %max3A_1069, %max3A_1074 : vector<16xf32>
      %select_n3A_1095 = arith.select %le3A_1092, %select_n3A_1071, %select_n3A_1076 : vector<16xi1>, vector<16xi32>
      %select_n3A_1096 = arith.select %le3A_1092, %select_n3A_1076, %select_n3A_1071 : vector<16xi1>, vector<16xi32>
      %masked_sort3A_1097 = arith.constant dense<true> : vector<16xi1>
      %masked_sort3A_1098, %masked_sort3A_1099, %masked_sort3A_1100 = tpu.sort %min3A_1078, %select_n3A_1080 masked %masked_sort3A_1097 : (vector<16xf32>, vector<16xi32>, vector<16xi1>) -> (vector<16xi1>, vector<16xf32>, vector<16xi32>)
      %masked_sort3A_1101 = arith.constant dense<true> : vector<16xi1>
      %masked_sort3A_1102, %masked_sort3A_1103, %masked_sort3A_1104 = tpu.sort %max3A_1079, %select_n3A_1081 masked %masked_sort3A_1101 : (vector<16xf32>, vector<16xi32>, vector<16xi1>) -> (vector<16xi1>, vector<16xf32>, vector<16xi32>)
      %masked_sort3A_1105 = arith.constant dense<true> : vector<16xi1>
      %masked_sort3A_1106, %masked_sort3A_1107, %masked_sort3A_1108 = tpu.sort %min3A_1083, %select_n3A_1085 masked %masked_sort3A_1105 : (vector<16xf32>, vector<16xi32>, vector<16xi1>) -> (vector<16xi1>, vector<16xf32>, vector<16xi32>)
      %masked_sort3A_1109 = arith.constant dense<true> : vector<16xi1>
      %masked_sort3A_1110, %masked_sort3A_1111, %masked_sort3A_1112 = tpu.sort %max3A_1084, %select_n3A_1086 masked %masked_sort3A_1109 : (vector<16xf32>, vector<16xi32>, vector<16xi1>) -> (vector<16xi1>, vector<16xf32>, vector<16xi32>)
      %masked_sort3A_1113 = arith.constant dense<true> : vector<16xi1>
      %masked_sort3A_1114, %masked_sort3A_1115, %masked_sort3A_1116 = tpu.sort %min3A_1088, %select_n3A_1090 masked %masked_sort3A_1113 : (vector<16xf32>, vector<16xi32>, vector<16xi1>) -> (vector<16xi1>, vector<16xf32>, vector<16xi32>)
      %masked_sort3A_1117 = arith.constant dense<true> : vector<16xi1>
      %masked_sort3A_1118, %masked_sort3A_1119, %masked_sort3A_1120 = tpu.sort %max3A_1089, %select_n3A_1091 masked %masked_sort3A_1117 : (vector<16xf32>, vector<16xi32>, vector<16xi1>) -> (vector<16xi1>, vector<16xf32>, vector<16xi32>)
      %masked_sort3A_1121 = arith.constant dense<true> : vector<16xi1>
      %masked_sort3A_1122, %masked_sort3A_1123, %masked_sort3A_1124 = tpu.sort %min3A_1093, %select_n3A_1095 masked %masked_sort3A_1121 : (vector<16xf32>, vector<16xi32>, vector<16xi1>) -> (vector<16xi1>, vector<16xf32>, vector<16xi32>)
      %masked_sort3A_1125 = arith.constant dense<true> : vector<16xi1>
      %masked_sort3A_1126, %masked_sort3A_1127, %masked_sort3A_1128 = tpu.sort %max3A_1094, %select_n3A_1096 masked %masked_sort3A_1125 : (vector<16xf32>, vector<16xi32>, vector<16xi1>) -> (vector<16xi1>, vector<16xf32>, vector<16xi32>)
      %mul3A_1129 = arith.constant 256 : i32
      %mul3A_1130 = arith.muli %scan3A_14, %mul3A_1129 : i32
      %add3A_1131 = arith.constant 0 : i32
      %add3A_1132 = arith.addi %mul3A_1130, %add3A_1131 : i32
      %swap3A = arith.index_cast %add3A_1132 : i32 to index
      %swap3A_1133 = tpu.vector_load %arg5[%swap3A] {strides = array<i32>} : memref<6144xf32, #tpu.memory_space<vmem>>, vector<16xf32>,
      tpu.vector_store %arg5[%swap3A], %masked_sort3A_1007 {strides = array<i32>} : memref<6144xf32, #tpu.memory_space<vmem>>, vector<16xf32>,
      %swap3A_1134 = arith.constant 0 : index
      %swap3A_1135 = tpu.vector_load %arg6[%swap3A_1134] {strides = array<i32>} : memref<256xi32, #tpu.memory_space<vmem>>, vector<16xi32>,
      tpu.vector_store %arg6[%swap3A_1134], %masked_sort3A_1008 {strides = array<i32>} : memref<256xi32, #tpu.memory_space<vmem>>, vector<16xi32>,
      %mul3A_1136 = arith.constant 256 : i32
      %mul3A_1137 = arith.muli %scan3A_14, %mul3A_1136 : i32
      %add3A_1138 = arith.constant 16 : i32
      %add3A_1139 = arith.addi %mul3A_1137, %add3A_1138 : i32
      %swap3A_1140 = arith.index_cast %add3A_1139 : i32 to index
      %swap3A_1141 = tpu.vector_load %arg5[%swap3A_1140] {strides = array<i32>} : memref<6144xf32, #tpu.memory_space<vmem>>, vector<16xf32>,
      tpu.vector_store %arg5[%swap3A_1140], %masked_sort3A_1011 {strides = array<i32>} : memref<6144xf32, #tpu.memory_space<vmem>>, vector<16xf32>,
      %swap3A_1142 = arith.constant 16 : index
      %swap3A_1143 = tpu.vector_load %arg6[%swap3A_1142] {strides = array<i32>} : memref<256xi32, #tpu.memory_space<vmem>>, vector<16xi32>,
      tpu.vector_store %arg6[%swap3A_1142], %masked_sort3A_1012 {strides = array<i32>} : memref<256xi32, #tpu.memory_space<vmem>>, vector<16xi32>,
      %mul3A_1144 = arith.constant 256 : i32
      %mul3A_1145 = arith.muli %scan3A_14, %mul3A_1144 : i32
      %add3A_1146 = arith.constant 32 : i32
      %add3A_1147 = arith.addi %mul3A_1145, %add3A_1146 : i32
      %swap3A_1148 = arith.index_cast %add3A_1147 : i32 to index
      %swap3A_1149 = tpu.vector_load %arg5[%swap3A_1148] {strides = array<i32>} : memref<6144xf32, #tpu.memory_space<vmem>>, vector<16xf32>,
      tpu.vector_store %arg5[%swap3A_1148], %masked_sort3A_1015 {strides = array<i32>} : memref<6144xf32, #tpu.memory_space<vmem>>, vector<16xf32>,
      %swap3A_1150 = arith.constant 32 : index
      %swap3A_1151 = tpu.vector_load %arg6[%swap3A_1150] {strides = array<i32>} : memref<256xi32, #tpu.memory_space<vmem>>, vector<16xi32>,
      tpu.vector_store %arg6[%swap3A_1150], %masked_sort3A_1016 {strides = array<i32>} : memref<256xi32, #tpu.memory_space<vmem>>, vector<16xi32>,
      %mul3A_1152 = arith.constant 256 : i32
      %mul3A_1153 = arith.muli %scan3A_14, %mul3A_1152 : i32
      %add3A_1154 = arith.constant 48 : i32
      %add3A_1155 = arith.addi %mul3A_1153, %add3A_1154 : i32
      %swap3A_1156 = arith.index_cast %add3A_1155 : i32 to index
      %swap3A_1157 = tpu.vector_load %arg5[%swap3A_1156] {strides = array<i32>} : memref<6144xf32, #tpu.memory_space<vmem>>, vector<16xf32>,
      tpu.vector_store %arg5[%swap3A_1156], %masked_sort3A_1019 {strides = array<i32>} : memref<6144xf32, #tpu.memory_space<vmem>>, vector<16xf32>,
      %swap3A_1158 = arith.constant 48 : index
      %swap3A_1159 = tpu.vector_load %arg6[%swap3A_1158] {strides = array<i32>} : memref<256xi32, #tpu.memory_space<vmem>>, vector<16xi32>,
      tpu.vector_store %arg6[%swap3A_1158], %masked_sort3A_1020 {strides = array<i32>} : memref<256xi32, #tpu.memory_space<vmem>>, vector<16xi32>,
      %mul3A_1160 = arith.constant 256 : i32
      %mul3A_1161 = arith.muli %scan3A_14, %mul3A_1160 : i32
      %add3A_1162 = arith.constant 64 : i32
      %add3A_1163 = arith.addi %mul3A_1161, %add3A_1162 : i32
      %swap3A_1164 = arith.index_cast %add3A_1163 : i32 to index
      %swap3A_1165 = tpu.vector_load %arg5[%swap3A_1164] {strides = array<i32>} : memref<6144xf32, #tpu.memory_space<vmem>>, vector<16xf32>,
      tpu.vector_store %arg5[%swap3A_1164], %masked_sort3A_1023 {strides = array<i32>} : memref<6144xf32, #tpu.memory_space<vmem>>, vector<16xf32>,
      %swap3A_1166 = arith.constant 64 : index
      %swap3A_1167 = tpu.vector_load %arg6[%swap3A_1166] {strides = array<i32>} : memref<256xi32, #tpu.memory_space<vmem>>, vector<16xi32>,
      tpu.vector_store %arg6[%swap3A_1166], %masked_sort3A_1024 {strides = array<i32>} : memref<256xi32, #tpu.memory_space<vmem>>, vector<16xi32>,
      %mul3A_1168 = arith.constant 256 : i32
      %mul3A_1169 = arith.muli %scan3A_14, %mul3A_1168 : i32
      %add3A_1170 = arith.constant 80 : i32
      %add3A_1171 = arith.addi %mul3A_1169, %add3A_1170 : i32
      %swap3A_1172 = arith.index_cast %add3A_1171 : i32 to index
      %swap3A_1173 = tpu.vector_load %arg5[%swap3A_1172] {strides = array<i32>} : memref<6144xf32, #tpu.memory_space<vmem>>, vector<16xf32>,
      tpu.vector_store %arg5[%swap3A_1172], %masked_sort3A_1027 {strides = array<i32>} : memref<6144xf32, #tpu.memory_space<vmem>>, vector<16xf32>,
      %swap3A_1174 = arith.constant 80 : index
      %swap3A_1175 = tpu.vector_load %arg6[%swap3A_1174] {strides = array<i32>} : memref<256xi32, #tpu.memory_space<vmem>>, vector<16xi32>,
      tpu.vector_store %arg6[%swap3A_1174], %masked_sort3A_1028 {strides = array<i32>} : memref<256xi32, #tpu.memory_space<vmem>>, vector<16xi32>,
      %mul3A_1176 = arith.constant 256 : i32
      %mul3A_1177 = arith.muli %scan3A_14, %mul3A_1176 : i32
      %add3A_1178 = arith.constant 96 : i32
      %add3A_1179 = arith.addi %mul3A_1177, %add3A_1178 : i32
      %swap3A_1180 = arith.index_cast %add3A_1179 : i32 to index
      %swap3A_1181 = tpu.vector_load %arg5[%swap3A_1180] {strides = array<i32>} : memref<6144xf32, #tpu.memory_space<vmem>>, vector<16xf32>,
      tpu.vector_store %arg5[%swap3A_1180], %masked_sort3A_1031 {strides = array<i32>} : memref<6144xf32, #tpu.memory_space<vmem>>, vector<16xf32>,
      %swap3A_1182 = arith.constant 96 : index
      %swap3A_1183 = tpu.vector_load %arg6[%swap3A_1182] {strides = array<i32>} : memref<256xi32, #tpu.memory_space<vmem>>, vector<16xi32>,
      tpu.vector_store %arg6[%swap3A_1182], %masked_sort3A_1032 {strides = array<i32>} : memref<256xi32, #tpu.memory_space<vmem>>, vector<16xi32>,
      %mul3A_1184 = arith.constant 256 : i32
      %mul3A_1185 = arith.muli %scan3A_14, %mul3A_1184 : i32
      %add3A_1186 = arith.constant 112 : i32
      %add3A_1187 = arith.addi %mul3A_1185, %add3A_1186 : i32
      %swap3A_1188 = arith.index_cast %add3A_1187 : i32 to index
      %swap3A_1189 = tpu.vector_load %arg5[%swap3A_1188] {strides = array<i32>} : memref<6144xf32, #tpu.memory_space<vmem>>, vector<16xf32>,
      tpu.vector_store %arg5[%swap3A_1188], %masked_sort3A_1035 {strides = array<i32>} : memref<6144xf32, #tpu.memory_space<vmem>>, vector<16xf32>,
      %swap3A_1190 = arith.constant 112 : index
      %swap3A_1191 = tpu.vector_load %arg6[%swap3A_1190] {strides = array<i32>} : memref<256xi32, #tpu.memory_space<vmem>>, vector<16xi32>,
      tpu.vector_store %arg6[%swap3A_1190], %masked_sort3A_1036 {strides = array<i32>} : memref<256xi32, #tpu.memory_space<vmem>>, vector<16xi32>,
      %mul3A_1192 = arith.constant 256 : i32
      %mul3A_1193 = arith.muli %scan3A_14, %mul3A_1192 : i32
      %add3A_1194 = arith.constant 128 : i32
      %add3A_1195 = arith.addi %mul3A_1193, %add3A_1194 : i32
      %swap3A_1196 = arith.index_cast %add3A_1195 : i32 to index
      %swap3A_1197 = tpu.vector_load %arg5[%swap3A_1196] {strides = array<i32>} : memref<6144xf32, #tpu.memory_space<vmem>>, vector<16xf32>,
      tpu.vector_store %arg5[%swap3A_1196], %masked_sort3A_1099 {strides = array<i32>} : memref<6144xf32, #tpu.memory_space<vmem>>, vector<16xf32>,
      %swap3A_1198 = arith.constant 128 : index
      %swap3A_1199 = tpu.vector_load %arg6[%swap3A_1198] {strides = array<i32>} : memref<256xi32, #tpu.memory_space<vmem>>, vector<16xi32>,
      tpu.vector_store %arg6[%swap3A_1198], %masked_sort3A_1100 {strides = array<i32>} : memref<256xi32, #tpu.memory_space<vmem>>, vector<16xi32>,
      %mul3A_1200 = arith.constant 256 : i32
      %mul3A_1201 = arith.muli %scan3A_14, %mul3A_1200 : i32
      %add3A_1202 = arith.constant 144 : i32
      %add3A_1203 = arith.addi %mul3A_1201, %add3A_1202 : i32
      %swap3A_1204 = arith.index_cast %add3A_1203 : i32 to index
      %swap3A_1205 = tpu.vector_load %arg5[%swap3A_1204] {strides = array<i32>} : memref<6144xf32, #tpu.memory_space<vmem>>, vector<16xf32>,
      tpu.vector_store %arg5[%swap3A_1204], %masked_sort3A_1103 {strides = array<i32>} : memref<6144xf32, #tpu.memory_space<vmem>>, vector<16xf32>,
      %swap3A_1206 = arith.constant 144 : index
      %swap3A_1207 = tpu.vector_load %arg6[%swap3A_1206] {strides = array<i32>} : memref<256xi32, #tpu.memory_space<vmem>>, vector<16xi32>,
      tpu.vector_store %arg6[%swap3A_1206], %masked_sort3A_1104 {strides = array<i32>} : memref<256xi32, #tpu.memory_space<vmem>>, vector<16xi32>,
      %mul3A_1208 = arith.constant 256 : i32
      %mul3A_1209 = arith.muli %scan3A_14, %mul3A_1208 : i32
      %add3A_1210 = arith.constant 160 : i32
      %add3A_1211 = arith.addi %mul3A_1209, %add3A_1210 : i32
      %swap3A_1212 = arith.index_cast %add3A_1211 : i32 to index
      %swap3A_1213 = tpu.vector_load %arg5[%swap3A_1212] {strides = array<i32>} : memref<6144xf32, #tpu.memory_space<vmem>>, vector<16xf32>,
      tpu.vector_store %arg5[%swap3A_1212], %masked_sort3A_1107 {strides = array<i32>} : memref<6144xf32, #tpu.memory_space<vmem>>, vector<16xf32>,
      %swap3A_1214 = arith.constant 160 : index
      %swap3A_1215 = tpu.vector_load %arg6[%swap3A_1214] {strides = array<i32>} : memref<256xi32, #tpu.memory_space<vmem>>, vector<16xi32>,
      tpu.vector_store %arg6[%swap3A_1214], %masked_sort3A_1108 {strides = array<i32>} : memref<256xi32, #tpu.memory_space<vmem>>, vector<16xi32>,
      %mul3A_1216 = arith.constant 256 : i32
      %mul3A_1217 = arith.muli %scan3A_14, %mul3A_1216 : i32
      %add3A_1218 = arith.constant 176 : i32
      %add3A_1219 = arith.addi %mul3A_1217, %add3A_1218 : i32
      %swap3A_1220 = arith.index_cast %add3A_1219 : i32 to index
      %swap3A_1221 = tpu.vector_load %arg5[%swap3A_1220] {strides = array<i32>} : memref<6144xf32, #tpu.memory_space<vmem>>, vector<16xf32>,
      tpu.vector_store %arg5[%swap3A_1220], %masked_sort3A_1111 {strides = array<i32>} : memref<6144xf32, #tpu.memory_space<vmem>>, vector<16xf32>,
      %swap3A_1222 = arith.constant 176 : index
      %swap3A_1223 = tpu.vector_load %arg6[%swap3A_1222] {strides = array<i32>} : memref<256xi32, #tpu.memory_space<vmem>>, vector<16xi32>,
      tpu.vector_store %arg6[%swap3A_1222], %masked_sort3A_1112 {strides = array<i32>} : memref<256xi32, #tpu.memory_space<vmem>>, vector<16xi32>,
      %mul3A_1224 = arith.constant 256 : i32
      %mul3A_1225 = arith.muli %scan3A_14, %mul3A_1224 : i32
      %add3A_1226 = arith.constant 192 : i32
      %add3A_1227 = arith.addi %mul3A_1225, %add3A_1226 : i32
      %swap3A_1228 = arith.index_cast %add3A_1227 : i32 to index
      %swap3A_1229 = tpu.vector_load %arg5[%swap3A_1228] {strides = array<i32>} : memref<6144xf32, #tpu.memory_space<vmem>>, vector<16xf32>,
      tpu.vector_store %arg5[%swap3A_1228], %masked_sort3A_1115 {strides = array<i32>} : memref<6144xf32, #tpu.memory_space<vmem>>, vector<16xf32>,
      %swap3A_1230 = arith.constant 192 : index
      %swap3A_1231 = tpu.vector_load %arg6[%swap3A_1230] {strides = array<i32>} : memref<256xi32, #tpu.memory_space<vmem>>, vector<16xi32>,
      tpu.vector_store %arg6[%swap3A_1230], %masked_sort3A_1116 {strides = array<i32>} : memref<256xi32, #tpu.memory_space<vmem>>, vector<16xi32>,
      %mul3A_1232 = arith.constant 256 : i32
      %mul3A_1233 = arith.muli %scan3A_14, %mul3A_1232 : i32
      %add3A_1234 = arith.constant 208 : i32
      %add3A_1235 = arith.addi %mul3A_1233, %add3A_1234 : i32
      %swap3A_1236 = arith.index_cast %add3A_1235 : i32 to index
      %swap3A_1237 = tpu.vector_load %arg5[%swap3A_1236] {strides = array<i32>} : memref<6144xf32, #tpu.memory_space<vmem>>, vector<16xf32>,
      tpu.vector_store %arg5[%swap3A_1236], %masked_sort3A_1119 {strides = array<i32>} : memref<6144xf32, #tpu.memory_space<vmem>>, vector<16xf32>,
      %swap3A_1238 = arith.constant 208 : index
      %swap3A_1239 = tpu.vector_load %arg6[%swap3A_1238] {strides = array<i32>} : memref<256xi32, #tpu.memory_space<vmem>>, vector<16xi32>,
      tpu.vector_store %arg6[%swap3A_1238], %masked_sort3A_1120 {strides = array<i32>} : memref<256xi32, #tpu.memory_space<vmem>>, vector<16xi32>,
      %mul3A_1240 = arith.constant 256 : i32
      %mul3A_1241 = arith.muli %scan3A_14, %mul3A_1240 : i32
      %add3A_1242 = arith.constant 224 : i32
      %add3A_1243 = arith.addi %mul3A_1241, %add3A_1242 : i32
      %swap3A_1244 = arith.index_cast %add3A_1243 : i32 to index
      %swap3A_1245 = tpu.vector_load %arg5[%swap3A_1244] {strides = array<i32>} : memref<6144xf32, #tpu.memory_space<vmem>>, vector<16xf32>,
      tpu.vector_store %arg5[%swap3A_1244], %masked_sort3A_1123 {strides = array<i32>} : memref<6144xf32, #tpu.memory_space<vmem>>, vector<16xf32>,
      %swap3A_1246 = arith.constant 224 : index
      %swap3A_1247 = tpu.vector_load %arg6[%swap3A_1246] {strides = array<i32>} : memref<256xi32, #tpu.memory_space<vmem>>, vector<16xi32>,
      tpu.vector_store %arg6[%swap3A_1246], %masked_sort3A_1124 {strides = array<i32>} : memref<256xi32, #tpu.memory_space<vmem>>, vector<16xi32>,
      %mul3A_1248 = arith.constant 256 : i32
      %mul3A_1249 = arith.muli %scan3A_14, %mul3A_1248 : i32
      %add3A_1250 = arith.constant 240 : i32
      %add3A_1251 = arith.addi %mul3A_1249, %add3A_1250 : i32
      %swap3A_1252 = arith.index_cast %add3A_1251 : i32 to index
      %swap3A_1253 = tpu.vector_load %arg5[%swap3A_1252] {strides = array<i32>} : memref<6144xf32, #tpu.memory_space<vmem>>, vector<16xf32>,
      tpu.vector_store %arg5[%swap3A_1252], %masked_sort3A_1127 {strides = array<i32>} : memref<6144xf32, #tpu.memory_space<vmem>>, vector<16xf32>,
      %swap3A_1254 = arith.constant 240 : index
      %swap3A_1255 = tpu.vector_load %arg6[%swap3A_1254] {strides = array<i32>} : memref<256xi32, #tpu.memory_space<vmem>>, vector<16xi32>,
      tpu.vector_store %arg6[%swap3A_1254], %masked_sort3A_1128 {strides = array<i32>} : memref<256xi32, #tpu.memory_space<vmem>>, vector<16xi32>,
      "tpu.region"() ({
        %run_scoped3A = tpu.sem_alloc : memref<!tpu.dma_semaphore, #tpu.memory_space<semaphore_mem>>
        %dma_start3A = arith.constant 0 : i32
        %dma_start3A_1256 = tpu.memref_slice %arg8[%add3A, %dma_start3A] : memref<384x256xi32, #tpu.memory_space<vmem_shared>> -> memref<1x256xi32, #tpu.memory_space<vmem_shared>>
        %dma_start3A_1257 = tpu.memref_squeeze %dma_start3A_1256 : memref<1x256xi32, #tpu.memory_space<vmem_shared>> -> memref<256xi32, #tpu.memory_space<vmem_shared>>
        %dma_start3A_1258 = arith.constant 0 : i32
        %dma_start3A_1259 = tpu.memref_slice %arg8[%add3A, %dma_start3A_1258] : memref<384x256xi32, #tpu.memory_space<vmem_shared>> -> memref<1x256xi32, #tpu.memory_space<vmem_shared>>
        %dma_start3A_1260 = tpu.memref_squeeze %dma_start3A_1259 : memref<1x256xi32, #tpu.memory_space<vmem_shared>> -> memref<256xi32, #tpu.memory_space<vmem_shared>>
        tpu.enqueue_dma source(%arg6 : memref<256xi32, #tpu.memory_space<vmem>>) target(%dma_start3A_1260 : memref<256xi32, #tpu.memory_space<vmem_shared>>) target_semaphore(%run_scoped3A : memref<!tpu.dma_semaphore, #tpu.memory_space<semaphore_mem>>)
        %dma_wait3A = arith.constant 0 : i32
        %dma_wait3A_1261 = tpu.memref_slice %arg8[%add3A, %dma_wait3A] : memref<384x256xi32, #tpu.memory_space<vmem_shared>> -> memref<1x256xi32, #tpu.memory_space<vmem_shared>>
        %dma_wait3A_1262 = tpu.memref_squeeze %dma_wait3A_1261 : memref<1x256xi32, #tpu.memory_space<vmem_shared>> -> memref<256xi32, #tpu.memory_space<vmem_shared>>
        %dma_wait3A_1263 = arith.constant 0 : i32
        %dma_wait3A_1264 = tpu.memref_slice %arg8[%add3A, %dma_wait3A_1263] : memref<384x256xi32, #tpu.memory_space<vmem_shared>> -> memref<1x256xi32, #tpu.memory_space<vmem_shared>>
        %dma_wait3A_1265 = tpu.memref_squeeze %dma_wait3A_1264 : memref<1x256xi32, #tpu.memory_space<vmem_shared>> -> memref<256xi32, #tpu.memory_space<vmem_shared>>
        tpu.wait_dma2 semaphore(%run_scoped3A : memref<!tpu.dma_semaphore, #tpu.memory_space<semaphore_mem>>) src(%arg6 : memref<256xi32, #tpu.memory_space<vmem>>) dst(%dma_wait3A_1265 : memref<256xi32, #tpu.memory_space<vmem_shared>>)
        tpu.yield
      }) : () -> ()
    }
    %scan3A_7 = arith.constant 24 : i32
    %barrier3A = arith.constant 0 : index
    tpu.barrier barrier_id(%barrier3A)
    %scan3A_8 = arith.constant 0 : i32
    %scan3A_9 = arith.constant 0 : i32
    %scan3A_10 = arith.constant 24 : i32
    %scan3A_11 = arith.addi %scan3A_9, %scan3A_10 : i32
    %scan3A_12 = arith.constant 1 : i32
    scf.for %scan3A_14 = %scan3A_9 to %scan3A_11 step %scan3A_12  : i32 {
      %add3A = arith.addi %mul3A_0, %scan3A_14 : i32
      %add3A_15 = arith.addi %mul3A_2, %add3A : i32
      %div3A = arith.constant 64 : i32
      %div3A_16 = arith.divsi %add3A, %div3A : i32
      %rem3A = arith.constant 64 : i32
      %rem3A_17 = arith.remsi %add3A, %rem3A : i32
      %mul3A_18 = arith.constant 64 : i32
      %mul3A_19 = arith.muli %div3A_16, %mul3A_18 : i32
      %add3A_20 = arith.constant 1 : i32
      %add3A_21 = arith.addi %rem3A_17, %add3A_20 : i32
      %rem3A_22 = arith.constant 64 : i32
      %rem3A_23 = arith.remsi %add3A_21, %rem3A_22 : i32
      %add3A_24 = arith.addi %mul3A_19, %rem3A_23 : i32
      "tpu.region"() ({
        %run_scoped3A = tpu.sem_alloc : memref<!tpu.dma_semaphore, #tpu.memory_space<semaphore_mem>>
        %dma_start3A = arith.constant 0 : i32
        %dma_start3A_422 = tpu.memref_slice %arg8[%add3A_24, %dma_start3A] : memref<384x256xi32, #tpu.memory_space<vmem_shared>> -> memref<1x256xi32, #tpu.memory_space<vmem_shared>>
        %dma_start3A_423 = tpu.memref_squeeze %dma_start3A_422 : memref<1x256xi32, #tpu.memory_space<vmem_shared>> -> memref<256xi32, #tpu.memory_space<vmem_shared>>
        %dma_start3A_424 = arith.constant 0 : i32
        %dma_start3A_425 = tpu.memref_slice %arg8[%add3A_24, %dma_start3A_424] : memref<384x256xi32, #tpu.memory_space<vmem_shared>> -> memref<1x256xi32, #tpu.memory_space<vmem_shared>>
        %dma_start3A_426 = tpu.memref_squeeze %dma_start3A_425 : memref<1x256xi32, #tpu.memory_space<vmem_shared>> -> memref<256xi32, #tpu.memory_space<vmem_shared>>
        tpu.enqueue_dma source(%dma_start3A_426 : memref<256xi32, #tpu.memory_space<vmem_shared>>) target(%arg6 : memref<256xi32, #tpu.memory_space<vmem>>) target_semaphore(%run_scoped3A : memref<!tpu.dma_semaphore, #tpu.memory_space<semaphore_mem>>)
        %dma_wait3A = arith.constant 0 : i32
        %dma_wait3A_427 = tpu.memref_slice %arg8[%add3A_24, %dma_wait3A] : memref<384x256xi32, #tpu.memory_space<vmem_shared>> -> memref<1x256xi32, #tpu.memory_space<vmem_shared>>
        %dma_wait3A_428 = tpu.memref_squeeze %dma_wait3A_427 : memref<1x256xi32, #tpu.memory_space<vmem_shared>> -> memref<256xi32, #tpu.memory_space<vmem_shared>>
        %dma_wait3A_429 = arith.constant 0 : i32
        %dma_wait3A_430 = tpu.memref_slice %arg8[%add3A_24, %dma_wait3A_429] : memref<384x256xi32, #tpu.memory_space<vmem_shared>> -> memref<1x256xi32, #tpu.memory_space<vmem_shared>>
        %dma_wait3A_431 = tpu.memref_squeeze %dma_wait3A_430 : memref<1x256xi32, #tpu.memory_space<vmem_shared>> -> memref<256xi32, #tpu.memory_space<vmem_shared>>
        tpu.wait_dma2 semaphore(%run_scoped3A : memref<!tpu.dma_semaphore, #tpu.memory_space<semaphore_mem>>) src(%dma_wait3A_431 : memref<256xi32, #tpu.memory_space<vmem_shared>>) dst(%arg6 : memref<256xi32, #tpu.memory_space<vmem>>)
        tpu.yield
      }) : () -> ()
      %get3A = arith.constant 0 : index
      %get3A_25 = tpu.vector_load %arg6[%get3A] {strides = array<i32>} : memref<256xi32, #tpu.memory_space<vmem>>, vector<16xi32>,
      %mul3A_26 = arith.constant 256 : i32
      %mul3A_27 = arith.muli %scan3A_14, %mul3A_26 : i32
      %add3A_28 = arith.constant 0 : i32
      %add3A_29 = arith.addi %mul3A_27, %add3A_28 : i32
      %get3A_30 = arith.index_cast %add3A_29 : i32 to index
      %get3A_31 = tpu.vector_load %arg5[%get3A_30] {strides = array<i32>} : memref<6144xf32, #tpu.memory_space<vmem>>, vector<16xf32>,
      tpu.vector_store_idx %arg7[%get3A_25], %get3A_31 : memref<256xf32, #tpu.memory_space<vmem>>[vector<16xi32>], vector<16xf32>,
      %get3A_32 = arith.constant 16 : index
      %get3A_33 = tpu.vector_load %arg6[%get3A_32] {strides = array<i32>} : memref<256xi32, #tpu.memory_space<vmem>>, vector<16xi32>,
      %mul3A_34 = arith.constant 256 : i32
      %mul3A_35 = arith.muli %scan3A_14, %mul3A_34 : i32
      %add3A_36 = arith.constant 16 : i32
      %add3A_37 = arith.addi %mul3A_35, %add3A_36 : i32
      %get3A_38 = arith.index_cast %add3A_37 : i32 to index
      %get3A_39 = tpu.vector_load %arg5[%get3A_38] {strides = array<i32>} : memref<6144xf32, #tpu.memory_space<vmem>>, vector<16xf32>,
      tpu.vector_store_idx %arg7[%get3A_33], %get3A_39 : memref<256xf32, #tpu.memory_space<vmem>>[vector<16xi32>], vector<16xf32>,
      %get3A_40 = arith.constant 32 : index
      %get3A_41 = tpu.vector_load %arg6[%get3A_40] {strides = array<i32>} : memref<256xi32, #tpu.memory_space<vmem>>, vector<16xi32>,
      %mul3A_42 = arith.constant 256 : i32
      %mul3A_43 = arith.muli %scan3A_14, %mul3A_42 : i32
      %add3A_44 = arith.constant 32 : i32
      %add3A_45 = arith.addi %mul3A_43, %add3A_44 : i32
      %get3A_46 = arith.index_cast %add3A_45 : i32 to index
      %get3A_47 = tpu.vector_load %arg5[%get3A_46] {strides = array<i32>} : memref<6144xf32, #tpu.memory_space<vmem>>, vector<16xf32>,
      tpu.vector_store_idx %arg7[%get3A_41], %get3A_47 : memref<256xf32, #tpu.memory_space<vmem>>[vector<16xi32>], vector<16xf32>,
      %get3A_48 = arith.constant 48 : index
      %get3A_49 = tpu.vector_load %arg6[%get3A_48] {strides = array<i32>} : memref<256xi32, #tpu.memory_space<vmem>>, vector<16xi32>,
      %mul3A_50 = arith.constant 256 : i32
      %mul3A_51 = arith.muli %scan3A_14, %mul3A_50 : i32
      %add3A_52 = arith.constant 48 : i32
      %add3A_53 = arith.addi %mul3A_51, %add3A_52 : i32
      %get3A_54 = arith.index_cast %add3A_53 : i32 to index
      %get3A_55 = tpu.vector_load %arg5[%get3A_54] {strides = array<i32>} : memref<6144xf32, #tpu.memory_space<vmem>>, vector<16xf32>,
      tpu.vector_store_idx %arg7[%get3A_49], %get3A_55 : memref<256xf32, #tpu.memory_space<vmem>>[vector<16xi32>], vector<16xf32>,
      %get3A_56 = arith.constant 64 : index
      %get3A_57 = tpu.vector_load %arg6[%get3A_56] {strides = array<i32>} : memref<256xi32, #tpu.memory_space<vmem>>, vector<16xi32>,
      %mul3A_58 = arith.constant 256 : i32
      %mul3A_59 = arith.muli %scan3A_14, %mul3A_58 : i32
      %add3A_60 = arith.constant 64 : i32
      %add3A_61 = arith.addi %mul3A_59, %add3A_60 : i32
      %get3A_62 = arith.index_cast %add3A_61 : i32 to index
      %get3A_63 = tpu.vector_load %arg5[%get3A_62] {strides = array<i32>} : memref<6144xf32, #tpu.memory_space<vmem>>, vector<16xf32>,
      tpu.vector_store_idx %arg7[%get3A_57], %get3A_63 : memref<256xf32, #tpu.memory_space<vmem>>[vector<16xi32>], vector<16xf32>,
      %get3A_64 = arith.constant 80 : index
      %get3A_65 = tpu.vector_load %arg6[%get3A_64] {strides = array<i32>} : memref<256xi32, #tpu.memory_space<vmem>>, vector<16xi32>,
      %mul3A_66 = arith.constant 256 : i32
      %mul3A_67 = arith.muli %scan3A_14, %mul3A_66 : i32
      %add3A_68 = arith.constant 80 : i32
      %add3A_69 = arith.addi %mul3A_67, %add3A_68 : i32
      %get3A_70 = arith.index_cast %add3A_69 : i32 to index
      %get3A_71 = tpu.vector_load %arg5[%get3A_70] {strides = array<i32>} : memref<6144xf32, #tpu.memory_space<vmem>>, vector<16xf32>,
      tpu.vector_store_idx %arg7[%get3A_65], %get3A_71 : memref<256xf32, #tpu.memory_space<vmem>>[vector<16xi32>], vector<16xf32>,
      %get3A_72 = arith.constant 96 : index
      %get3A_73 = tpu.vector_load %arg6[%get3A_72] {strides = array<i32>} : memref<256xi32, #tpu.memory_space<vmem>>, vector<16xi32>,
      %mul3A_74 = arith.constant 256 : i32
      %mul3A_75 = arith.muli %scan3A_14, %mul3A_74 : i32
      %add3A_76 = arith.constant 96 : i32
      %add3A_77 = arith.addi %mul3A_75, %add3A_76 : i32
      %get3A_78 = arith.index_cast %add3A_77 : i32 to index
      %get3A_79 = tpu.vector_load %arg5[%get3A_78] {strides = array<i32>} : memref<6144xf32, #tpu.memory_space<vmem>>, vector<16xf32>,
      tpu.vector_store_idx %arg7[%get3A_73], %get3A_79 : memref<256xf32, #tpu.memory_space<vmem>>[vector<16xi32>], vector<16xf32>,
      %get3A_80 = arith.constant 112 : index
      %get3A_81 = tpu.vector_load %arg6[%get3A_80] {strides = array<i32>} : memref<256xi32, #tpu.memory_space<vmem>>, vector<16xi32>,
      %mul3A_82 = arith.constant 256 : i32
      %mul3A_83 = arith.muli %scan3A_14, %mul3A_82 : i32
      %add3A_84 = arith.constant 112 : i32
      %add3A_85 = arith.addi %mul3A_83, %add3A_84 : i32
      %get3A_86 = arith.index_cast %add3A_85 : i32 to index
      %get3A_87 = tpu.vector_load %arg5[%get3A_86] {strides = array<i32>} : memref<6144xf32, #tpu.memory_space<vmem>>, vector<16xf32>,
      tpu.vector_store_idx %arg7[%get3A_81], %get3A_87 : memref<256xf32, #tpu.memory_space<vmem>>[vector<16xi32>], vector<16xf32>,
      %get3A_88 = arith.constant 128 : index
      %get3A_89 = tpu.vector_load %arg6[%get3A_88] {strides = array<i32>} : memref<256xi32, #tpu.memory_space<vmem>>, vector<16xi32>,
      %mul3A_90 = arith.constant 256 : i32
      %mul3A_91 = arith.muli %scan3A_14, %mul3A_90 : i32
      %add3A_92 = arith.constant 128 : i32
      %add3A_93 = arith.addi %mul3A_91, %add3A_92 : i32
      %get3A_94 = arith.index_cast %add3A_93 : i32 to index
      %get3A_95 = tpu.vector_load %arg5[%get3A_94] {strides = array<i32>} : memref<6144xf32, #tpu.memory_space<vmem>>, vector<16xf32>,
      tpu.vector_store_idx %arg7[%get3A_89], %get3A_95 : memref<256xf32, #tpu.memory_space<vmem>>[vector<16xi32>], vector<16xf32>,
      %get3A_96 = arith.constant 144 : index
      %get3A_97 = tpu.vector_load %arg6[%get3A_96] {strides = array<i32>} : memref<256xi32, #tpu.memory_space<vmem>>, vector<16xi32>,
      %mul3A_98 = arith.constant 256 : i32
      %mul3A_99 = arith.muli %scan3A_14, %mul3A_98 : i32
      %add3A_100 = arith.constant 144 : i32
      %add3A_101 = arith.addi %mul3A_99, %add3A_100 : i32
      %get3A_102 = arith.index_cast %add3A_101 : i32 to index
      %get3A_103 = tpu.vector_load %arg5[%get3A_102] {strides = array<i32>} : memref<6144xf32, #tpu.memory_space<vmem>>, vector<16xf32>,
      tpu.vector_store_idx %arg7[%get3A_97], %get3A_103 : memref<256xf32, #tpu.memory_space<vmem>>[vector<16xi32>], vector<16xf32>,
      %get3A_104 = arith.constant 160 : index
      %get3A_105 = tpu.vector_load %arg6[%get3A_104] {strides = array<i32>} : memref<256xi32, #tpu.memory_space<vmem>>, vector<16xi32>,
      %mul3A_106 = arith.constant 256 : i32
      %mul3A_107 = arith.muli %scan3A_14, %mul3A_106 : i32
      %add3A_108 = arith.constant 160 : i32
      %add3A_109 = arith.addi %mul3A_107, %add3A_108 : i32
      %get3A_110 = arith.index_cast %add3A_109 : i32 to index
      %get3A_111 = tpu.vector_load %arg5[%get3A_110] {strides = array<i32>} : memref<6144xf32, #tpu.memory_space<vmem>>, vector<16xf32>,
      tpu.vector_store_idx %arg7[%get3A_105], %get3A_111 : memref<256xf32, #tpu.memory_space<vmem>>[vector<16xi32>], vector<16xf32>,
      %get3A_112 = arith.constant 176 : index
      %get3A_113 = tpu.vector_load %arg6[%get3A_112] {strides = array<i32>} : memref<256xi32, #tpu.memory_space<vmem>>, vector<16xi32>,
      %mul3A_114 = arith.constant 256 : i32
      %mul3A_115 = arith.muli %scan3A_14, %mul3A_114 : i32
      %add3A_116 = arith.constant 176 : i32
      %add3A_117 = arith.addi %mul3A_115, %add3A_116 : i32
      %get3A_118 = arith.index_cast %add3A_117 : i32 to index
      %get3A_119 = tpu.vector_load %arg5[%get3A_118] {strides = array<i32>} : memref<6144xf32, #tpu.memory_space<vmem>>, vector<16xf32>,
      tpu.vector_store_idx %arg7[%get3A_113], %get3A_119 : memref<256xf32, #tpu.memory_space<vmem>>[vector<16xi32>], vector<16xf32>,
      %get3A_120 = arith.constant 192 : index
      %get3A_121 = tpu.vector_load %arg6[%get3A_120] {strides = array<i32>} : memref<256xi32, #tpu.memory_space<vmem>>, vector<16xi32>,
      %mul3A_122 = arith.constant 256 : i32
      %mul3A_123 = arith.muli %scan3A_14, %mul3A_122 : i32
      %add3A_124 = arith.constant 192 : i32
      %add3A_125 = arith.addi %mul3A_123, %add3A_124 : i32
      %get3A_126 = arith.index_cast %add3A_125 : i32 to index
      %get3A_127 = tpu.vector_load %arg5[%get3A_126] {strides = array<i32>} : memref<6144xf32, #tpu.memory_space<vmem>>, vector<16xf32>,
      tpu.vector_store_idx %arg7[%get3A_121], %get3A_127 : memref<256xf32, #tpu.memory_space<vmem>>[vector<16xi32>], vector<16xf32>,
      %get3A_128 = arith.constant 208 : index
      %get3A_129 = tpu.vector_load %arg6[%get3A_128] {strides = array<i32>} : memref<256xi32, #tpu.memory_space<vmem>>, vector<16xi32>,
      %mul3A_130 = arith.constant 256 : i32
      %mul3A_131 = arith.muli %scan3A_14, %mul3A_130 : i32
      %add3A_132 = arith.constant 208 : i32
      %add3A_133 = arith.addi %mul3A_131, %add3A_132 : i32
      %get3A_134 = arith.index_cast %add3A_133 : i32 to index
      %get3A_135 = tpu.vector_load %arg5[%get3A_134] {strides = array<i32>} : memref<6144xf32, #tpu.memory_space<vmem>>, vector<16xf32>,
      tpu.vector_store_idx %arg7[%get3A_129], %get3A_135 : memref<256xf32, #tpu.memory_space<vmem>>[vector<16xi32>], vector<16xf32>,
      %get3A_136 = arith.constant 224 : index
      %get3A_137 = tpu.vector_load %arg6[%get3A_136] {strides = array<i32>} : memref<256xi32, #tpu.memory_space<vmem>>, vector<16xi32>,
      %mul3A_138 = arith.constant 256 : i32
      %mul3A_139 = arith.muli %scan3A_14, %mul3A_138 : i32
      %add3A_140 = arith.constant 224 : i32
      %add3A_141 = arith.addi %mul3A_139, %add3A_140 : i32
      %get3A_142 = arith.index_cast %add3A_141 : i32 to index
      %get3A_143 = tpu.vector_load %arg5[%get3A_142] {strides = array<i32>} : memref<6144xf32, #tpu.memory_space<vmem>>, vector<16xf32>,
      tpu.vector_store_idx %arg7[%get3A_137], %get3A_143 : memref<256xf32, #tpu.memory_space<vmem>>[vector<16xi32>], vector<16xf32>,
      %get3A_144 = arith.constant 240 : index
      %get3A_145 = tpu.vector_load %arg6[%get3A_144] {strides = array<i32>} : memref<256xi32, #tpu.memory_space<vmem>>, vector<16xi32>,
      %mul3A_146 = arith.constant 256 : i32
      %mul3A_147 = arith.muli %scan3A_14, %mul3A_146 : i32
      %add3A_148 = arith.constant 240 : i32
      %add3A_149 = arith.addi %mul3A_147, %add3A_148 : i32
      %get3A_150 = arith.index_cast %add3A_149 : i32 to index
      %get3A_151 = tpu.vector_load %arg5[%get3A_150] {strides = array<i32>} : memref<6144xf32, #tpu.memory_space<vmem>>, vector<16xf32>,
      tpu.vector_store_idx %arg7[%get3A_145], %get3A_151 : memref<256xf32, #tpu.memory_space<vmem>>[vector<16xi32>], vector<16xf32>,
      %mul3A_152 = arith.constant 64 : i32
      %mul3A_153 = arith.muli %div3A_16, %mul3A_152 : i32
      %add3A_154 = arith.constant 2 : i32
      %add3A_155 = arith.addi %rem3A_17, %add3A_154 : i32
      %rem3A_156 = arith.constant 64 : i32
      %rem3A_157 = arith.remsi %add3A_155, %rem3A_156 : i32
      %add3A_158 = arith.addi %mul3A_153, %rem3A_157 : i32
      "tpu.region"() ({
        %run_scoped3A = tpu.sem_alloc : memref<!tpu.dma_semaphore, #tpu.memory_space<semaphore_mem>>
        %dma_start3A = arith.constant 0 : i32
        %dma_start3A_422 = tpu.memref_slice %arg8[%add3A_158, %dma_start3A] : memref<384x256xi32, #tpu.memory_space<vmem_shared>> -> memref<1x256xi32, #tpu.memory_space<vmem_shared>>
        %dma_start3A_423 = tpu.memref_squeeze %dma_start3A_422 : memref<1x256xi32, #tpu.memory_space<vmem_shared>> -> memref<256xi32, #tpu.memory_space<vmem_shared>>
        %dma_start3A_424 = arith.constant 0 : i32
        %dma_start3A_425 = tpu.memref_slice %arg8[%add3A_158, %dma_start3A_424] : memref<384x256xi32, #tpu.memory_space<vmem_shared>> -> memref<1x256xi32, #tpu.memory_space<vmem_shared>>
        %dma_start3A_426 = tpu.memref_squeeze %dma_start3A_425 : memref<1x256xi32, #tpu.memory_space<vmem_shared>> -> memref<256xi32, #tpu.memory_space<vmem_shared>>
        tpu.enqueue_dma source(%dma_start3A_426 : memref<256xi32, #tpu.memory_space<vmem_shared>>) target(%arg6 : memref<256xi32, #tpu.memory_space<vmem>>) target_semaphore(%run_scoped3A : memref<!tpu.dma_semaphore, #tpu.memory_space<semaphore_mem>>)
        %dma_wait3A = arith.constant 0 : i32
        %dma_wait3A_427 = tpu.memref_slice %arg8[%add3A_158, %dma_wait3A] : memref<384x256xi32, #tpu.memory_space<vmem_shared>> -> memref<1x256xi32, #tpu.memory_space<vmem_shared>>
        %dma_wait3A_428 = tpu.memref_squeeze %dma_wait3A_427 : memref<1x256xi32, #tpu.memory_space<vmem_shared>> -> memref<256xi32, #tpu.memory_space<vmem_shared>>
        %dma_wait3A_429 = arith.constant 0 : i32
        %dma_wait3A_430 = tpu.memref_slice %arg8[%add3A_158, %dma_wait3A_429] : memref<384x256xi32, #tpu.memory_space<vmem_shared>> -> memref<1x256xi32, #tpu.memory_space<vmem_shared>>
        %dma_wait3A_431 = tpu.memref_squeeze %dma_wait3A_430 : memref<1x256xi32, #tpu.memory_space<vmem_shared>> -> memref<256xi32, #tpu.memory_space<vmem_shared>>
        tpu.wait_dma2 semaphore(%run_scoped3A : memref<!tpu.dma_semaphore, #tpu.memory_space<semaphore_mem>>) src(%dma_wait3A_431 : memref<256xi32, #tpu.memory_space<vmem_shared>>) dst(%arg6 : memref<256xi32, #tpu.memory_space<vmem>>)
        tpu.yield
      }) : () -> ()
      %get3A_159 = arith.constant 0 : index
      %get3A_160 = tpu.vector_load %arg6[%get3A_159] {strides = array<i32>} : memref<256xi32, #tpu.memory_space<vmem>>, vector<16xi32>,
      %mul3A_161 = arith.constant 256 : i32
      %mul3A_162 = arith.muli %scan3A_14, %mul3A_161 : i32
      %add3A_163 = arith.constant 0 : i32
      %add3A_164 = arith.addi %mul3A_162, %add3A_163 : i32
      %get3A_165 = arith.index_cast %add3A_164 : i32 to index
      %get3A_166 = tpu.vector_load %arg5[%get3A_165] {strides = array<i32>} : memref<6144xf32, #tpu.memory_space<vmem>>, vector<16xf32>,
      tpu.vector_store_idx %arg7[%get3A_160], %get3A_166 {add = true} : memref<256xf32, #tpu.memory_space<vmem>>[vector<16xi32>], vector<16xf32>,
      %get3A_167 = arith.constant 16 : index
      %get3A_168 = tpu.vector_load %arg6[%get3A_167] {strides = array<i32>} : memref<256xi32, #tpu.memory_space<vmem>>, vector<16xi32>,
      %mul3A_169 = arith.constant 256 : i32
      %mul3A_170 = arith.muli %scan3A_14, %mul3A_169 : i32
      %add3A_171 = arith.constant 16 : i32
      %add3A_172 = arith.addi %mul3A_170, %add3A_171 : i32
      %get3A_173 = arith.index_cast %add3A_172 : i32 to index
      %get3A_174 = tpu.vector_load %arg5[%get3A_173] {strides = array<i32>} : memref<6144xf32, #tpu.memory_space<vmem>>, vector<16xf32>,
      tpu.vector_store_idx %arg7[%get3A_168], %get3A_174 {add = true} : memref<256xf32, #tpu.memory_space<vmem>>[vector<16xi32>], vector<16xf32>,
      %get3A_175 = arith.constant 32 : index
      %get3A_176 = tpu.vector_load %arg6[%get3A_175] {strides = array<i32>} : memref<256xi32, #tpu.memory_space<vmem>>, vector<16xi32>,
      %mul3A_177 = arith.constant 256 : i32
      %mul3A_178 = arith.muli %scan3A_14, %mul3A_177 : i32
      %add3A_179 = arith.constant 32 : i32
      %add3A_180 = arith.addi %mul3A_178, %add3A_179 : i32
      %get3A_181 = arith.index_cast %add3A_180 : i32 to index
      %get3A_182 = tpu.vector_load %arg5[%get3A_181] {strides = array<i32>} : memref<6144xf32, #tpu.memory_space<vmem>>, vector<16xf32>,
      tpu.vector_store_idx %arg7[%get3A_176], %get3A_182 {add = true} : memref<256xf32, #tpu.memory_space<vmem>>[vector<16xi32>], vector<16xf32>,
      %get3A_183 = arith.constant 48 : index
      %get3A_184 = tpu.vector_load %arg6[%get3A_183] {strides = array<i32>} : memref<256xi32, #tpu.memory_space<vmem>>, vector<16xi32>,
      %mul3A_185 = arith.constant 256 : i32
      %mul3A_186 = arith.muli %scan3A_14, %mul3A_185 : i32
      %add3A_187 = arith.constant 48 : i32
      %add3A_188 = arith.addi %mul3A_186, %add3A_187 : i32
      %get3A_189 = arith.index_cast %add3A_188 : i32 to index
      %get3A_190 = tpu.vector_load %arg5[%get3A_189] {strides = array<i32>} : memref<6144xf32, #tpu.memory_space<vmem>>, vector<16xf32>,
      tpu.vector_store_idx %arg7[%get3A_184], %get3A_190 {add = true} : memref<256xf32, #tpu.memory_space<vmem>>[vector<16xi32>], vector<16xf32>,
      %get3A_191 = arith.constant 64 : index
      %get3A_192 = tpu.vector_load %arg6[%get3A_191] {strides = array<i32>} : memref<256xi32, #tpu.memory_space<vmem>>, vector<16xi32>,
      %mul3A_193 = arith.constant 256 : i32
      %mul3A_194 = arith.muli %scan3A_14, %mul3A_193 : i32
      %add3A_195 = arith.constant 64 : i32
      %add3A_196 = arith.addi %mul3A_194, %add3A_195 : i32
      %get3A_197 = arith.index_cast %add3A_196 : i32 to index
      %get3A_198 = tpu.vector_load %arg5[%get3A_197] {strides = array<i32>} : memref<6144xf32, #tpu.memory_space<vmem>>, vector<16xf32>,
      tpu.vector_store_idx %arg7[%get3A_192], %get3A_198 {add = true} : memref<256xf32, #tpu.memory_space<vmem>>[vector<16xi32>], vector<16xf32>,
      %get3A_199 = arith.constant 80 : index
      %get3A_200 = tpu.vector_load %arg6[%get3A_199] {strides = array<i32>} : memref<256xi32, #tpu.memory_space<vmem>>, vector<16xi32>,
      %mul3A_201 = arith.constant 256 : i32
      %mul3A_202 = arith.muli %scan3A_14, %mul3A_201 : i32
      %add3A_203 = arith.constant 80 : i32
      %add3A_204 = arith.addi %mul3A_202, %add3A_203 : i32
      %get3A_205 = arith.index_cast %add3A_204 : i32 to index
      %get3A_206 = tpu.vector_load %arg5[%get3A_205] {strides = array<i32>} : memref<6144xf32, #tpu.memory_space<vmem>>, vector<16xf32>,
      tpu.vector_store_idx %arg7[%get3A_200], %get3A_206 {add = true} : memref<256xf32, #tpu.memory_space<vmem>>[vector<16xi32>], vector<16xf32>,
      %get3A_207 = arith.constant 96 : index
      %get3A_208 = tpu.vector_load %arg6[%get3A_207] {strides = array<i32>} : memref<256xi32, #tpu.memory_space<vmem>>, vector<16xi32>,
      %mul3A_209 = arith.constant 256 : i32
      %mul3A_210 = arith.muli %scan3A_14, %mul3A_209 : i32
      %add3A_211 = arith.constant 96 : i32
      %add3A_212 = arith.addi %mul3A_210, %add3A_211 : i32
      %get3A_213 = arith.index_cast %add3A_212 : i32 to index
      %get3A_214 = tpu.vector_load %arg5[%get3A_213] {strides = array<i32>} : memref<6144xf32, #tpu.memory_space<vmem>>, vector<16xf32>,
      tpu.vector_store_idx %arg7[%get3A_208], %get3A_214 {add = true} : memref<256xf32, #tpu.memory_space<vmem>>[vector<16xi32>], vector<16xf32>,
      %get3A_215 = arith.constant 112 : index
      %get3A_216 = tpu.vector_load %arg6[%get3A_215] {strides = array<i32>} : memref<256xi32, #tpu.memory_space<vmem>>, vector<16xi32>,
      %mul3A_217 = arith.constant 256 : i32
      %mul3A_218 = arith.muli %scan3A_14, %mul3A_217 : i32
      %add3A_219 = arith.constant 112 : i32
      %add3A_220 = arith.addi %mul3A_218, %add3A_219 : i32
      %get3A_221 = arith.index_cast %add3A_220 : i32 to index
      %get3A_222 = tpu.vector_load %arg5[%get3A_221] {strides = array<i32>} : memref<6144xf32, #tpu.memory_space<vmem>>, vector<16xf32>,
      tpu.vector_store_idx %arg7[%get3A_216], %get3A_222 {add = true} : memref<256xf32, #tpu.memory_space<vmem>>[vector<16xi32>], vector<16xf32>,
      %get3A_223 = arith.constant 128 : index
      %get3A_224 = tpu.vector_load %arg6[%get3A_223] {strides = array<i32>} : memref<256xi32, #tpu.memory_space<vmem>>, vector<16xi32>,
      %mul3A_225 = arith.constant 256 : i32
      %mul3A_226 = arith.muli %scan3A_14, %mul3A_225 : i32
      %add3A_227 = arith.constant 128 : i32
      %add3A_228 = arith.addi %mul3A_226, %add3A_227 : i32
      %get3A_229 = arith.index_cast %add3A_228 : i32 to index
      %get3A_230 = tpu.vector_load %arg5[%get3A_229] {strides = array<i32>} : memref<6144xf32, #tpu.memory_space<vmem>>, vector<16xf32>,
      tpu.vector_store_idx %arg7[%get3A_224], %get3A_230 {add = true} : memref<256xf32, #tpu.memory_space<vmem>>[vector<16xi32>], vector<16xf32>,
      %get3A_231 = arith.constant 144 : index
      %get3A_232 = tpu.vector_load %arg6[%get3A_231] {strides = array<i32>} : memref<256xi32, #tpu.memory_space<vmem>>, vector<16xi32>,
      %mul3A_233 = arith.constant 256 : i32
      %mul3A_234 = arith.muli %scan3A_14, %mul3A_233 : i32
      %add3A_235 = arith.constant 144 : i32
      %add3A_236 = arith.addi %mul3A_234, %add3A_235 : i32
      %get3A_237 = arith.index_cast %add3A_236 : i32 to index
      %get3A_238 = tpu.vector_load %arg5[%get3A_237] {strides = array<i32>} : memref<6144xf32, #tpu.memory_space<vmem>>, vector<16xf32>,
      tpu.vector_store_idx %arg7[%get3A_232], %get3A_238 {add = true} : memref<256xf32, #tpu.memory_space<vmem>>[vector<16xi32>], vector<16xf32>,
      %get3A_239 = arith.constant 160 : index
      %get3A_240 = tpu.vector_load %arg6[%get3A_239] {strides = array<i32>} : memref<256xi32, #tpu.memory_space<vmem>>, vector<16xi32>,
      %mul3A_241 = arith.constant 256 : i32
      %mul3A_242 = arith.muli %scan3A_14, %mul3A_241 : i32
      %add3A_243 = arith.constant 160 : i32
      %add3A_244 = arith.addi %mul3A_242, %add3A_243 : i32
      %get3A_245 = arith.index_cast %add3A_244 : i32 to index
      %get3A_246 = tpu.vector_load %arg5[%get3A_245] {strides = array<i32>} : memref<6144xf32, #tpu.memory_space<vmem>>, vector<16xf32>,
      tpu.vector_store_idx %arg7[%get3A_240], %get3A_246 {add = true} : memref<256xf32, #tpu.memory_space<vmem>>[vector<16xi32>], vector<16xf32>,
      %get3A_247 = arith.constant 176 : index
      %get3A_248 = tpu.vector_load %arg6[%get3A_247] {strides = array<i32>} : memref<256xi32, #tpu.memory_space<vmem>>, vector<16xi32>,
      %mul3A_249 = arith.constant 256 : i32
      %mul3A_250 = arith.muli %scan3A_14, %mul3A_249 : i32
      %add3A_251 = arith.constant 176 : i32
      %add3A_252 = arith.addi %mul3A_250, %add3A_251 : i32
      %get3A_253 = arith.index_cast %add3A_252 : i32 to index
      %get3A_254 = tpu.vector_load %arg5[%get3A_253] {strides = array<i32>} : memref<6144xf32, #tpu.memory_space<vmem>>, vector<16xf32>,
      tpu.vector_store_idx %arg7[%get3A_248], %get3A_254 {add = true} : memref<256xf32, #tpu.memory_space<vmem>>[vector<16xi32>], vector<16xf32>,
      %get3A_255 = arith.constant 192 : index
      %get3A_256 = tpu.vector_load %arg6[%get3A_255] {strides = array<i32>} : memref<256xi32, #tpu.memory_space<vmem>>, vector<16xi32>,
      %mul3A_257 = arith.constant 256 : i32
      %mul3A_258 = arith.muli %scan3A_14, %mul3A_257 : i32
      %add3A_259 = arith.constant 192 : i32
      %add3A_260 = arith.addi %mul3A_258, %add3A_259 : i32
      %get3A_261 = arith.index_cast %add3A_260 : i32 to index
      %get3A_262 = tpu.vector_load %arg5[%get3A_261] {strides = array<i32>} : memref<6144xf32, #tpu.memory_space<vmem>>, vector<16xf32>,
      tpu.vector_store_idx %arg7[%get3A_256], %get3A_262 {add = true} : memref<256xf32, #tpu.memory_space<vmem>>[vector<16xi32>], vector<16xf32>,
      %get3A_263 = arith.constant 208 : index
      %get3A_264 = tpu.vector_load %arg6[%get3A_263] {strides = array<i32>} : memref<256xi32, #tpu.memory_space<vmem>>, vector<16xi32>,
      %mul3A_265 = arith.constant 256 : i32
      %mul3A_266 = arith.muli %scan3A_14, %mul3A_265 : i32
      %add3A_267 = arith.constant 208 : i32
      %add3A_268 = arith.addi %mul3A_266, %add3A_267 : i32
      %get3A_269 = arith.index_cast %add3A_268 : i32 to index
      %get3A_270 = tpu.vector_load %arg5[%get3A_269] {strides = array<i32>} : memref<6144xf32, #tpu.memory_space<vmem>>, vector<16xf32>,
      tpu.vector_store_idx %arg7[%get3A_264], %get3A_270 {add = true} : memref<256xf32, #tpu.memory_space<vmem>>[vector<16xi32>], vector<16xf32>,
      %get3A_271 = arith.constant 224 : index
      %get3A_272 = tpu.vector_load %arg6[%get3A_271] {strides = array<i32>} : memref<256xi32, #tpu.memory_space<vmem>>, vector<16xi32>,
      %mul3A_273 = arith.constant 256 : i32
      %mul3A_274 = arith.muli %scan3A_14, %mul3A_273 : i32
      %add3A_275 = arith.constant 224 : i32
      %add3A_276 = arith.addi %mul3A_274, %add3A_275 : i32
      %get3A_277 = arith.index_cast %add3A_276 : i32 to index
      %get3A_278 = tpu.vector_load %arg5[%get3A_277] {strides = array<i32>} : memref<6144xf32, #tpu.memory_space<vmem>>, vector<16xf32>,
      tpu.vector_store_idx %arg7[%get3A_272], %get3A_278 {add = true} : memref<256xf32, #tpu.memory_space<vmem>>[vector<16xi32>], vector<16xf32>,
      %get3A_279 = arith.constant 240 : index
      %get3A_280 = tpu.vector_load %arg6[%get3A_279] {strides = array<i32>} : memref<256xi32, #tpu.memory_space<vmem>>, vector<16xi32>,
      %mul3A_281 = arith.constant 256 : i32
      %mul3A_282 = arith.muli %scan3A_14, %mul3A_281 : i32
      %add3A_283 = arith.constant 240 : i32
      %add3A_284 = arith.addi %mul3A_282, %add3A_283 : i32
      %get3A_285 = arith.index_cast %add3A_284 : i32 to index
      %get3A_286 = tpu.vector_load %arg5[%get3A_285] {strides = array<i32>} : memref<6144xf32, #tpu.memory_space<vmem>>, vector<16xf32>,
      tpu.vector_store_idx %arg7[%get3A_280], %get3A_286 {add = true} : memref<256xf32, #tpu.memory_space<vmem>>[vector<16xi32>], vector<16xf32>,
      %mul3A_287 = arith.constant 64 : i32
      %mul3A_288 = arith.muli %div3A_16, %mul3A_287 : i32
      %add3A_289 = arith.constant 3 : i32
      %add3A_290 = arith.addi %rem3A_17, %add3A_289 : i32
      %rem3A_291 = arith.constant 64 : i32
      %rem3A_292 = arith.remsi %add3A_290, %rem3A_291 : i32
      %add3A_293 = arith.addi %mul3A_288, %rem3A_292 : i32
      "tpu.region"() ({
        %run_scoped3A = tpu.sem_alloc : memref<!tpu.dma_semaphore, #tpu.memory_space<semaphore_mem>>
        %dma_start3A = arith.constant 0 : i32
        %dma_start3A_422 = tpu.memref_slice %arg8[%add3A_293, %dma_start3A] : memref<384x256xi32, #tpu.memory_space<vmem_shared>> -> memref<1x256xi32, #tpu.memory_space<vmem_shared>>
        %dma_start3A_423 = tpu.memref_squeeze %dma_start3A_422 : memref<1x256xi32, #tpu.memory_space<vmem_shared>> -> memref<256xi32, #tpu.memory_space<vmem_shared>>
        %dma_start3A_424 = arith.constant 0 : i32
        %dma_start3A_425 = tpu.memref_slice %arg8[%add3A_293, %dma_start3A_424] : memref<384x256xi32, #tpu.memory_space<vmem_shared>> -> memref<1x256xi32, #tpu.memory_space<vmem_shared>>
        %dma_start3A_426 = tpu.memref_squeeze %dma_start3A_425 : memref<1x256xi32, #tpu.memory_space<vmem_shared>> -> memref<256xi32, #tpu.memory_space<vmem_shared>>
        tpu.enqueue_dma source(%dma_start3A_426 : memref<256xi32, #tpu.memory_space<vmem_shared>>) target(%arg6 : memref<256xi32, #tpu.memory_space<vmem>>) target_semaphore(%run_scoped3A : memref<!tpu.dma_semaphore, #tpu.memory_space<semaphore_mem>>)
        %dma_wait3A = arith.constant 0 : i32
        %dma_wait3A_427 = tpu.memref_slice %arg8[%add3A_293, %dma_wait3A] : memref<384x256xi32, #tpu.memory_space<vmem_shared>> -> memref<1x256xi32, #tpu.memory_space<vmem_shared>>
        %dma_wait3A_428 = tpu.memref_squeeze %dma_wait3A_427 : memref<1x256xi32, #tpu.memory_space<vmem_shared>> -> memref<256xi32, #tpu.memory_space<vmem_shared>>
        %dma_wait3A_429 = arith.constant 0 : i32
        %dma_wait3A_430 = tpu.memref_slice %arg8[%add3A_293, %dma_wait3A_429] : memref<384x256xi32, #tpu.memory_space<vmem_shared>> -> memref<1x256xi32, #tpu.memory_space<vmem_shared>>
        %dma_wait3A_431 = tpu.memref_squeeze %dma_wait3A_430 : memref<1x256xi32, #tpu.memory_space<vmem_shared>> -> memref<256xi32, #tpu.memory_space<vmem_shared>>
        tpu.wait_dma2 semaphore(%run_scoped3A : memref<!tpu.dma_semaphore, #tpu.memory_space<semaphore_mem>>) src(%dma_wait3A_431 : memref<256xi32, #tpu.memory_space<vmem_shared>>) dst(%arg6 : memref<256xi32, #tpu.memory_space<vmem>>)
        tpu.yield
      }) : () -> ()
      %get3A_294 = arith.constant 0 : index
      %get3A_295 = tpu.vector_load %arg6[%get3A_294] {strides = array<i32>} : memref<256xi32, #tpu.memory_space<vmem>>, vector<16xi32>,
      %mul3A_296 = arith.constant 256 : i32
      %mul3A_297 = arith.muli %scan3A_14, %mul3A_296 : i32
      %add3A_298 = arith.constant 0 : i32
      %add3A_299 = arith.addi %mul3A_297, %add3A_298 : i32
      %get3A_300 = arith.index_cast %add3A_299 : i32 to index
      %get3A_301 = tpu.vector_load %arg5[%get3A_300] {strides = array<i32>} : memref<6144xf32, #tpu.memory_space<vmem>>, vector<16xf32>,
      tpu.vector_store_idx %arg7[%get3A_295], %get3A_301 {add = true} : memref<256xf32, #tpu.memory_space<vmem>>[vector<16xi32>], vector<16xf32>,
      %get3A_302 = arith.constant 16 : index
      %get3A_303 = tpu.vector_load %arg6[%get3A_302] {strides = array<i32>} : memref<256xi32, #tpu.memory_space<vmem>>, vector<16xi32>,
      %mul3A_304 = arith.constant 256 : i32
      %mul3A_305 = arith.muli %scan3A_14, %mul3A_304 : i32
      %add3A_306 = arith.constant 16 : i32
      %add3A_307 = arith.addi %mul3A_305, %add3A_306 : i32
      %get3A_308 = arith.index_cast %add3A_307 : i32 to index
      %get3A_309 = tpu.vector_load %arg5[%get3A_308] {strides = array<i32>} : memref<6144xf32, #tpu.memory_space<vmem>>, vector<16xf32>,
      tpu.vector_store_idx %arg7[%get3A_303], %get3A_309 {add = true} : memref<256xf32, #tpu.memory_space<vmem>>[vector<16xi32>], vector<16xf32>,
      %get3A_310 = arith.constant 32 : index
      %get3A_311 = tpu.vector_load %arg6[%get3A_310] {strides = array<i32>} : memref<256xi32, #tpu.memory_space<vmem>>, vector<16xi32>,
      %mul3A_312 = arith.constant 256 : i32
      %mul3A_313 = arith.muli %scan3A_14, %mul3A_312 : i32
      %add3A_314 = arith.constant 32 : i32
      %add3A_315 = arith.addi %mul3A_313, %add3A_314 : i32
      %get3A_316 = arith.index_cast %add3A_315 : i32 to index
      %get3A_317 = tpu.vector_load %arg5[%get3A_316] {strides = array<i32>} : memref<6144xf32, #tpu.memory_space<vmem>>, vector<16xf32>,
      tpu.vector_store_idx %arg7[%get3A_311], %get3A_317 {add = true} : memref<256xf32, #tpu.memory_space<vmem>>[vector<16xi32>], vector<16xf32>,
      %get3A_318 = arith.constant 48 : index
      %get3A_319 = tpu.vector_load %arg6[%get3A_318] {strides = array<i32>} : memref<256xi32, #tpu.memory_space<vmem>>, vector<16xi32>,
      %mul3A_320 = arith.constant 256 : i32
      %mul3A_321 = arith.muli %scan3A_14, %mul3A_320 : i32
      %add3A_322 = arith.constant 48 : i32
      %add3A_323 = arith.addi %mul3A_321, %add3A_322 : i32
      %get3A_324 = arith.index_cast %add3A_323 : i32 to index
      %get3A_325 = tpu.vector_load %arg5[%get3A_324] {strides = array<i32>} : memref<6144xf32, #tpu.memory_space<vmem>>, vector<16xf32>,
      tpu.vector_store_idx %arg7[%get3A_319], %get3A_325 {add = true} : memref<256xf32, #tpu.memory_space<vmem>>[vector<16xi32>], vector<16xf32>,
      %get3A_326 = arith.constant 64 : index
      %get3A_327 = tpu.vector_load %arg6[%get3A_326] {strides = array<i32>} : memref<256xi32, #tpu.memory_space<vmem>>, vector<16xi32>,
      %mul3A_328 = arith.constant 256 : i32
      %mul3A_329 = arith.muli %scan3A_14, %mul3A_328 : i32
      %add3A_330 = arith.constant 64 : i32
      %add3A_331 = arith.addi %mul3A_329, %add3A_330 : i32
      %get3A_332 = arith.index_cast %add3A_331 : i32 to index
      %get3A_333 = tpu.vector_load %arg5[%get3A_332] {strides = array<i32>} : memref<6144xf32, #tpu.memory_space<vmem>>, vector<16xf32>,
      tpu.vector_store_idx %arg7[%get3A_327], %get3A_333 {add = true} : memref<256xf32, #tpu.memory_space<vmem>>[vector<16xi32>], vector<16xf32>,
      %get3A_334 = arith.constant 80 : index
      %get3A_335 = tpu.vector_load %arg6[%get3A_334] {strides = array<i32>} : memref<256xi32, #tpu.memory_space<vmem>>, vector<16xi32>,
      %mul3A_336 = arith.constant 256 : i32
      %mul3A_337 = arith.muli %scan3A_14, %mul3A_336 : i32
      %add3A_338 = arith.constant 80 : i32
      %add3A_339 = arith.addi %mul3A_337, %add3A_338 : i32
      %get3A_340 = arith.index_cast %add3A_339 : i32 to index
      %get3A_341 = tpu.vector_load %arg5[%get3A_340] {strides = array<i32>} : memref<6144xf32, #tpu.memory_space<vmem>>, vector<16xf32>,
      tpu.vector_store_idx %arg7[%get3A_335], %get3A_341 {add = true} : memref<256xf32, #tpu.memory_space<vmem>>[vector<16xi32>], vector<16xf32>,
      %get3A_342 = arith.constant 96 : index
      %get3A_343 = tpu.vector_load %arg6[%get3A_342] {strides = array<i32>} : memref<256xi32, #tpu.memory_space<vmem>>, vector<16xi32>,
      %mul3A_344 = arith.constant 256 : i32
      %mul3A_345 = arith.muli %scan3A_14, %mul3A_344 : i32
      %add3A_346 = arith.constant 96 : i32
      %add3A_347 = arith.addi %mul3A_345, %add3A_346 : i32
      %get3A_348 = arith.index_cast %add3A_347 : i32 to index
      %get3A_349 = tpu.vector_load %arg5[%get3A_348] {strides = array<i32>} : memref<6144xf32, #tpu.memory_space<vmem>>, vector<16xf32>,
      tpu.vector_store_idx %arg7[%get3A_343], %get3A_349 {add = true} : memref<256xf32, #tpu.memory_space<vmem>>[vector<16xi32>], vector<16xf32>,
      %get3A_350 = arith.constant 112 : index
      %get3A_351 = tpu.vector_load %arg6[%get3A_350] {strides = array<i32>} : memref<256xi32, #tpu.memory_space<vmem>>, vector<16xi32>,
      %mul3A_352 = arith.constant 256 : i32
      %mul3A_353 = arith.muli %scan3A_14, %mul3A_352 : i32
      %add3A_354 = arith.constant 112 : i32
      %add3A_355 = arith.addi %mul3A_353, %add3A_354 : i32
      %get3A_356 = arith.index_cast %add3A_355 : i32 to index
      %get3A_357 = tpu.vector_load %arg5[%get3A_356] {strides = array<i32>} : memref<6144xf32, #tpu.memory_space<vmem>>, vector<16xf32>,
      tpu.vector_store_idx %arg7[%get3A_351], %get3A_357 {add = true} : memref<256xf32, #tpu.memory_space<vmem>>[vector<16xi32>], vector<16xf32>,
      %get3A_358 = arith.constant 128 : index
      %get3A_359 = tpu.vector_load %arg6[%get3A_358] {strides = array<i32>} : memref<256xi32, #tpu.memory_space<vmem>>, vector<16xi32>,
      %mul3A_360 = arith.constant 256 : i32
      %mul3A_361 = arith.muli %scan3A_14, %mul3A_360 : i32
      %add3A_362 = arith.constant 128 : i32
      %add3A_363 = arith.addi %mul3A_361, %add3A_362 : i32
      %get3A_364 = arith.index_cast %add3A_363 : i32 to index
      %get3A_365 = tpu.vector_load %arg5[%get3A_364] {strides = array<i32>} : memref<6144xf32, #tpu.memory_space<vmem>>, vector<16xf32>,
      tpu.vector_store_idx %arg7[%get3A_359], %get3A_365 {add = true} : memref<256xf32, #tpu.memory_space<vmem>>[vector<16xi32>], vector<16xf32>,
      %get3A_366 = arith.constant 144 : index
      %get3A_367 = tpu.vector_load %arg6[%get3A_366] {strides = array<i32>} : memref<256xi32, #tpu.memory_space<vmem>>, vector<16xi32>,
      %mul3A_368 = arith.constant 256 : i32
      %mul3A_369 = arith.muli %scan3A_14, %mul3A_368 : i32
      %add3A_370 = arith.constant 144 : i32
      %add3A_371 = arith.addi %mul3A_369, %add3A_370 : i32
      %get3A_372 = arith.index_cast %add3A_371 : i32 to index
      %get3A_373 = tpu.vector_load %arg5[%get3A_372] {strides = array<i32>} : memref<6144xf32, #tpu.memory_space<vmem>>, vector<16xf32>,
      tpu.vector_store_idx %arg7[%get3A_367], %get3A_373 {add = true} : memref<256xf32, #tpu.memory_space<vmem>>[vector<16xi32>], vector<16xf32>,
      %get3A_374 = arith.constant 160 : index
      %get3A_375 = tpu.vector_load %arg6[%get3A_374] {strides = array<i32>} : memref<256xi32, #tpu.memory_space<vmem>>, vector<16xi32>,
      %mul3A_376 = arith.constant 256 : i32
      %mul3A_377 = arith.muli %scan3A_14, %mul3A_376 : i32
      %add3A_378 = arith.constant 160 : i32
      %add3A_379 = arith.addi %mul3A_377, %add3A_378 : i32
      %get3A_380 = arith.index_cast %add3A_379 : i32 to index
      %get3A_381 = tpu.vector_load %arg5[%get3A_380] {strides = array<i32>} : memref<6144xf32, #tpu.memory_space<vmem>>, vector<16xf32>,
      tpu.vector_store_idx %arg7[%get3A_375], %get3A_381 {add = true} : memref<256xf32, #tpu.memory_space<vmem>>[vector<16xi32>], vector<16xf32>,
      %get3A_382 = arith.constant 176 : index
      %get3A_383 = tpu.vector_load %arg6[%get3A_382] {strides = array<i32>} : memref<256xi32, #tpu.memory_space<vmem>>, vector<16xi32>,
      %mul3A_384 = arith.constant 256 : i32
      %mul3A_385 = arith.muli %scan3A_14, %mul3A_384 : i32
      %add3A_386 = arith.constant 176 : i32
      %add3A_387 = arith.addi %mul3A_385, %add3A_386 : i32
      %get3A_388 = arith.index_cast %add3A_387 : i32 to index
      %get3A_389 = tpu.vector_load %arg5[%get3A_388] {strides = array<i32>} : memref<6144xf32, #tpu.memory_space<vmem>>, vector<16xf32>,
      tpu.vector_store_idx %arg7[%get3A_383], %get3A_389 {add = true} : memref<256xf32, #tpu.memory_space<vmem>>[vector<16xi32>], vector<16xf32>,
      %get3A_390 = arith.constant 192 : index
      %get3A_391 = tpu.vector_load %arg6[%get3A_390] {strides = array<i32>} : memref<256xi32, #tpu.memory_space<vmem>>, vector<16xi32>,
      %mul3A_392 = arith.constant 256 : i32
      %mul3A_393 = arith.muli %scan3A_14, %mul3A_392 : i32
      %add3A_394 = arith.constant 192 : i32
      %add3A_395 = arith.addi %mul3A_393, %add3A_394 : i32
      %get3A_396 = arith.index_cast %add3A_395 : i32 to index
      %get3A_397 = tpu.vector_load %arg5[%get3A_396] {strides = array<i32>} : memref<6144xf32, #tpu.memory_space<vmem>>, vector<16xf32>,
      tpu.vector_store_idx %arg7[%get3A_391], %get3A_397 {add = true} : memref<256xf32, #tpu.memory_space<vmem>>[vector<16xi32>], vector<16xf32>,
      %get3A_398 = arith.constant 208 : index
      %get3A_399 = tpu.vector_load %arg6[%get3A_398] {strides = array<i32>} : memref<256xi32, #tpu.memory_space<vmem>>, vector<16xi32>,
      %mul3A_400 = arith.constant 256 : i32
      %mul3A_401 = arith.muli %scan3A_14, %mul3A_400 : i32
      %add3A_402 = arith.constant 208 : i32
      %add3A_403 = arith.addi %mul3A_401, %add3A_402 : i32
      %get3A_404 = arith.index_cast %add3A_403 : i32 to index
      %get3A_405 = tpu.vector_load %arg5[%get3A_404] {strides = array<i32>} : memref<6144xf32, #tpu.memory_space<vmem>>, vector<16xf32>,
      tpu.vector_store_idx %arg7[%get3A_399], %get3A_405 {add = true} : memref<256xf32, #tpu.memory_space<vmem>>[vector<16xi32>], vector<16xf32>,
      %get3A_406 = arith.constant 224 : index
      %get3A_407 = tpu.vector_load %arg6[%get3A_406] {strides = array<i32>} : memref<256xi32, #tpu.memory_space<vmem>>, vector<16xi32>,
      %mul3A_408 = arith.constant 256 : i32
      %mul3A_409 = arith.muli %scan3A_14, %mul3A_408 : i32
      %add3A_410 = arith.constant 224 : i32
      %add3A_411 = arith.addi %mul3A_409, %add3A_410 : i32
      %get3A_412 = arith.index_cast %add3A_411 : i32 to index
      %get3A_413 = tpu.vector_load %arg5[%get3A_412] {strides = array<i32>} : memref<6144xf32, #tpu.memory_space<vmem>>, vector<16xf32>,
      tpu.vector_store_idx %arg7[%get3A_407], %get3A_413 {add = true} : memref<256xf32, #tpu.memory_space<vmem>>[vector<16xi32>], vector<16xf32>,
      %get3A_414 = arith.constant 240 : index
      %get3A_415 = tpu.vector_load %arg6[%get3A_414] {strides = array<i32>} : memref<256xi32, #tpu.memory_space<vmem>>, vector<16xi32>,
      %mul3A_416 = arith.constant 256 : i32
      %mul3A_417 = arith.muli %scan3A_14, %mul3A_416 : i32
      %add3A_418 = arith.constant 240 : i32
      %add3A_419 = arith.addi %mul3A_417, %add3A_418 : i32
      %get3A_420 = arith.index_cast %add3A_419 : i32 to index
      %get3A_421 = tpu.vector_load %arg5[%get3A_420] {strides = array<i32>} : memref<6144xf32, #tpu.memory_space<vmem>>, vector<16xf32>,
      tpu.vector_store_idx %arg7[%get3A_415], %get3A_421 {add = true} : memref<256xf32, #tpu.memory_space<vmem>>[vector<16xi32>], vector<16xf32>,
      "tpu.region"() ({
        %run_scoped3A = tpu.sem_alloc : memref<!tpu.dma_semaphore, #tpu.memory_space<semaphore_mem>>
        %dma_start3A = arith.constant 0 : i32
        %dma_start3A_422 = tpu.memref_slice %arg3[%add3A_15, %dma_start3A] : memref<768x256xf32, #tpu.memory_space<hbm>> -> memref<1x256xf32, #tpu.memory_space<hbm>>
        %dma_start3A_423 = tpu.memref_squeeze %dma_start3A_422 : memref<1x256xf32, #tpu.memory_space<hbm>> -> memref<256xf32, #tpu.memory_space<hbm>>
        %dma_start3A_424 = arith.constant 0 : i32
        %dma_start3A_425 = tpu.memref_slice %arg3[%add3A_15, %dma_start3A_424] : memref<768x256xf32, #tpu.memory_space<hbm>> -> memref<1x256xf32, #tpu.memory_space<hbm>>
        %dma_start3A_426 = tpu.memref_squeeze %dma_start3A_425 : memref<1x256xf32, #tpu.memory_space<hbm>> -> memref<256xf32, #tpu.memory_space<hbm>>
        tpu.enqueue_dma source(%arg7 : memref<256xf32, #tpu.memory_space<vmem>>) target(%dma_start3A_426 : memref<256xf32, #tpu.memory_space<hbm>>) target_semaphore(%run_scoped3A : memref<!tpu.dma_semaphore, #tpu.memory_space<semaphore_mem>>)
        %dma_wait3A = arith.constant 0 : i32
        %dma_wait3A_427 = tpu.memref_slice %arg3[%add3A_15, %dma_wait3A] : memref<768x256xf32, #tpu.memory_space<hbm>> -> memref<1x256xf32, #tpu.memory_space<hbm>>
        %dma_wait3A_428 = tpu.memref_squeeze %dma_wait3A_427 : memref<1x256xf32, #tpu.memory_space<hbm>> -> memref<256xf32, #tpu.memory_space<hbm>>
        %dma_wait3A_429 = arith.constant 0 : i32
        %dma_wait3A_430 = tpu.memref_slice %arg3[%add3A_15, %dma_wait3A_429] : memref<768x256xf32, #tpu.memory_space<hbm>> -> memref<1x256xf32, #tpu.memory_space<hbm>>
        %dma_wait3A_431 = tpu.memref_squeeze %dma_wait3A_430 : memref<1x256xf32, #tpu.memory_space<hbm>> -> memref<256xf32, #tpu.memory_space<hbm>>
        tpu.wait_dma2 semaphore(%run_scoped3A : memref<!tpu.dma_semaphore, #tpu.memory_space<semaphore_mem>>) src(%arg7 : memref<256xf32, #tpu.memory_space<vmem>>) dst(%dma_wait3A_431 : memref<256xf32, #tpu.memory_space<hbm>>)
        tpu.yield
      }) : () -> ()
    }
    %scan3A_13 = arith.constant 24 : i32
    return
  }
}

</mosaic_0001>

<sc_bundles>
// kernel: kernel.3.cloned.1.call-start
scs
__scs_entry_jumppad:
0x0: {  	(pc) =	sbr.rel $0x88, $3  }
0x1: {  	(tag) =	ssettag $0x0;
	lr =	simm.s32 $0x1  }
0x2: {  	[smem:$0x3FA0] =	sst lr;
	_ =	strace $0xD0000000  }
0x3: {  	_ = 	snop  }
0x4: {  	_ = 	snop  }
0x5: {  	_ = 	snop  }
0x6: {  	_ = 	snop  }
0x7: {  	_ = 	snop  }
__scs_overlays_trampoline_lowered:
0x8: {  	[smem:$0x3FAF] =	sst s0  }
0x9: {  	[smem:$0x3FB0] =	sst s1  }
0xa: {  	[smem:$0x3FB1] =	sst s2  }
0xb: {  	[smem:$0x3FB2] =	sst s3  }
0xc: {  	[smem:$0x3FB3] =	sst s4  }
0xd: {  	[smem:$0x3FB4] =	sst s5  }
0xe: {  	[smem:$0x3FB5] =	sst s6  }
0xf: {  	[smem:$0x3FB6] =	sst s7  }
0x10: {  	[smem:$0x3FB7] =	sst s8  }
0x11: {  	[smem:$0x3FB8] =	sst s9;
	s0 =	simm.s32 @!p0 $0x0  }
0x12: {  	s1 =	sld [smem:$0x3F9E];
	s0 =	simm.s32 @p0 $0x1  }
0x13: {  	[smem:$0x3FB9] =	sst s0;
	s0 =	simm.s32 @!p1 $0x0  }
0x14: {  	s2 =	sld [smem:$0x3F9D];
	s0 =	simm.s32 @p1 $0x1  }
0x15: {  	[smem:$0x3FBA] =	sst s0;
	s0 =	simm.s32 @!p2 $0x0  }
0x16: {  	s3 =	sld [smem:$0x3FDB];
	s0 =	simm.s32 @p2 $0x1  }
0x17: {  	s4 =	simm.s32 $0x1BF5;
	[smem:$0x3FBC] =	sst s0  }
0x18: {  	s0 =	sld [smem:$0x3F9F];
	_ =	swait.ge [sflag:s4], $0x0  }
0x19: {  	s7 =	sld [smem:$0x3FA0]  }
0x1a: {  	s8 =	sadd.s32 $0xFFFFE003, lr  }
0x1b: {  	s9 =	sadd.s32 $0xFFFFFEF7, lr;
	s5 =	simm.s32 $0xFFFFFFFF;
	p2 =	slt.u32 s8, $0xFFFFF086  }
0x1c: {  	p1 =	slt.u32 s9, $0xF7A;
	s5 =	simm.s32 @!p2 $0x0  }
0x1d: {  	s5 =	simm.s32 @p1 $0x1;
	p0 =	seq.s32 s7, s2  }
0x1e: {  	s7 =	smul.u32 @!p0 $0xF7A, s2;
	p2 =	seq.s32 @!p0 s5, $0x0  }
0x1f: {  	s9 =	smul.u32 $0xF7A, s1;
	s8 =	simm.s32 @!p0 $0x1BF5;
	p2 =	por !p2, p0  }
0x20: {  	[sflag:s8] =	ssyncset.s32 @!p0 $0xFFFFF086;
	s6 =	sadd.s32 @!p0 s3, s7;
	s7 =	simm.s32 @!p0 $0x108  }
0x21: {  	s3 =	sadd.s32 s3, s9;
	s6 =	sadd.s32 @!p0 $0x88, s6;
	s7 =	simm.s32 @p2 $0x1082  }
0x22: {  	[simem:s7], [sflag:s8] =	dma.local @!p0 [hbm:s6], $0xF7A  }
0x23: {  	s9 =	sor.u32 $0xD0000000, s2;
	s6 =	simm.s32 $0x108;
	_ =	swait.ge @!p0 [sflag:s8], $0x0  }
0x24: {  	s3 =	sadd.s32 $0x88, s3;
	s6 =	simm.s32 @!p1 $0x1082;
	[sflag:s4] =	ssyncset.s32 $0xFFFFF086  }
0x25: {  	[simem:s6], [sflag:s4] =	dma.local [hbm:s3], $0xF7A  }
0x26: {  	[smem:$0x3FA0] =	sst s1;
	(tag) =	ssettag s2;
	_ =	strace s9  }
0x27: {  	s1 =	sld [smem:$0x3FB0]  }
0x28: {  	s2 =	sld [smem:$0x3FB1]  }
0x29: {  	s4 =	sld [smem:$0x3FB3]  }
0x2a: {  	p0 =	seq.s32 s5, $0x0;
	s5 =	sld [smem:$0x3FB4]  }
0x2b: {  	s6 =	sld [smem:$0x3FB5]  }
0x2c: {  	s7 =	sld [smem:$0x3FB6]  }
0x2d: {  	s3 =	simm.s32 $0x108;
	s8 =	sld [smem:$0x3FB7]  }
0x2e: {  	s3 =	simm.s32 @!p0 $0x1082;
	s9 =	sld [smem:$0x3FB8]  }
0x2f: {  	lr =	sadd.s32 s0, s3;
	s0 =	sld [smem:$0x3FAF]  }
0x30: {  	s3 =	sld [smem:$0x3FB2]  }
0x31: {  	[smem:$0x3FBB] =	sst s10  }
0x32: {  	s10 =	sld [smem:$0x3FB9];
	_ =	sdelay $0x3  }
0x33: {  	p0 =	seq.s32 s10, $0x1;
	s10 =	sld [smem:$0x3FBB];
	_ =	sdelay $0x3  }
0x34: {  	[smem:$0x3FBB] =	sst s10  }
0x35: {  	s10 =	sld [smem:$0x3FBA];
	_ =	sdelay $0x3  }
0x36: {  	p1 =	seq.s32 s10, $0x1;
	s10 =	sld [smem:$0x3FBB];
	_ =	sdelay $0x3  }
0x37: {  	[smem:$0x3FBB] =	sst s10  }
0x38: {  	s10 =	sld [smem:$0x3FBC]  }
0x39: {  	_ = 	snop;
	(pc) =	sbr.ind lr, $3  }
0x3a: {  	_ = 	snop  }
0x3b: {  	_ = 	snop  }
0x3c: {  	p2 =	seq.s32 s10, $0x1;
	s10 =	sld [smem:$0x3FBB]  }
0x3d: {  	_ =	shalt  }
0x3e: {  	_ =	shalt  }
0x3f: {  	_ =	shalt  }
0x40: {  	_ =	shalt  }
0x41: {  	_ =	shalt  }
0x42: {  	_ =	shalt  }
0x43: {  	_ =	shalt  }
0x44: {  	_ =	shalt  }
0x45: {  	_ =	shalt  }
0x46: {  	_ =	shalt  }
0x47: {  	_ =	shalt  }
0x48: {  	_ =	shalt  }
0x49: {  	_ =	shalt  }
0x4a: {  	_ =	shalt  }
0x4b: {  	_ =	shalt  }
0x4c: {  	_ =	shalt  }
0x4d: {  	_ =	shalt  }
0x4e: {  	_ =	shalt  }
0x4f: {  	_ =	shalt  }
0x50: {  	_ =	shalt  }
0x51: {  	_ =	shalt  }
0x52: {  	_ =	shalt  }
0x53: {  	_ =	shalt  }
0x54: {  	_ =	shalt  }
0x55: {  	_ =	shalt  }
0x56: {  	_ =	shalt  }
0x57: {  	_ =	shalt  }
0x58: {  	_ =	shalt  }
0x59: {  	_ =	shalt  }
0x5a: {  	_ =	shalt  }
0x5b: {  	_ =	shalt  }
0x5c: {  	_ =	shalt  }
0x5d: {  	_ =	shalt  }
0x5e: {  	_ =	shalt  }
0x5f: {  	_ =	shalt  }
0x60: {  	_ =	shalt  }
0x61: {  	_ =	shalt  }
0x62: {  	_ =	shalt  }
0x63: {  	_ =	shalt  }
0x64: {  	_ =	shalt  }
0x65: {  	_ =	shalt  }
0x66: {  	_ =	shalt  }
0x67: {  	_ =	shalt  }
0x68: {  	_ =	shalt  }
0x69: {  	_ =	shalt  }
0x6a: {  	_ =	shalt  }
0x6b: {  	_ =	shalt  }
0x6c: {  	_ =	shalt  }
0x6d: {  	_ =	shalt  }
0x6e: {  	_ =	shalt  }
0x6f: {  	_ =	shalt  }
0x70: {  	_ =	shalt  }
0x71: {  	_ =	shalt  }
0x72: {  	_ =	shalt  }
0x73: {  	_ =	shalt  }
0x74: {  	_ =	shalt  }
0x75: {  	_ =	shalt  }
0x76: {  	_ =	shalt  }
0x77: {  	_ =	shalt  }
0x78: {  	_ =	shalt  }
0x79: {  	_ =	shalt  }
0x7a: {  	_ =	shalt  }
0x7b: {  	_ =	shalt  }
0x7c: {  	_ =	shalt  }
0x7d: {  	_ =	shalt  }
0x7e: {  	_ =	shalt  }
0x7f: {  	_ =	shalt  }
0x80: {  	_ =	shalt  }
0x81: {  	_ =	shalt  }
0x82: {  	_ =	shalt  }
0x83: {  	_ =	shalt  }
0x84: {  	_ =	shalt  }
0x85: {  	_ =	shalt  }
0x86: {  	_ =	shalt  }
0x87: {  	_ =	shalt  }
.Lfunc_end0:
.L_simem_size_0:
called_computation_lowered:
.L_overlay_start_0:
0x88: {  	s2 =	sld [smem:$0x3FD9]  }
0x89: {  	s3 =	sld [smem:$0x3FFE];
	_ =	sdelay $0x1  }
0x8a: {  	s1 =	srdreg.scid  }
0x8b: {  	s0 =	sand.u32 $0x1, s1  }
0x8c: {  	s15 =	sshll.u32 s0, $0xA;
	s2 =	sadd.s32 s3, s2  }
0x8d: {  	s2 =	sadd.s32 s2, s15  }
0x8e: {  	[smem:$0x3FC7] =	sst s2  }
0x8f: {  	_ = 	snop  }
0x90: {  	s2 =	sld [smem:$0x3FD0];
	_ =	sdelay $0x2  }
0x91: {  	s4 =	simm.s32 $0xA;
	s5 =	simm.s32 $0x10;
	s16 =	sld [smem:$0x3FC9]  }
0x92: {  	[smem:s5], [sflag:s4] =	dma.local [hbm:s2], $0x1  }
0x93: {  	_ =	swait.eq [sflag:s4], $0x1  }
0x94: {  	[sflag:s4] =	ssyncset.done $0x0  }
0x95: {  	[sflag:s4] =	ssyncadd.s32 $0xFFFFFFFF  }
0x96: {  	s17 =	sld [smem:$0x10];
	(tm) =	ssettm $0x1  }
0x97: {  	s18 =	sld [smem:$0x3FFB];
	_ =	sdelay $0x3  }
0x98: {  	_ =	strace s18  }
0x99: {  	s4 =	sld [smem:$0x3FFC];
	_ =	sdelay $0x3  }
0x9a: {  	_ =	strace s4  }
0x9b: {  	s4 =	sld [smem:$0x3FFD];
	_ =	sdelay $0x3  }
0x9c: {  	_ =	strace s4  }
0x9d: {  	_ =	strace $0x8FFFFFFF  }
0x9e: {  	s19 =	sld [smem:$0x3FDB];
	_ =	sdelay $0x1  }
0x9f: {  	s20 =	simm.s32 $_scs_section_size  }
0xa0: {  	s6 =	simm.s32 $_size__tile_overlayer_lowered;
	s7 =	simm.s32 $_tile_overlayer_lowered  }
0xa1: {  	s23 =	simm.s32 $0x1BFF;
	s22 =	sshll.u32 s7, $0x1;
	s4 =	sadd.s32 s20, s19  }
0xa2: {  	s8 =	simm.s32 $0x0;
	s21 =	sshll.u32 s6, $0x1;
	s6 =	sadd.s32 s22, s4  }
0xa3: {  	[timem:s8], [sflag:s23] =	dma.local [hbm:s6], s21  }
0xa4: {  	_ =	swait.ge [sflag:s23], s21  }
0xa5: {  	s5 =	ssub.s32 $0x0, s21;
	[sflag:s23] =	ssyncset.done $0x0  }
0xa6: {  	[sflag:s23] =	ssyncadd.s32 s5;
	_ =	sdelay $0x1  }
0xa7: {  	s24 =	simm.s32 $0x1B8B  }
0xa8: {  	_ =	swait.ge [sflag:s24], $0x1  }
0xa9: {  	[sflag:s24] =	ssyncset.done $0x0  }
0xaa: {  	s25 =	simm.s32 $0x1B8E;
	[sflag:s24] =	ssyncadd.s32 $0xFFFFFFFF  }
0xab: {  	s26 =	simm.s32 $execute0_lowered;
	[smem:$0x3FD2] =	sst s25  }
0xac: {  	s5 =	sshll.u32 s26, $0x1;
	_ =	strace $0x80000046;
	[dreg:$0x1] =	wrdreg $0xFFFFFFFF  }
0xad: {  	s28 =	simm.s32 $_size_execute0_lowered;
	s4 =	sadd.s32 s4, s5;
	[dreg:$0x0] =	wrdreg $0x0  }
0xae: {  	s5 =	sshll.u32 s28, $0x1;
	[dreg:$0x2] =	wrdreg s4  }
0xaf: {  	[dreg:$0x3] =	wrdreg s5  }
0xb0: {  	[dreg:$0x4] =	wrdreg $0xC0  }
0xb1: {  	_ =	task [dreg:s8], $0x5FFFF  }
0xb2: {  	[dreg:$0x1] =	wrdreg $0xFFFFFFFF  }
0xb3: {  	[dreg:$0x0] =	wrdreg $0x60  }
0xb4: {  	[dreg:$0x2] =	wrdreg s16  }
0xb5: {  	[dreg:$0x3] =	wrdreg s17  }
0xb6: {  	[dreg:$0x4] =	wrdreg $0x1B000  }
0xb7: {  	[dreg:$0x5] =	wrdreg $0x9  }
0xb8: {  	_ =	task.clear_ibuf [dreg:s8], $0x6FFFF;
	_ =	strace $0x90000046  }
0xb9: {  	s29 =	simm.s32 $0x9;
	_ =	strace $0x80000048  }
0xba: {  	_ =	swait.ge [sflag:s29], $0x1  }
0xbb: {  	[sflag:s29] =	ssyncadd.s32 $0xFFFFFFFF  }
0xbc: {  	_ =	strace $0x90000048  }
0xbd: {  	_ =	sfence  }
0xbe: {  	s30 =	sld [smem:$0x0];
	_ =	sdelay $0x2  }
0xbf: {  	s31 =	sshll.u32 s1, $0xD;
	s1 =	sshrl.u32 s1, $0x2  }
0xc0: {  	s3 =	sand.u32 $0x4000, s31;
	s1 =	sadd.s32 s1, s30  }
0xc1: {  	s0 =	sor.u32 s3, s0;
	s1 =	sshll.u32 s1, $0x11  }
0xc2: {  	s0 =	sor.u32 s1, s0  }
0xc3: {  	s0 =	sadd.s32 $0x8F2B, s0  }
0xc4: {  	[sflag:s0] =	ssyncadd.remote.s32 $0x1  }
0xc5: {  	_ =	sfence.sel $0xFFFF  }
0xc6: {  	[dreg:$0x0] =	wrdreg $0xFFFFFFFF;
	(pc) =	sbr.abs _section_cstart, $3  }
0xc7: {  	[dreg:$0x1] =	wrdreg $0xFFFFFFFF  }
0xc8: {  	_ =	task.clear_ibuf [dreg:s8], $0x2FFFF;
	_ =	strace $0x9FFFFFFF  }
0xc9: {  	(tm) =	ssettm $0x7FFFFFFF  }
tec
execute0_lowered:
.L_overlay_start_1:
0x0: {  	(tag) =	ssettag $0x1  }
0x1: {  	s1 =	rddreg [dreg:$0x0]  }
0x2: {  	s0 =	rddreg [dreg:$0x1]  }
0x3: {  	s3 =	rddreg [dreg:$0x2]  }
0x4: {  	s5 =	srdreg.scid;
	s2 =	stileid.u32;
	s4 =	simm.s32 $0x0  }
0x5: {  	v2 =	vlaneseq.u32;
	s10 =	simm.s32 $0x1;
	s11 =	simm.s32 $0x1900;
	s12 =	simm.s32 $0x1A00  }
0x6: {  	s13 =	simm.s32 $0x0;
	[dreg:$0x5] =	wrdreg s0;
	s6 =	smul.u32 $0x18, s2;
	v21 =	vor.u32 $0x10, v2;
	v22 =	vor.u32 $0x20, v2  }
0x7: {  	s0 =	rddreg [dreg:$0x3];
	s5 =	sand.u32 $0x1, s5;
	s9 =	smul.u32 $0x300, s2;
	v5 =	vor.u32 $0x30, v2;
	v6 =	vor.u32 $0x40, v2;
	v7 =	vor.u32 $0x50, v2  }
0x8: {  	[smem:$0x7FF] =	sst s4;
	v8 =	vor.u32 $0x60, v2;
	v9 =	vor.u32 $0x70, v2;
	v10 =	vor.u32 $0x80, v2;
	s7 =	ssub.s32 $0x2, s5;
	s8 =	smul.u32 $0x3000, s5  }
0x9: {  	v11 =	vor.u32 $0x90, v2;
	v12 =	vor.u32 $0xA0, v2;
	v16 =	vmul.u32 $0xFFFFFFFF, v2;
	_ =	strace $0x80000047;
	s31 =	sshrl.u32 s7, $0x1;
	[dreg:$0x4] =	wrdreg s6  }
0xa: {  	v13 =	vor.u32 $0xB0, v2;
	v14 =	vor.u32 $0xC0, v2;
	v15 =	vor.u32 $0xD0, v2;
	[tilespmem:$0x1FFE0] =	vst v21;
	s6 =	smul.u32 $0x1800, s2;
	s5 =	ssub.s32 s7, s31;
	s7 =	sadd.s32 s9, s8  }
0xb: {  	v3 =	vor.u32 $0xE0, v2;
	v4 =	vor.u32 $0xF0, v2;
	[tilespmem:$0x1FFF0] =	vst v22;
	v16 =	vadd.s32 $0xF, v16;
	s8 =	simm.s32 $0x80;
	s9 =	simm.s32 $0x400;
	s5 =	smax.u32 s5, $0x1  }
.LBB2_1:
0xc: {  	s14 =	simm.s32 $0x180;
	s15 =	smov.u32 s7  }
0xd: {  	s16 =	smov.u32 s6;
	s17 =	simm.s32 $0x0;
	s18 =	simm.s32 $0x0  }
.LBB2_2:
0xe: {  	s19 =	sand.u32 $0x70, s18  }
0xf: {  	s20 =	sand.u32 $0xFF00, s15;
	s19 =	sadd.s32 s1, s19  }
0x10: {  	s19 =	sadd.s32 s20, s19  }
0x11: {  	[tilespmem:s4], [sflag:$0x1] =	stream.strided.gather [hbm4b:s19+s8], $0x100, s9, s8, $0x38;
	[tilespmem:$0x3300] =	vst v63  }
0x12: {  	_ =	swait.ge [sflag:s10], $0x100  }
0x13: {  	[sflag:s10] =	ssyncset.done $0x0  }
0x14: {  	[sflag:s10] =	ssyncadd.s32 $0xFFFFFF00  }
0x15: {  	v17 =	vld [tilespmem:$0x0]  }
0x16: {  	v18 =	vld [tilespmem:$0x10];
	_ =	sdelay $0x1  }
0x17: {  	v19 =	vld [tilespmem:$0x20];
	_ =	sdelay $0x1  }
0x18: {  	v20 =	vld [tilespmem:$0x30];
	(xrf1) =	vsort.ascd.msk.f32 $0xffff, v17, v2  }
0x19: {  	(xrf1) =	vsort.ascd.msk.f32 $0xffff, v18, v21  }
0x1a: {  	v17 =	vld [tilespmem:$0x40]  }
0x1b: {  	v18 =	vld [tilespmem:$0x50];
	(xrf1) =	vsort.ascd.msk.f32 $0xffff, v19, v22  }
0x1c: {  	v19 =	vld [tilespmem:$0x60]  }
0x1d: {  	(xrf1) =	vsort.ascd.msk.f32 $0xffff, v20, v5;
	v20 =	vld [tilespmem:$0x70]  }
0x1e: {  	v21 =	vld [tilespmem:$0x80]  }
0x1f: {  	(xrf1) =	vsort.ascd.msk.f32 $0xffff, v17, v6;
	v17 =	vld [tilespmem:$0x90]  }
0x20: {  	(xrf1) =	vsort.ascd.msk.f32 $0xffff, v18, v7;
	v18 =	vld [tilespmem:$0xA0]  }
0x21: {  	v22 =	vld [tilespmem:$0xB0];
	(xrf1) =	vsort.ascd.msk.f32 $0xffff, v19, v8  }
0x22: {  	v19 =	vld [tilespmem:$0xC0];
	(xrf1) =	vsort.ascd.msk.f32 $0xffff, v20, v9  }
0x23: {  	v20 =	vld [tilespmem:$0xD0];
	(xrf1) =	vsort.ascd.msk.f32 $0xffff, v21, v10  }
0x24: {  	v21 =	vld [tilespmem:$0xE0];
	(xrf1) =	vsort.ascd.msk.f32 $0xffff, v17, v11  }
0x25: {  	v17 =	vld [tilespmem:$0xF0];
	(xrf1) =	vsort.ascd.msk.f32 $0xffff, v18, v12  }
0x26: {  	v18, v23, _ =	vpop (xrf1);
	(xrf1) =	vsort.ascd.msk.f32 $0xffff, v22, v13  }
0x27: {  	v22, v24, _ =	vpop (xrf1);
	(xrf1) =	vsort.ascd.msk.f32 $0xffff, v19, v14  }
0x28: {  	(xrf1) =	vsort.ascd.msk.f32 $0xffff, v20, v15;
	v19 =	vperm.xlane v22, v16  }
0x29: {  	v20, v22, _ =	vpop (xrf1);
	(xrf1) =	vsort.ascd.msk.f32 $0xffff, v21, v3;
	v21 =	vperm.xlane v24, v16  }
0x2a: {  	(xrf1) =	vsort.ascd.msk.f32 $0xffff, v17, v4;
	vm0 =	vle.f32 v18, v19  }
0x2b: {  	v62, v25, _ =	vpop (xrf1);
	v17 =	vmin.f32 v18, v19;
	v18 =	vmax.f32 v18, v19;
	v19 =	vsel vm0, v23, v21  }
0x2c: {  	v24 =	vperm.xlane v62, v16  }
0x2d: {  	v26, v27, _ =	vpop (xrf1);
	v21 =	vsel vm0, v21, v23;
	(xrf1) =	vsort.ascd.msk.f32 $0xffff, v17, v19;
	v17 =	vperm.xlane v25, v16  }
0x2e: {  	(xrf1) =	vsort.ascd.msk.f32 $0xffff, v18, v21;
	vm13 =	vle.f32 v20, v24;
	v19, v23, _ =	vpop (xrf1)  }
0x2f: {  	v18 =	vmin.f32 v20, v24;
	v21 =	vsel vm13, v22, v17;
	v19 =	vperm.xlane v19, v16  }
0x30: {  	(xrf1) =	vsort.ascd.msk.f32 $0xffff, v18, v21;
	v18 =	vperm.xlane v23, v16  }
0x31: {  	v20 =	vmax.f32 v20, v24;
	v17 =	vsel vm13, v17, v22;
	v29, v63, _ =	vpop (xrf1);
	vm14 =	vle.f32 v26, v19  }
0x32: {  	(xrf1) =	vsort.ascd.msk.f32 $0xffff, v20, v17;
	v21, v22, _ =	vpop (xrf1);
	v20 =	vsel vm14, v27, v18  }
0x33: {  	v17 =	vmin.f32 v26, v19;
	v19 =	vmax.f32 v26, v19;
	v21 =	vperm.xlane v21, v16  }
0x34: {  	v23, v30, _ =	vpop (xrf1);
	v18 =	vsel vm14, v18, v27;
	(xrf1) =	vsort.ascd.msk.f32 $0xffff, v17, v20;
	v17 =	vperm.xlane v22, v16  }
0x35: {  	vm15 =	vle.f32 v29, v21;
	v20, v22, _ =	vpop (xrf1);
	(xrf1) =	vsort.ascd.msk.f32 $0xffff, v19, v18;
	v18 =	vmin.f32 v29, v21  }
0x36: {  	v19 =	vmax.f32 v29, v21;
	v21 =	vsel vm15, v63, v17;
	v20 =	vperm.xlane v20, v16  }
0x37: {  	v17 =	vsel vm15, v17, v63;
	(xrf1) =	vsort.ascd.msk.f32 $0xffff, v18, v21;
	v18 =	vperm.xlane v22, v16  }
0x38: {  	v32, v31, _ =	vpop (xrf1);
	(xrf1) =	vsort.ascd.msk.f32 $0xffff, v19, v17;
	vm4 =	vle.f32 v23, v20  }
0x39: {  	v21, v22, _ =	vpop (xrf1);
	v17 =	vmin.f32 v23, v20;
	v19 =	vmax.f32 v23, v20;
	v20 =	vsel vm4, v30, v18  }
0x3a: {  	v21 =	vperm.xlane v21, v16  }
0x3b: {  	v23, v33, _ =	vpop (xrf1);
	v18 =	vsel vm4, v18, v30;
	(xrf1) =	vsort.ascd.msk.f32 $0xffff, v17, v20;
	v17 =	vperm.xlane v22, v16  }
0x3c: {  	vm5 =	vle.f32 v32, v21;
	v20, v22, _ =	vpop (xrf1);
	(xrf1) =	vsort.ascd.msk.f32 $0xffff, v19, v18  }
0x3d: {  	v18 =	vmin.f32 v32, v21;
	v19 =	vmax.f32 v32, v21;
	v21 =	vsel vm5, v31, v17  }
0x3e: {  	v20 =	vperm.xlane v20, v16  }
0x3f: {  	v17 =	vsel vm5, v17, v31;
	v35, v34, _ =	vpop (xrf1);
	(xrf1) =	vsort.ascd.msk.f32 $0xffff, v18, v21;
	v18 =	vperm.xlane v22, v16  }
0x40: {  	v21, v22, _ =	vpop (xrf1);
	(xrf1) =	vsort.ascd.msk.f32 $0xffff, v19, v17;
	vm6 =	vle.f32 v23, v20  }
0x41: {  	v17 =	vmin.f32 v23, v20;
	v20 =	vmax.f32 v23, v20;
	v23 =	vsel vm6, v33, v18;
	_ =	sdelay $0x1  }
0x42: {  	v19, v36, _ =	vpop (xrf1);
	v21 =	vperm.xlane v21, v16  }
0x43: {  	v18 =	vsel vm6, v18, v33;
	v28, v29, _ =	vpop (xrf1);
	(xrf1) =	vsort.ascd.msk.f32 $0xffff, v17, v23;
	v17 =	vperm.xlane v22, v16  }
0x44: {  	(xrf1) =	vsort.ascd.msk.f32 $0xffff, v20, v18;
	vm7 =	vle.f32 v35, v21;
	v22, v23, _ =	vpop (xrf1)  }
0x45: {  	v18 =	vmin.f32 v35, v21;
	v21 =	vmax.f32 v35, v21;
	v38 =	vsel vm7, v34, v17;
	v20, v37, _ =	vpop (xrf1)  }
0x46: {  	v17 =	vsel vm7, v17, v34;
	(xrf1) =	vsort.ascd.msk.f32 $0xffff, v18, v38;
	v18 =	vperm.xlane v20, v16  }
0x47: {  	(xrf1) =	vsort.ascd.msk.f32 $0xffff, v21, v17;
	v20 =	vperm.xlane v22, v16  }
0x48: {  	v21 =	vperm.xlane v23, v16;
	v17 =	vperm.xlane v37, v16;
	vm8 =	vle.f32 v19, v18  }
0x49: {  	v22 =	vmin.f32 v19, v18;
	v18 =	vmax.f32 v19, v18;
	vm1 =	vle.f32 v28, v20  }
0x4a: {  	v23 =	vmin.f32 v28, v20;
	v19 =	vsel vm8, v36, v17;
	v39 =	vsel vm1, v29, v21  }
0x4b: {  	vm9 =	vle.f32 v22, v23;
	v42 =	vmin.f32 v22, v23;
	v22 =	vmax.f32 v22, v23  }
0x4c: {  	v41, v40, _ =	vpop (xrf1);
	v43 =	vsel vm9, v19, v39;
	v19 =	vsel vm9, v39, v19  }
0x4d: {  	v30, v31, _ =	vpop (xrf1);
	v20 =	vmax.f32 v28, v20;
	v17 =	vsel vm8, v17, v36;
	v21 =	vsel vm1, v21, v29  }
0x4e: {  	vm10 =	vle.f32 v18, v20;
	v45 =	vmin.f32 v18, v20;
	(xrf1) =	vsort.ascd.msk.f32 $0xffff, v42, v43;
	v23, v44, _ =	vpop (xrf1)  }
0x4f: {  	v18 =	vmax.f32 v18, v20;
	v20 =	vsel vm10, v17, v21;
	(xrf1) =	vsort.ascd.msk.f32 $0xffff, v22, v19;
	v19, v22, _ =	vpop (xrf1)  }
0x50: {  	v17 =	vsel vm10, v21, v17;
	(xrf1) =	vsort.ascd.msk.f32 $0xffff, v45, v20;
	v19 =	vperm.xlane v19, v16  }
0x51: {  	(xrf1) =	vsort.ascd.msk.f32 $0xffff, v18, v17;
	v18 =	vperm.xlane v23, v16  }
0x52: {  	v20 =	vperm.xlane v44, v16;
	v17 =	vperm.xlane v22, v16;
	vm11 =	vle.f32 v41, v19  }
0x53: {  	v21 =	vmin.f32 v41, v19;
	v19 =	vmax.f32 v41, v19;
	vm12 =	vle.f32 v30, v18  }
0x54: {  	v23 =	vmin.f32 v30, v18;
	v18 =	vmax.f32 v30, v18;
	v22 =	vsel vm11, v40, v17  }
0x55: {  	v17 =	vsel vm11, v17, v40;
	v24 =	vsel vm12, v31, v20;
	vm13 =	vle.f32 v21, v23  }
0x56: {  	v46, v47, _ =	vpop (xrf1);
	v48 =	vmin.f32 v21, v23;
	v49 =	vsel vm13, v22, v24;
	v22 =	vsel vm13, v24, v22  }
0x57: {  	v50, v51, _ =	vpop (xrf1);
	v20 =	vsel vm12, v20, v31;
	v21 =	vmax.f32 v21, v23;
	(xrf1) =	vsort.ascd.msk.f32 $0xffff, v48, v49  }
0x58: {  	vm14 =	vle.f32 v19, v18;
	v23, v52, _ =	vpop (xrf1);
	(xrf1) =	vsort.ascd.msk.f32 $0xffff, v21, v22;
	v21 =	vmin.f32 v19, v18  }
0x59: {  	v18 =	vmax.f32 v19, v18;
	v19 =	vsel vm14, v17, v20;
	v17 =	vsel vm14, v20, v17;
	v22, v53, _ =	vpop (xrf1)  }
0x5a: {  	v20 =	vperm.xlane v23, v16;
	(xrf1) =	vsort.ascd.msk.f32 $0xffff, v21, v19;
	v19 =	vperm.xlane v22, v16  }
0x5b: {  	(xrf1) =	vsort.ascd.msk.f32 $0xffff, v18, v17;
	v17 =	vperm.xlane v53, v16;
	v18 =	vperm.xlane v52, v16  }
0x5c: {  	vm4 =	vle.f32 v50, v20;
	v23 =	vmin.f32 v50, v20;
	v20 =	vmax.f32 v50, v20  }
0x5d: {  	vm15 =	vle.f32 v46, v19;
	v21 =	vmin.f32 v46, v19;
	v19 =	vmax.f32 v46, v19  }
0x5e: {  	v24 =	vsel vm4, v51, v18;
	v18 =	vsel vm4, v18, v51;
	v22 =	vsel vm15, v47, v17  }
0x5f: {  	v54, v55, _ =	vpop (xrf1);
	v17 =	vsel vm15, v17, v47;
	vm5 =	vle.f32 v21, v23;
	v56 =	vmin.f32 v21, v23  }
0x60: {  	v59, v58, _ =	vpop (xrf1);
	v21 =	vmax.f32 v21, v23;
	v57 =	vsel vm5, v22, v24;
	v22 =	vsel vm5, v24, v22  }
0x61: {  	v23, v60, _ =	vpop (xrf1);
	vm6 =	vle.f32 v19, v20;
	v61 =	vmin.f32 v19, v20;
	v19 =	vmax.f32 v19, v20  }
0x62: {  	v20 =	vsel vm6, v17, v18;
	v23 =	vperm.xlane v23, v16;
	(xrf1) =	vsort.ascd.msk.f32 $0xffff, v56, v57  }
0x63: {  	v17 =	vsel vm6, v18, v17;
	v24 =	vperm.xlane v60, v16;
	(xrf1) =	vsort.ascd.msk.f32 $0xffff, v21, v22  }
0x64: {  	vm8 =	vle.f32 v59, v23;
	v46 =	vmin.f32 v59, v23;
	v23 =	vmax.f32 v59, v23;
	v21, v22, _ =	vpop (xrf1)  }
0x65: {  	(xrf1) =	vsort.ascd.msk.f32 $0xffff, v61, v20;
	v47 =	vsel vm8, v58, v24;
	v18 =	vperm.xlane v21, v16  }
0x66: {  	v24 =	vsel vm8, v24, v58;
	v20, v21, _ =	vpop (xrf1);
	(xrf1) =	vsort.ascd.msk.f32 $0xffff, v19, v17;
	v17 =	vperm.xlane v22, v16  }
0x67: {  	vm7 =	vle.f32 v54, v18;
	v44 =	vmin.f32 v54, v18;
	v18 =	vmax.f32 v54, v18  }
0x68: {  	v19, v22, _ =	vpop (xrf1);
	v45 =	vsel vm7, v55, v17;
	v17 =	vsel vm7, v17, v55;
	vm9 =	vle.f32 v44, v46  }
0x69: {  	v63, v62, _ =	vpop (xrf1);
	v48 =	vmin.f32 v44, v46;
	v26 =	vmax.f32 v44, v46;
	vm10 =	vle.f32 v18, v23  }
0x6a: {  	v51 =	vmin.f32 v18, v23;
	v18 =	vmax.f32 v18, v23;
	v32, v33, _ =	vpop (xrf1);
	v38 =	vsel vm9, v45, v47  }
0x6b: {  	v25 =	vsel vm9, v47, v45;
	v23 =	vsel vm10, v17, v24;
	v34, v35, _ =	vpop (xrf1);
	(xrf1) =	vsort.ascd.msk.f32 $0xffff, v48, v38  }
0x6c: {  	v17 =	vsel vm10, v24, v17;
	v36, v37, _ =	vpop (xrf1);
	(xrf1) =	vsort.ascd.msk.f32 $0xffff, v26, v25;
	v56 =	vperm.xlane v35, v16  }
0x6d: {  	v39, v40, _ =	vpop (xrf1);
	v54 =	vperm.xlane v36, v16;
	(xrf1) =	vsort.ascd.msk.f32 $0xffff, v51, v23;
	v23 =	vperm.xlane v34, v16  }
0x6e: {  	v50, v49, _ =	vpop (xrf1);
	v53 =	vperm.xlane v39, v16;
	(xrf1) =	vsort.ascd.msk.f32 $0xffff, v18, v17;
	v17 =	vperm.xlane v40, v16  }
0x6f: {  	v18 =	vperm.xlane v37, v16;
	v52 =	vperm.xlane v50, v16  }
0x70: {  	v55 =	vperm.xlane v49, v16;
	vm13 =	vle.f32 v63, v54;
	v27 =	vmax.f32 v63, v54  }
0x71: {  	vm14 =	vle.f32 v32, v23;
	vm12 =	vle.f32 v19, v53;
	v59 =	vmin.f32 v19, v53  }
0x72: {  	v19 =	vmax.f32 v19, v53;
	v61 =	vsel vm13, v62, v18;
	v18 =	vsel vm13, v18, v62  }
0x73: {  	v62 =	vmin.f32 v32, v23;
	v23 =	vmax.f32 v32, v23;
	v44 =	vsel vm14, v56, v33  }
0x74: {  	vm11 =	vle.f32 v20, v52;
	v57 =	vmin.f32 v20, v52;
	v20 =	vmax.f32 v20, v52  }
0x75: {  	v60 =	vsel vm12, v22, v17;
	v17 =	vsel vm12, v17, v22;
	v22 =	vmin.f32 v63, v54  }
0x76: {  	v63 =	vsel vm14, v33, v56;
	vm4 =	vle.f32 v59, v62;
	v38 =	vmin.f32 v59, v62  }
0x77: {  	v25 =	vmax.f32 v59, v62;
	vm8 =	vle.f32 v19, v23;
	v50 =	vmin.f32 v19, v23  }
0x78: {  	v19 =	vmax.f32 v19, v23;
	v58 =	vsel vm11, v21, v55;
	v21 =	vsel vm11, v55, v21  }
0x79: {  	vm15 =	vle.f32 v57, v22;
	v36 =	vmin.f32 v57, v22;
	v22 =	vmax.f32 v57, v22  }
0x7a: {  	v39 =	vsel vm4, v60, v63;
	v24 =	vsel vm4, v63, v60;
	vm7 =	vle.f32 v20, v27  }
0x7b: {  	v45 =	vmin.f32 v20, v27;
	v20 =	vmax.f32 v20, v27;
	v37 =	vsel vm15, v58, v61  }
0x7c: {  	v26 =	vsel vm15, v61, v58;
	vm5 =	vle.f32 v36, v38;
	v40 =	vmin.f32 v36, v38  }
0x7d: {  	v29 =	vmax.f32 v36, v38;
	vm6 =	vle.f32 v22, v25;
	v42 =	vmin.f32 v22, v25  }
0x7e: {  	v41 =	vsel vm5, v37, v39;
	v43 =	vsel vm6, v26, v24;
	v24 =	vsel vm6, v24, v26  }
0x7f: {  	v22 =	vmax.f32 v22, v25;
	v28 =	vsel vm5, v39, v37;
	(xrf1) =	vsort.ascd.msk.f32 $0xffff, v40, v41  }
0x80: {  	v23 =	vsel vm8, v17, v44;
	v17 =	vsel vm8, v44, v17;
	(xrf1) =	vsort.ascd.msk.f32 $0xffff, v29, v28  }
0x81: {  	v48 =	vsel vm7, v21, v18;
	v18 =	vsel vm7, v18, v21;
	(xrf1) =	vsort.ascd.msk.f32 $0xffff, v42, v43;
	v25, v26, _ =	vpop (xrf1)  }
0x82: {  	vm9 =	vle.f32 v45, v50;
	v53 =	vmin.f32 v45, v50;
	(xrf1) =	vsort.ascd.msk.f32 $0xffff, v22, v24;
	v22, v24, _ =	vpop (xrf1)  }
0x83: {  	vm10 =	vle.f32 v20, v19;
	v59 =	vmin.f32 v20, v19;
	v56 =	vsel vm9, v48, v23;
	v47, v46, _ =	vpop (xrf1)  }
0x84: {  	v23 =	vsel vm9, v23, v48;
	v29 =	vmax.f32 v45, v50;
	(xrf1) =	vsort.ascd.msk.f32 $0xffff, v53, v56;
	v21, v49, _ =	vpop (xrf1)  }
0x85: {  	v19 =	vmax.f32 v20, v19;
	v41 =	vsel vm10, v18, v17;
	(xrf1) =	vsort.ascd.msk.f32 $0xffff, v29, v23;
	v52, v51, _ =	vpop (xrf1)  }
0x86: {  	v17 =	vsel vm10, v17, v18;
	(xrf1) =	vsort.ascd.msk.f32 $0xffff, v59, v41;
	v54, v55, _ =	vpop (xrf1);
	v61 =	vperm.xlane v52, v16  }
0x87: {  	(xrf1) =	vsort.ascd.msk.f32 $0xffff, v19, v17;
	v63 =	vperm.xlane v51, v16;
	v58, v57, _ =	vpop (xrf1);
	v23 =	vperm.xlane v54, v16  }
0x88: {  	v62 =	vperm.xlane v55, v16;
	v20, v60, _ =	vpop (xrf1);
	v19 =	vperm.xlane v57, v16;
	vm14 =	vle.f32 v21, v61  }
0x89: {  	v41 =	vmin.f32 v21, v61;
	v21 =	vmax.f32 v21, v61;
	v18 =	vperm.xlane v20, v16  }
0x8a: {  	v20 =	vperm.xlane v58, v16;
	v17 =	vperm.xlane v60, v16;
	vm13 =	vle.f32 v47, v23  }
0x8b: {  	v39 =	vmin.f32 v47, v23;
	v23 =	vmax.f32 v47, v23;
	v42 =	vsel vm14, v49, v63  }
0x8c: {  	v31 =	vsel vm14, v63, v49;
	v40 =	vsel vm13, v46, v62;
	v29 =	vsel vm13, v62, v46  }
0x8d: {  	vm11 =	vle.f32 v25, v18;
	v36 =	vmin.f32 v25, v18;
	v18 =	vmax.f32 v25, v18  }
0x8e: {  	vm12 =	vle.f32 v22, v20;
	v38 =	vmin.f32 v22, v20;
	v20 =	vmax.f32 v22, v20  }
0x8f: {  	v37 =	vsel vm11, v26, v17;
	v17 =	vsel vm11, v17, v26;
	v22 =	vsel vm12, v24, v19  }
0x90: {  	v19 =	vsel vm12, v19, v24;
	vm15 =	vle.f32 v36, v39;
	v43 =	vmin.f32 v36, v39  }
0x91: {  	v24 =	vmax.f32 v36, v39;
	vm4 =	vle.f32 v38, v41;
	v45 =	vmin.f32 v38, v41  }
0x92: {  	v26 =	vmax.f32 v38, v41;
	vm7 =	vle.f32 v18, v23;
	vm8 =	vle.f32 v20, v21  }
0x93: {  	v51 =	vmin.f32 v20, v21;
	v44 =	vsel vm15, v37, v40;
	v25 =	vsel vm15, v40, v37  }
0x94: {  	v46 =	vsel vm4, v22, v42;
	v22 =	vsel vm4, v42, v22;
	vm5 =	vle.f32 v43, v45  }
0x95: {  	v47 =	vmin.f32 v43, v45;
	v27 =	vmax.f32 v43, v45;
	v48 =	vsel vm5, v44, v46  }
0x96: {  	vm6 =	vle.f32 v24, v26;
	v30 =	vsel vm5, v46, v44;
	(xrf1) =	vsort.ascd.msk.f32 $0xffff, v47, v48  }
0x97: {  	v49 =	vmin.f32 v24, v26;
	v50 =	vsel vm6, v25, v22;
	(xrf1) =	vsort.ascd.msk.f32 $0xffff, v27, v30  }
0x98: {  	v24 =	vmax.f32 v24, v26;
	v22 =	vsel vm6, v22, v25;
	(xrf1) =	vsort.ascd.msk.f32 $0xffff, v49, v50  }
0x99: {  	v20 =	vmax.f32 v20, v21;
	v21 =	vsel vm8, v19, v31;
	(xrf1) =	vsort.ascd.msk.f32 $0xffff, v24, v22  }
0x9a: {  	v22 =	vmin.f32 v18, v23;
	v18 =	vmax.f32 v18, v23;
	v23 =	vsel vm7, v17, v29  }
0x9b: {  	vm9 =	vle.f32 v22, v51;
	v52 =	vmin.f32 v22, v51;
	v22 =	vmax.f32 v22, v51  }
0x9c: {  	v53 =	vsel vm9, v23, v21;
	v21 =	vsel vm9, v21, v23  }
0x9d: {  	v19 =	vsel vm8, v31, v19;
	(xrf1) =	vsort.ascd.msk.f32 $0xffff, v52, v53  }
0x9e: {  	v23 =	vmin.f32 v18, v20  }
0x9f: {  	v17 =	vsel vm7, v29, v17;
	vm10 =	vle.f32 v18, v20;
	(xrf1) =	vsort.ascd.msk.f32 $0xffff, v22, v21;
	v21, v22, _ =	vpop (xrf1)  }
0xa0: {  	v54 =	vsel vm10, v17, v19;
	v18 =	vmax.f32 v18, v20;
	v17 =	vsel vm10, v19, v17;
	v19, v20, _ =	vpop (xrf1)  }
0xa1: {  	(xrf1) =	vsort.ascd.msk.f32 $0xffff, v23, v54;
	v23, v24, _ =	vpop (xrf1)  }
0xa2: {  	v25, v26, _ =	vpop (xrf1)  }
0xa3: {  	(xrf1) =	vsort.ascd.msk.f32 $0xffff, v18, v17;
	v27, v28, _ =	vpop (xrf1)  }
0xa4: {  	v29, v30, _ =	vpop (xrf1)  }
0xa5: {  	v31, v32, _ =	vpop (xrf1)  }
0xa6: {  	v18, v17, _ =	vpop (xrf1)  }
0xa7: {  	v56, v55, _ =	vpop (xrf1)  }
0xa8: {  	v58, v57, _ =	vpop (xrf1);
	v33 =	vperm.xlane v56, v16;
	v34 =	vperm.xlane v55, v16  }
0xa9: {  	v60, v59, _ =	vpop (xrf1);
	v35 =	vperm.xlane v58, v16;
	v36 =	vperm.xlane v57, v16  }
0xaa: {  	v61, v62, _ =	vpop (xrf1);
	v37 =	vperm.xlane v60, v16;
	v38 =	vperm.xlane v59, v16;
	vm0 =	vle.f32 v18, v33  }
0xab: {  	v63, v42, _ =	vpop (xrf1);
	v39 =	vperm.xlane v61, v16;
	v40 =	vperm.xlane v62, v16;
	vm5 =	vle.f32 v31, v35  }
0xac: {  	v57 =	vsel vm0, v17, v34;
	v17 =	vsel vm0, v34, v17;
	v41 =	vperm.xlane v63, v16  }
0xad: {  	v43, v44, _ =	vpop (xrf1);
	v42 =	vperm.xlane v42, v16;
	vm4 =	vle.f32 v29, v37;
	v56 =	vsel vm5, v32, v36  }
0xae: {  	v32 =	vsel vm5, v36, v32;
	v36 =	vmin.f32 v18, v33;
	v43 =	vperm.xlane v43, v16  }
0xaf: {  	v45, v46, _ =	vpop (xrf1);
	v44 =	vperm.xlane v44, v16;
	vm15 =	vle.f32 v27, v39;
	v55 =	vsel vm4, v30, v38  }
0xb0: {  	v30 =	vsel vm4, v38, v30;
	v38 =	vmin.f32 v31, v35;
	v45 =	vperm.xlane v45, v16  }
0xb1: {  	v47, v48, _ =	vpop (xrf1);
	v46 =	vperm.xlane v46, v16;
	vm14 =	vle.f32 v25, v41;
	v54 =	vsel vm15, v28, v40  }
0xb2: {  	v28 =	vsel vm15, v40, v28;
	v40 =	vmin.f32 v29, v37;
	v47 =	vperm.xlane v47, v16  }
0xb3: {  	v48 =	vperm.xlane v48, v16;
	vm13 =	vle.f32 v23, v43;
	v53 =	vsel vm14, v26, v42  }
0xb4: {  	v26 =	vsel vm14, v42, v26;
	v42 =	vmin.f32 v27, v39;
	vm12 =	vle.f32 v19, v45  }
0xb5: {  	v52 =	vsel vm13, v24, v44;
	v24 =	vsel vm13, v44, v24;
	v44 =	vmin.f32 v25, v41  }
0xb6: {  	vm11 =	vle.f32 v21, v47;
	v49 =	vmin.f32 v21, v47;
	v51 =	vsel vm12, v20, v46  }
0xb7: {  	v20 =	vsel vm12, v46, v20;
	v46 =	vmin.f32 v23, v43;
	vm8 =	vle.f32 v44, v36  }
0xb8: {  	v50 =	vsel vm11, v22, v48;
	v22 =	vsel vm11, v48, v22;
	v48 =	vmin.f32 v19, v45  }
0xb9: {  	vm6 =	vle.f32 v49, v42;
	v58 =	vmin.f32 v49, v42;
	vm2 =	vle.f32 v46, v38  }
0xba: {  	v62 =	vsel vm8, v53, v57;
	v53 =	vsel vm8, v57, v53;
	v19 =	vmax.f32 v19, v45  }
0xbb: {  	v45 =	vmax.f32 v49, v42;
	v49 =	vmax.f32 v46, v38;
	v59 =	vsel vm6, v50, v54  }
0xbc: {  	v50 =	vsel vm6, v54, v50;
	vm7 =	vle.f32 v48, v40;
	v54 =	vmin.f32 v48, v40  }
0xbd: {  	v61 =	vsel vm2, v52, v56;
	v52 =	vsel vm2, v56, v52;
	v56 =	vmin.f32 v44, v36  }
0xbe: {  	v36 =	vmax.f32 v44, v36;
	vm11 =	vle.f32 v45, v49;
	v60 =	vsel vm7, v51, v55  }
0xbf: {  	v51 =	vsel vm7, v55, v51;
	v55 =	vmin.f32 v46, v38;
	vm10 =	vle.f32 v54, v56  }
0xc0: {  	v63 =	vmin.f32 v54, v56;
	vm9 =	vle.f32 v58, v55;
	v57 =	vmin.f32 v58, v55  }
0xc1: {  	v1 =	vsel vm10, v60, v62;
	v38 =	vmax.f32 v58, v55;
	v58 =	vmax.f32 v54, v56  }
0xc2: {  	v0 =	vsel vm9, v59, v61;
	vm3 =	vle.f32 v57, v63;
	v59 =	vsel vm9, v61, v59  }
0xc3: {  	v61 =	vmin.f32 v57, v63;
	vm13 =	vle.f32 v38, v58;
	v54 =	vmax.f32 v57, v63  }
0xc4: {  	v55 =	vmin.f32 v38, v58;
	v38 =	vmax.f32 v38, v58;
	v2 =	vsel vm3, v0, v1  }
0xc5: {  	v0 =	vsel vm3, v1, v0;
	(xrf1) =	vsort.ascd.msk.f32 $0xffff, v61, v2;
	v2 =	vmax.f32 v21, v47  }
0xc6: {  	v21 =	vmax.f32 v23, v43;
	v23 =	vmax.f32 v25, v41;
	v25 =	vmax.f32 v27, v39  }
0xc7: {  	v27 =	vmax.f32 v29, v37;
	v29 =	vmax.f32 v31, v35;
	v47 =	vmax.f32 v48, v40  }
0xc8: {  	v61 =	vsel vm10, v62, v60;
	v62 =	vmin.f32 v45, v49;
	v31 =	vmax.f32 v45, v49  }
0xc9: {  	v48 =	vsel vm11, v50, v52;
	v49 =	vsel vm11, v52, v50;
	vm12 =	vle.f32 v47, v36  }
0xca: {  	v50 =	vmin.f32 v47, v36;
	v35 =	vmax.f32 v47, v36;
	v1 =	vsel vm13, v59, v61  }
0xcb: {  	v40 =	vsel vm13, v61, v59;
	(xrf1) =	vsort.ascd.msk.f32 $0xffff, v54, v0;
	vm4 =	vle.f32 v2, v25  }
0xcc: {  	vm5 =	vle.f32 v19, v27;
	v59 =	vmin.f32 v19, v27;
	v19 =	vmax.f32 v19, v27  }
0xcd: {  	vm6 =	vle.f32 v21, v29;
	v61 =	vmin.f32 v21, v29;
	v21 =	vmax.f32 v21, v29  }
0xce: {  	v52 =	vsel vm12, v51, v53;
	v53 =	vsel vm12, v53, v51;
	vm14 =	vle.f32 v62, v50  }
0xcf: {  	v0 =	vmin.f32 v62, v50;
	(xrf1) =	vsort.ascd.msk.f32 $0xffff, v55, v1;
	v1 =	vmax.f32 v62, v50  }
0xd0: {  	vm15 =	vle.f32 v31, v35;
	v60 =	vsel vm5, v20, v30;
	v20 =	vsel vm5, v30, v20  }
0xd1: {  	v62 =	vsel vm6, v24, v32;
	v56 =	vsel vm14, v48, v52;
	(xrf1) =	vsort.ascd.msk.f32 $0xffff, v38, v40  }
0xd2: {  	v24 =	vsel vm6, v32, v24;
	v36 =	vsel vm14, v52, v48;
	(xrf1) =	vsort.ascd.msk.f32 $0xffff, v0, v56  }
0xd3: {  	v57 =	vsel vm15, v49, v53;
	v0 =	vmin.f32 v31, v35;
	(xrf1) =	vsort.ascd.msk.f32 $0xffff, v1, v36  }
0xd4: {  	v58 =	vsel vm15, v53, v49;
	v1 =	vmax.f32 v31, v35;
	(xrf1) =	vsort.ascd.msk.f32 $0xffff, v0, v57  }
0xd5: {  	v0 =	vmax.f32 v18, v33;
	v18 =	vsel vm4, v22, v28;
	v22 =	vsel vm4, v28, v22  }
0xd6: {  	(xrf1) =	vsort.ascd.msk.f32 $0xffff, v1, v58;
	v1 =	vmin.f32 v2, v25;
	v2 =	vmax.f32 v2, v25  }
0xd7: {  	vm7 =	vle.f32 v23, v0;
	v63 =	vmin.f32 v23, v0;
	v0 =	vmax.f32 v23, v0  }
0xd8: {  	v23 =	vsel vm7, v26, v17;
	v17 =	vsel vm7, v17, v26;
	vm8 =	vle.f32 v1, v61  }
0xd9: {  	v40 =	vmin.f32 v1, v61;
	vm9 =	vle.f32 v59, v63;
	v41 =	vmin.f32 v59, v63  }
0xda: {  	v44 =	vsel vm8, v18, v62;
	v45 =	vsel vm9, v60, v23;
	vm10 =	vle.f32 v40, v41;
	v43, v42, _ =	vpop (xrf1)  }
0xdb: {  	v1 =	vmax.f32 v1, v61;
	v46 =	vmin.f32 v40, v41;
	v47 =	vsel vm10, v44, v45;
	[tilespmem:s14+$0xFFFFFF80] =	vst v43  }
0xdc: {  	v25 =	vmax.f32 v59, v63;
	vm11 =	vle.f32 v2, v21;
	(xrf1) =	vsort.ascd.msk.f32 $0xffff, v46, v47;
	v49, v48, _ =	vpop (xrf1);
	[tilespmem:$0x1900] =	vst v42  }
0xdd: {  	v18 =	vsel vm8, v62, v18;
	v26 =	vmax.f32 v40, v41;
	v50 =	vsel vm10, v45, v44;
	[tilespmem:s14+$0xFFFFFF90] =	vst v49  }
0xde: {  	v23 =	vsel vm9, v23, v60;
	vm12 =	vle.f32 v1, v25;
	(xrf1) =	vsort.ascd.msk.f32 $0xffff, v26, v50;
	v52, v51, _ =	vpop (xrf1);
	[tilespmem:$0x1910] =	vst v48  }
0xdf: {  	v53 =	vmin.f32 v2, v21;
	v54 =	vmin.f32 v1, v25;
	v55 =	vsel vm12, v18, v23;
	[tilespmem:s14+$0xFFFFFFA0] =	vst v52  }
0xe0: {  	vm13 =	vle.f32 v19, v0;
	v59 =	vmin.f32 v19, v0;
	(xrf1) =	vsort.ascd.msk.f32 $0xffff, v54, v55;
	v57, v56, _ =	vpop (xrf1);
	[tilespmem:$0x1920] =	vst v51  }
0xe1: {  	v58 =	vsel vm11, v22, v24;
	v1 =	vmax.f32 v1, v25;
	v18 =	vsel vm12, v23, v18;
	[tilespmem:s14+$0xFFFFFFB0] =	vst v57  }
0xe2: {  	v61 =	vsel vm13, v20, v17;
	vm14 =	vle.f32 v53, v59;
	v23, v60, _ =	vpop (xrf1);
	(xrf1) =	vsort.ascd.msk.f32 $0xffff, v1, v18;
	[tilespmem:$0x1930] =	vst v56  }
0xe3: {  	v1 =	vmin.f32 v53, v59;
	v18 =	vsel vm14, v58, v61;
	[tilespmem:s14+$0xFFFFFFC0] =	vst v23  }
0xe4: {  	v0 =	vmax.f32 v19, v0;
	v22 =	vsel vm11, v24, v22;
	v62, v63, _ =	vpop (xrf1);
	(xrf1) =	vsort.ascd.msk.f32 $0xffff, v1, v18;
	[tilespmem:$0x1940] =	vst v60  }
0xe5: {  	v1 =	vmax.f32 v2, v21;
	v2 =	vmax.f32 v53, v59;
	v23 =	vsel vm14, v61, v58;
	[tilespmem:s14+$0xFFFFFFD0] =	vst v62  }
0xe6: {  	v17 =	vsel vm13, v17, v20;
	vm15 =	vle.f32 v1, v0;
	v18, v19, _ =	vpop (xrf1);
	(xrf1) =	vsort.ascd.msk.f32 $0xffff, v2, v23;
	[tilespmem:$0x1950] =	vst v63  }
0xe7: {  	v20 =	vsel vm15, v22, v17;
	v2 =	vmin.f32 v1, v0;
	[tilespmem:s14+$0xFFFFFFE0] =	vst v18  }
0xe8: {  	v0 =	vmax.f32 v1, v0;
	v1 =	vsel vm15, v17, v22;
	v18, v21, _ =	vpop (xrf1);
	(xrf1) =	vsort.ascd.msk.f32 $0xffff, v2, v20;
	[tilespmem:$0x1960] =	vst v19  }
0xe9: {  	[tilespmem:s14+$0xFFFFFFF0] =	vst v18  }
0xea: {  	v2, v17, _ =	vpop (xrf1);
	(xrf1) =	vsort.ascd.msk.f32 $0xffff, v0, v1;
	[tilespmem:$0x1970] =	vst v21  }
0xeb: {  	[tilespmem:s14+$0x0] =	vst v2  }
0xec: {  	v0, v1, _ =	vpop (xrf1);
	[tilespmem:$0x1980] =	vst v17  }
0xed: {  	[tilespmem:s14+$0x10] =	vst v0  }
0xee: {  	v0, v2, _ =	vpop (xrf1);
	[tilespmem:$0x1990] =	vst v1  }
0xef: {  	[tilespmem:s14+$0x20] =	vst v0  }
0xf0: {  	v0, v1, _ =	vpop (xrf1);
	[tilespmem:$0x19A0] =	vst v2  }
0xf1: {  	[tilespmem:s14+$0x30] =	vst v0  }
0xf2: {  	v0, v2, _ =	vpop (xrf1);
	[tilespmem:$0x19B0] =	vst v1  }
0xf3: {  	[tilespmem:s14+$0x40] =	vst v0  }
0xf4: {  	v0, v1, _ =	vpop (xrf1);
	[tilespmem:$0x19C0] =	vst v2  }
0xf5: {  	[tilespmem:s14+$0x50] =	vst v0  }
0xf6: {  	v0, v2, _ =	vpop (xrf1);
	[tilespmem:$0x19D0] =	vst v1  }
0xf7: {  	[tilespmem:s14+$0x60] =	vst v0  }
0xf8: {  	s30 =	sand.u32 $0x3F800, s16;
	v0, v1, _ =	vpop (xrf1);
	[tilespmem:$0x19E0] =	vst v2  }
0xf9: {  	s31 =	sand.u32 $0x380, s17;
	p0 =	sne.s32 s18, $0x170;
	s19 =	sadd.s32 s30, s3;
	[tilespmem:s14+$0x70] =	vst v0  }
.Ltmp0:
0xfa: {  	s19 =	sadd.s32 s31, s19;
	[tilespmem:$0x19F0] =	vst v1;
	(pc) =	sbr.rel @p0 .LBB2_2-.Ltmp0, $4  }
0xfb: {  	v22 =	vld [tilespmem:$0x1FFF0];
	[spmem:s19] =	stream.strided.scatter [tilespmem:s11], [sflag:$0x1], $0x100, s9, s8, $0x38  }
0xfc: {  	s17 =	sadd.s32 $0x80, s17;
	v21 =	vld [tilespmem:$0x1FFE0];
	_ =	swait.ge [sflag:s10], $0x100  }
0xfd: {  	s16 =	sadd.s32 $0x100, s16;
	s15 =	sadd.s32 $0x20, s15;
	[sflag:s10] =	ssyncset.done $0x0  }
0xfe: {  	s18 =	sadd.s32 $0x10, s18;
	v2 =	vlaneseq.u32;
	s14 =	sadd.s32 $0x100, s14;
	[sflag:s10] =	ssyncadd.s32 $0xFFFFFF00  }
0xff: {  	[bflag:$0x0] =	sbarrier.arrive $0xFFFF;
	s14 =	simm.s32 $0x0  }
0x100: {  	s15 =	simm.s32 $0x180;
	s16 =	smov.u32 s7;
	s17 =	simm.s32 $0x0  }
.LBB2_4:
0x101: {  	s18 =	rddreg [dreg:$0x4]  }
0x102: {  	s18 =	sadd.s32 s17, s18  }
0x103: {  	s20 =	sadd.s32 $0x1, s18  }
0x104: {  	s19 =	sand.u32 $0x3C0, s18;
	s21 =	sand.u32 $0x38, s20  }
0x105: {  	s21 =	sor.u32 s19, s21  }
0x106: {  	s20 =	sshll.u32 s20, $0x7;
	s21 =	sshll.u32 s21, $0x8  }
0x107: {  	s20 =	sand.u32 $0x380, s20;
	s21 =	sadd.s32 s21, s3  }
0x108: {  	s20 =	sadd.s32 s20, s21  }
0x109: {  	[tilespmem:s11], [sflag:$0x1] =	stream.strided.gather [spmem:s20], $0x100, s9, s8, $0x38;
	[tilespmem:$0x3300] =	vst v63  }
0x10a: {  	_ =	swait.ge [sflag:s10], $0x100  }
0x10b: {  	[sflag:s10] =	ssyncset.done $0x0  }
0x10c: {  	[sflag:s10] =	ssyncadd.s32 $0xFFFFFF00  }
0x10d: {  	v0 =	vld [tilespmem:$0x1900];
	_ =	sdelay $0x2  }
0x10e: {  	v1 =	vld [tilespmem:s15+$0xFFFFFF80];
	_ =	sdelay $0x4  }
0x10f: {  	[tilespmem:v0+s12+$0x0] =	vst.idx.msk $0xffff, v1  }
0x110: {  	v0 =	vld [tilespmem:$0x1910];
	_ =	sdelay $0x2  }
0x111: {  	v1 =	vld [tilespmem:s15+$0xFFFFFF90];
	_ =	sdelay $0x4  }
0x112: {  	[tilespmem:v0+s12+$0x0] =	vst.idx.msk $0xffff, v1  }
0x113: {  	v0 =	vld [tilespmem:$0x1920];
	_ =	sdelay $0x2  }
0x114: {  	v1 =	vld [tilespmem:s15+$0xFFFFFFA0];
	_ =	sdelay $0x4  }
0x115: {  	[tilespmem:v0+s12+$0x0] =	vst.idx.msk $0xffff, v1  }
0x116: {  	v0 =	vld [tilespmem:$0x1930];
	_ =	sdelay $0x2  }
0x117: {  	v1 =	vld [tilespmem:s15+$0xFFFFFFB0];
	_ =	sdelay $0x4  }
0x118: {  	[tilespmem:v0+s12+$0x0] =	vst.idx.msk $0xffff, v1  }
0x119: {  	v0 =	vld [tilespmem:$0x1940];
	_ =	sdelay $0x2  }
0x11a: {  	v1 =	vld [tilespmem:s15+$0xFFFFFFC0];
	_ =	sdelay $0x4  }
0x11b: {  	[tilespmem:v0+s12+$0x0] =	vst.idx.msk $0xffff, v1  }
0x11c: {  	v0 =	vld [tilespmem:$0x1950];
	_ =	sdelay $0x2  }
0x11d: {  	v1 =	vld [tilespmem:s15+$0xFFFFFFD0];
	_ =	sdelay $0x4  }
0x11e: {  	[tilespmem:v0+s12+$0x0] =	vst.idx.msk $0xffff, v1  }
0x11f: {  	v0 =	vld [tilespmem:$0x1960];
	_ =	sdelay $0x2  }
0x120: {  	v1 =	vld [tilespmem:s15+$0xFFFFFFE0];
	_ =	sdelay $0x4  }
0x121: {  	[tilespmem:v0+s12+$0x0] =	vst.idx.msk $0xffff, v1  }
0x122: {  	v0 =	vld [tilespmem:$0x1970];
	_ =	sdelay $0x2  }
0x123: {  	v1 =	vld [tilespmem:s15+$0xFFFFFFF0];
	_ =	sdelay $0x4  }
0x124: {  	[tilespmem:v0+s12+$0x0] =	vst.idx.msk $0xffff, v1  }
0x125: {  	v0 =	vld [tilespmem:$0x1980];
	_ =	sdelay $0x2  }
0x126: {  	v1 =	vld [tilespmem:s15+$0x0];
	_ =	sdelay $0x4  }
0x127: {  	[tilespmem:v0+s12+$0x0] =	vst.idx.msk $0xffff, v1  }
0x128: {  	v0 =	vld [tilespmem:$0x1990];
	_ =	sdelay $0x2  }
0x129: {  	v1 =	vld [tilespmem:s15+$0x10];
	_ =	sdelay $0x4  }
0x12a: {  	[tilespmem:v0+s12+$0x0] =	vst.idx.msk $0xffff, v1  }
0x12b: {  	v0 =	vld [tilespmem:$0x19A0];
	_ =	sdelay $0x2  }
0x12c: {  	v1 =	vld [tilespmem:s15+$0x20];
	_ =	sdelay $0x4  }
0x12d: {  	[tilespmem:v0+s12+$0x0] =	vst.idx.msk $0xffff, v1  }
0x12e: {  	v0 =	vld [tilespmem:$0x19B0];
	_ =	sdelay $0x2  }
0x12f: {  	v1 =	vld [tilespmem:s15+$0x30];
	_ =	sdelay $0x4  }
0x130: {  	[tilespmem:v0+s12+$0x0] =	vst.idx.msk $0xffff, v1  }
0x131: {  	v0 =	vld [tilespmem:$0x19C0];
	_ =	sdelay $0x2  }
0x132: {  	v1 =	vld [tilespmem:s15+$0x40];
	_ =	sdelay $0x4  }
0x133: {  	[tilespmem:v0+s12+$0x0] =	vst.idx.msk $0xffff, v1  }
0x134: {  	v0 =	vld [tilespmem:$0x19D0];
	_ =	sdelay $0x2  }
0x135: {  	v1 =	vld [tilespmem:s15+$0x50];
	_ =	sdelay $0x4  }
0x136: {  	[tilespmem:v0+s12+$0x0] =	vst.idx.msk $0xffff, v1  }
0x137: {  	v0 =	vld [tilespmem:$0x19E0];
	_ =	sdelay $0x2  }
0x138: {  	v1 =	vld [tilespmem:s15+$0x60];
	_ =	sdelay $0x4  }
0x139: {  	[tilespmem:v0+s12+$0x0] =	vst.idx.msk $0xffff, v1  }
0x13a: {  	v0 =	vld [tilespmem:$0x19F0];
	_ =	sdelay $0x2  }
0x13b: {  	s25 =	sadd.s32 $0x2, s18;
	v1 =	vld [tilespmem:s15+$0x70]  }
0x13c: {  	s26 =	sand.u32 $0x38, s25  }
0x13d: {  	s21 =	sor.u32 s19, s26  }
0x13e: {  	s21 =	sshll.u32 s21, $0x8;
	s20 =	sshll.u32 s25, $0x7  }
0x13f: {  	s20 =	sand.u32 $0x380, s20;
	s21 =	sadd.s32 s21, s3  }
0x140: {  	s20 =	sadd.s32 s20, s21;
	[tilespmem:v0+s12+$0x0] =	vst.idx.msk $0xffff, v1  }
0x141: {  	[tilespmem:s11], [sflag:$0x1] =	stream.strided.gather [spmem:s20], $0x100, s9, s8, $0x38;
	[tilespmem:$0x3300] =	vst v63  }
0x142: {  	_ =	swait.ge [sflag:s10], $0x100  }
0x143: {  	[sflag:s10] =	ssyncset.done $0x0  }
0x144: {  	[sflag:s10] =	ssyncadd.s32 $0xFFFFFF00  }
0x145: {  	v0 =	vld [tilespmem:$0x1900];
	_ =	sdelay $0x2  }
0x146: {  	v1 =	vld [tilespmem:s15+$0xFFFFFF80];
	_ =	sdelay $0x4  }
0x147: {  	[tilespmem:v0+s12+$0x0] =	vst.idx.add.f32.msk $0xffff, v1  }
0x148: {  	v0 =	vld [tilespmem:$0x1910];
	_ =	sdelay $0x2  }
0x149: {  	v1 =	vld [tilespmem:s15+$0xFFFFFF90];
	_ =	sdelay $0x4  }
0x14a: {  	[tilespmem:v0+s12+$0x0] =	vst.idx.add.f32.msk $0xffff, v1  }
0x14b: {  	v0 =	vld [tilespmem:$0x1920];
	_ =	sdelay $0x2  }
0x14c: {  	v1 =	vld [tilespmem:s15+$0xFFFFFFA0];
	_ =	sdelay $0x4  }
0x14d: {  	[tilespmem:v0+s12+$0x0] =	vst.idx.add.f32.msk $0xffff, v1  }
0x14e: {  	v0 =	vld [tilespmem:$0x1930];
	_ =	sdelay $0x2  }
0x14f: {  	v1 =	vld [tilespmem:s15+$0xFFFFFFB0];
	_ =	sdelay $0x4  }
0x150: {  	[tilespmem:v0+s12+$0x0] =	vst.idx.add.f32.msk $0xffff, v1  }
0x151: {  	v0 =	vld [tilespmem:$0x1940];
	_ =	sdelay $0x2  }
0x152: {  	v1 =	vld [tilespmem:s15+$0xFFFFFFC0];
	_ =	sdelay $0x4  }
0x153: {  	[tilespmem:v0+s12+$0x0] =	vst.idx.add.f32.msk $0xffff, v1  }
0x154: {  	v0 =	vld [tilespmem:$0x1950];
	_ =	sdelay $0x2  }
0x155: {  	v1 =	vld [tilespmem:s15+$0xFFFFFFD0];
	_ =	sdelay $0x4  }
0x156: {  	[tilespmem:v0+s12+$0x0] =	vst.idx.add.f32.msk $0xffff, v1  }
0x157: {  	v0 =	vld [tilespmem:$0x1960];
	_ =	sdelay $0x2  }
0x158: {  	v1 =	vld [tilespmem:s15+$0xFFFFFFE0];
	_ =	sdelay $0x4  }
0x159: {  	[tilespmem:v0+s12+$0x0] =	vst.idx.add.f32.msk $0xffff, v1  }
0x15a: {  	v0 =	vld [tilespmem:$0x1970];
	_ =	sdelay $0x2  }
0x15b: {  	v1 =	vld [tilespmem:s15+$0xFFFFFFF0];
	_ =	sdelay $0x4  }
0x15c: {  	[tilespmem:v0+s12+$0x0] =	vst.idx.add.f32.msk $0xffff, v1  }
0x15d: {  	v0 =	vld [tilespmem:$0x1980];
	_ =	sdelay $0x2  }
0x15e: {  	v1 =	vld [tilespmem:s15+$0x0];
	_ =	sdelay $0x4  }
0x15f: {  	[tilespmem:v0+s12+$0x0] =	vst.idx.add.f32.msk $0xffff, v1  }
0x160: {  	v0 =	vld [tilespmem:$0x1990];
	_ =	sdelay $0x2  }
0x161: {  	v1 =	vld [tilespmem:s15+$0x10];
	_ =	sdelay $0x4  }
0x162: {  	[tilespmem:v0+s12+$0x0] =	vst.idx.add.f32.msk $0xffff, v1  }
0x163: {  	v0 =	vld [tilespmem:$0x19A0];
	_ =	sdelay $0x2  }
0x164: {  	v1 =	vld [tilespmem:s15+$0x20];
	_ =	sdelay $0x4  }
0x165: {  	[tilespmem:v0+s12+$0x0] =	vst.idx.add.f32.msk $0xffff, v1  }
0x166: {  	v0 =	vld [tilespmem:$0x19B0];
	_ =	sdelay $0x2  }
0x167: {  	v1 =	vld [tilespmem:s15+$0x30];
	_ =	sdelay $0x4  }
0x168: {  	[tilespmem:v0+s12+$0x0] =	vst.idx.add.f32.msk $0xffff, v1  }
0x169: {  	v0 =	vld [tilespmem:$0x19C0];
	_ =	sdelay $0x2  }
0x16a: {  	v1 =	vld [tilespmem:s15+$0x40];
	_ =	sdelay $0x4  }
0x16b: {  	[tilespmem:v0+s12+$0x0] =	vst.idx.add.f32.msk $0xffff, v1  }
0x16c: {  	v0 =	vld [tilespmem:$0x19D0];
	_ =	sdelay $0x2  }
0x16d: {  	v1 =	vld [tilespmem:s15+$0x50];
	_ =	sdelay $0x4  }
0x16e: {  	[tilespmem:v0+s12+$0x0] =	vst.idx.add.f32.msk $0xffff, v1  }
0x16f: {  	v0 =	vld [tilespmem:$0x19E0];
	_ =	sdelay $0x2  }
0x170: {  	v1 =	vld [tilespmem:s15+$0x60];
	_ =	sdelay $0x4  }
0x171: {  	[tilespmem:v0+s12+$0x0] =	vst.idx.add.f32.msk $0xffff, v1  }
0x172: {  	v0 =	vld [tilespmem:$0x19F0];
	_ =	sdelay $0x2  }
0x173: {  	s18 =	sadd.s32 $0x3, s18;
	v1 =	vld [tilespmem:s15+$0x70]  }
0x174: {  	s28 =	sand.u32 $0x38, s18  }
0x175: {  	s19 =	sor.u32 s19, s28  }
0x176: {  	s18 =	sshll.u32 s18, $0x7;
	s19 =	sshll.u32 s19, $0x8  }
0x177: {  	s18 =	sand.u32 $0x380, s18;
	s19 =	sadd.s32 s19, s3  }
0x178: {  	s18 =	sadd.s32 s18, s19;
	[tilespmem:v0+s12+$0x0] =	vst.idx.add.f32.msk $0xffff, v1  }
0x179: {  	[tilespmem:s11], [sflag:$0x1] =	stream.strided.gather [spmem:s18], $0x100, s9, s8, $0x38;
	[tilespmem:$0x3300] =	vst v63  }
0x17a: {  	_ =	swait.ge [sflag:s10], $0x100  }
0x17b: {  	[sflag:s10] =	ssyncset.done $0x0  }
0x17c: {  	[sflag:s10] =	ssyncadd.s32 $0xFFFFFF00  }
0x17d: {  	v0 =	vld [tilespmem:$0x1900];
	_ =	sdelay $0x2  }
0x17e: {  	v1 =	vld [tilespmem:s15+$0xFFFFFF80];
	_ =	sdelay $0x4  }
0x17f: {  	[tilespmem:v0+s12+$0x0] =	vst.idx.add.f32.msk $0xffff, v1  }
0x180: {  	v0 =	vld [tilespmem:$0x1910];
	_ =	sdelay $0x2  }
0x181: {  	v1 =	vld [tilespmem:s15+$0xFFFFFF90];
	_ =	sdelay $0x4  }
0x182: {  	[tilespmem:v0+s12+$0x0] =	vst.idx.add.f32.msk $0xffff, v1  }
0x183: {  	v0 =	vld [tilespmem:$0x1920];
	_ =	sdelay $0x2  }
0x184: {  	v1 =	vld [tilespmem:s15+$0xFFFFFFA0];
	_ =	sdelay $0x4  }
0x185: {  	[tilespmem:v0+s12+$0x0] =	vst.idx.add.f32.msk $0xffff, v1  }
0x186: {  	v0 =	vld [tilespmem:$0x1930];
	_ =	sdelay $0x2  }
0x187: {  	v1 =	vld [tilespmem:s15+$0xFFFFFFB0];
	_ =	sdelay $0x4  }
0x188: {  	[tilespmem:v0+s12+$0x0] =	vst.idx.add.f32.msk $0xffff, v1  }
0x189: {  	v0 =	vld [tilespmem:$0x1940];
	_ =	sdelay $0x2  }
0x18a: {  	v1 =	vld [tilespmem:s15+$0xFFFFFFC0];
	_ =	sdelay $0x4  }
0x18b: {  	[tilespmem:v0+s12+$0x0] =	vst.idx.add.f32.msk $0xffff, v1  }
0x18c: {  	v0 =	vld [tilespmem:$0x1950];
	_ =	sdelay $0x2  }
0x18d: {  	v1 =	vld [tilespmem:s15+$0xFFFFFFD0];
	_ =	sdelay $0x4  }
0x18e: {  	[tilespmem:v0+s12+$0x0] =	vst.idx.add.f32.msk $0xffff, v1  }
0x18f: {  	v0 =	vld [tilespmem:$0x1960];
	_ =	sdelay $0x2  }
0x190: {  	v1 =	vld [tilespmem:s15+$0xFFFFFFE0];
	_ =	sdelay $0x4  }
0x191: {  	[tilespmem:v0+s12+$0x0] =	vst.idx.add.f32.msk $0xffff, v1  }
0x192: {  	v0 =	vld [tilespmem:$0x1970];
	_ =	sdelay $0x2  }
0x193: {  	v1 =	vld [tilespmem:s15+$0xFFFFFFF0];
	_ =	sdelay $0x4  }
0x194: {  	[tilespmem:v0+s12+$0x0] =	vst.idx.add.f32.msk $0xffff, v1  }
0x195: {  	v0 =	vld [tilespmem:$0x1980];
	_ =	sdelay $0x2  }
0x196: {  	v1 =	vld [tilespmem:s15+$0x0];
	_ =	sdelay $0x4  }
0x197: {  	[tilespmem:v0+s12+$0x0] =	vst.idx.add.f32.msk $0xffff, v1  }
0x198: {  	v0 =	vld [tilespmem:$0x1990];
	_ =	sdelay $0x2  }
0x199: {  	v1 =	vld [tilespmem:s15+$0x10];
	_ =	sdelay $0x4  }
0x19a: {  	[tilespmem:v0+s12+$0x0] =	vst.idx.add.f32.msk $0xffff, v1  }
0x19b: {  	v0 =	vld [tilespmem:$0x19A0];
	_ =	sdelay $0x2  }
0x19c: {  	v1 =	vld [tilespmem:s15+$0x20];
	_ =	sdelay $0x4  }
0x19d: {  	[tilespmem:v0+s12+$0x0] =	vst.idx.add.f32.msk $0xffff, v1  }
0x19e: {  	v0 =	vld [tilespmem:$0x19B0];
	_ =	sdelay $0x2  }
0x19f: {  	v1 =	vld [tilespmem:s15+$0x30];
	_ =	sdelay $0x4  }
0x1a0: {  	[tilespmem:v0+s12+$0x0] =	vst.idx.add.f32.msk $0xffff, v1  }
0x1a1: {  	v0 =	vld [tilespmem:$0x19C0];
	_ =	sdelay $0x2  }
0x1a2: {  	v1 =	vld [tilespmem:s15+$0x40];
	_ =	sdelay $0x4  }
0x1a3: {  	[tilespmem:v0+s12+$0x0] =	vst.idx.add.f32.msk $0xffff, v1  }
0x1a4: {  	v0 =	vld [tilespmem:$0x19D0];
	_ =	sdelay $0x2  }
0x1a5: {  	v1 =	vld [tilespmem:s15+$0x50];
	_ =	sdelay $0x4  }
0x1a6: {  	[tilespmem:v0+s12+$0x0] =	vst.idx.add.f32.msk $0xffff, v1  }
0x1a7: {  	v0 =	vld [tilespmem:$0x19E0];
	_ =	sdelay $0x2  }
0x1a8: {  	v1 =	vld [tilespmem:s15+$0x60];
	_ =	sdelay $0x4  }
0x1a9: {  	[tilespmem:v0+s12+$0x0] =	vst.idx.add.f32.msk $0xffff, v1  }
0x1aa: {  	v0 =	vld [tilespmem:$0x19F0];
	_ =	sdelay $0x2  }
0x1ab: {  	v1 =	vld [tilespmem:s15+$0x70];
	_ =	sdelay $0x2  }
0x1ac: {  	s30 =	sand.u32 $0x70, s14;
	s29 =	rddreg [dreg:$0x5]  }
0x1ad: {  	s31 =	sand.u32 $0xFF00, s16;
	p0 =	sne.s32 s17, $0x17;
	s18 =	sadd.s32 s29, s30  }
.Ltmp1:
0x1ae: {  	s18 =	sadd.s32 s31, s18;
	[tilespmem:v0+s12+$0x0] =	vst.idx.add.f32.msk $0xffff, v1;
	(pc) =	sbr.rel @p0 .LBB2_4-.Ltmp1, $4  }
0x1af: {  	[hbm4b:s18+s8] =	stream.strided.scatter [tilespmem:s12], [sflag:$0x1], $0x100, s9, s8, $0x38;
	[tilespmem:$0x3300] =	vst v63  }
0x1b0: {  	_ =	swait.ge [sflag:s10], $0x100  }
0x1b1: {  	s14 =	sadd.s32 $0x10, s14;
	s16 =	sadd.s32 $0x20, s16;
	[sflag:s10] =	ssyncset.done $0x0  }
0x1b2: {  	s17 =	sadd.s32 $0x1, s17;
	s15 =	sadd.s32 $0x100, s15;
	[sflag:s10] =	ssyncadd.s32 $0xFFFFFF00  }
0x1b3: {  	s13 =	sadd.s32 $0x1, s13  }
0x1b4: {  	p0 =	sne.s32 s13, s5  }
.Ltmp2:
0x1b5: {  	_ = 	snop;
	(pc) =	sbr.rel @p0 .LBB2_1-.Ltmp2, $1  }
0x1b6: {  	_ =	sdelay $0x3  }
0x1b7: {  	_ =	sfence.sel $0x180000  }
0x1b8: {  	[bflag:$0x0] =	sbarrier.arrive $0xFFFF  }
0x1b9: {  	p0 =	sne.s32 s2, $0x0;
	_ =	strace $0x90000047  }
0x1ba: {  	s0 =	sadd.s32 @!p0 $0x100000, s0;
	[bflag:$0x2] =	sbarrier.arrive $0xFFFF  }
0x1bb: {  	[sflag:s0] =	ssyncadd.tile.s32 @!p0 $0x1;
	_ =	shalt  }
.Lfunc_end2:
_tile_overlayer_lowered:
.L_overlay_start_2:
0x1bc: {  	(tag) =	ssettag $0x2  }
0x1bd: {  	s0 =	rddreg [dreg:$0x0];
	s2 =	stileid.u32  }
0x1be: {  	s1 =	rddreg [dreg:$0x1];
	p0 =	sne.s32 s2, $0x0  }
0x1bf: {  	s3 =	rddreg [dreg:$0x2];
	[bflag:$0x3] =	sbarrier.arrive $0xFFFF;
	s2 =	simm.s32 @!p0 $0x1C01  }
0x1c0: {  	[timem:s3], [sflag:s2] =	dma.local @!p0 [hbm:s0], s1  }
0x1c1: {  	s0 =	simm.s32 @!p0 $0x1  }
0x1c2: {  	_ =	swait.ge @!p0 [sflag:s0], s1  }
0x1c3: {  	s1 =	ssub.s32 @!p0 $0x0, s1;
	[sflag:s0] =	ssyncset.done @!p0 $0x0  }
0x1c4: {  	[sflag:s0] =	ssyncadd.s32 @!p0 s1  }
0x1c5: {  	[bflag:$0x3] =	sbarrier.arrive $0xFFFF  }
0x1c6: {  	_ =	shalt  }

</sc_bundles>
